<compile_context>
chip_gen: v7x
topology: tpu7x:2x2x1
jax: 0.10.2.dev20260603
libtpu: 0.0.44.dev20260713+nightly
codegen_flags: <defaults>
</compile_context>

<pallas_src>
import functools

import jax
import jax.numpy as jnp
from jax import lax
from jax.experimental import pallas as pl
from jax.experimental.pallas import tpu as pltpu
from jax.experimental.pallas import tpu_sc as plsc

N = 10000
E = 320000
D = 128
HD = D // 2
G = 64
EPS = 1e-5

NC = 2
NS = 16
NPAD = 10240
K = 128
NCH = 160
EPT = NCH * K
EPAD = NS * EPT
RPT = NPAD // NS
DUMMY = N + 16
NB = 400
NBLK = N // NB



def _deg_body(dst_hbm, ones_hbm, zeros_hbm, out_hbm,
              dst_v, ones_v, buf_v, deg_sh):
    c = lax.axis_index("c")
    s = lax.axis_index("s")
    pltpu.sync_copy(dst_hbm.at[s], dst_v)
    pltpu.sync_copy(ones_hbm, ones_v)
    pltpu.sync_copy(zeros_hbm, buf_v)

    pltpu.sync_copy(buf_v, deg_sh.at[pl.ds(s * RPT, RPT)])
    plsc.subcore_barrier()

    half = NCH // NC

    def chunk(j, carry):
        pltpu.sync_copy(ones_v, deg_sh.at[dst_v.at[j]], add=True)
        return carry
    lax.fori_loop(c * half, (c + 1) * half, chunk, 0)
    plsc.subcore_barrier()

    pltpu.sync_copy(deg_sh.at[pl.ds(s * RPT, RPT)], buf_v)
    pltpu.sync_copy(buf_v, out_hbm.at[pl.ds(c * NPAD + s * RPT, RPT)])


KB = 4


def _agg_body(u_hbm, src_hbm, dst_hbm, zeros_hbm, out_hbm, *refs):
    src_v, dst_v = refs[0], refs[1]
    bufs = refs[2:2 + KB]
    gsem = refs[2 + KB:2 + 2 * KB]
    ssem = refs[2 + 2 * KB:2 + 3 * KB]
    agg_sh = refs[2 + 3 * KB]
    c = lax.axis_index("c")
    s = lax.axis_index("s")
    w = c * NS + s
    pltpu.sync_copy(src_hbm.at[w], src_v)
    pltpu.sync_copy(dst_hbm.at[s], dst_v)

    nwb = RPT // K
    pltpu.sync_copy(zeros_hbm, bufs[0])
    zcps = [
        pltpu.async_copy(
            bufs[0], agg_sh.at[pl.ds(s * RPT + r * K, K)], gsem[r % KB])
        for r in range(nwb)
    ]
    for cp in zcps:
        cp.wait()
    plsc.subcore_barrier()

    def group(g, carry):
        base = g * KB
        gcps = [
            pltpu.async_copy(
                u_hbm.at[src_v.at[base + b]], bufs[b], gsem[b])
            for b in range(KB)
        ]
        scps = []
        for b in range(KB):
            gcps[b].wait()
            scps.append(pltpu.async_copy(
                bufs[b], agg_sh.at[dst_v.at[base + b]], ssem[b], add=True))
        for cp in scps:
            cp.wait()
        return carry
    lax.fori_loop(0, NCH // KB, group, 0)

    plsc.subcore_barrier()

    for base in range(0, nwb, KB):
        cnt = min(KB, nwb - base)
        rcps = [
            pltpu.async_copy(
                agg_sh.at[pl.ds(s * RPT + (base + i) * K, K)],
                bufs[i], gsem[i])
            for i in range(cnt)
        ]
        wcps = []
        for i in range(cnt):
            rcps[i].wait()
            wcps.append(pltpu.async_copy(
                bufs[i],
                out_hbm.at[pl.ds(c * NPAD + s * RPT + (base + i) * K, K)],
                ssem[i]))
        for cp in wcps:
            cp.wait()


@functools.cache
def _sc_kernels():
    mesh = plsc.VectorSubcoreMesh(
        core_axis_name="c", subcore_axis_name="s",
        num_cores=NC, num_subcores=NS)
    deg_k = pl.kernel(
        _deg_body,
        out_type=jax.ShapeDtypeStruct((NC * NPAD, 16), jnp.float32),
        mesh=mesh,
        compiler_params=pltpu.CompilerParams(use_tc_tiling_on_sc=False),
        scratch_types=[
            pltpu.VMEM((NCH, K), jnp.int32),
            pltpu.VMEM((K, 16), jnp.float32),
            pltpu.VMEM((RPT, 16), jnp.float32),
            pltpu.VMEM_SHARED((NPAD, 16), jnp.float32),
        ],
    )
    agg_k = pl.kernel(
        _agg_body,
        out_type=jax.ShapeDtypeStruct((NC * NPAD, HD), jnp.float32),
        mesh=mesh,
        compiler_params=pltpu.CompilerParams(use_tc_tiling_on_sc=False),
        scratch_types=(
            [pltpu.VMEM((NCH, K), jnp.int32),
             pltpu.VMEM((NCH, K), jnp.int32)]
            + [pltpu.VMEM((K, HD), jnp.float32)] * KB
            + [pltpu.SemaphoreType.DMA] * (2 * KB)
            + [pltpu.VMEM_SHARED((NPAD, HD), jnp.float32)]
        ),
    )
    return deg_k, agg_k


def _deg_kernel(dstp):
    ones = jnp.ones((K, 16), jnp.float32)
    zeros = jnp.zeros((RPT, 16), jnp.float32)
    out = _sc_kernels()[0](dstp, ones, zeros)
    return out.reshape(NC, NPAD, 16)


def _agg_kernel(u, src2, dstp):
    zeros = jnp.zeros((K, HD), jnp.float32)
    out = _sc_kernels()[1](u.reshape(NC * N, HD), src2, dstp, zeros)
    return out.reshape(NC, NPAD, HD)



def _m0_body(x_ref, w_ref, degp_ref, u_ref, dinv_ref):
    deg = degp_ref[0, :, 0] + degp_ref[1, :, 0] + 1.0
    dv = lax.rsqrt(deg)
    dinv_ref[...] = dv[:, None]
    u = jnp.dot(x_ref[...], w_ref[...],
                preferred_element_type=jnp.float32) * dv[:, None]
    u_ref[0] = u[:, :HD]
    u_ref[1] = u[:, HD:]


def _m0_call(x, w, degp):
    return pl.pallas_call(
        _m0_body,
        grid=(NBLK,),
        in_specs=[
            pl.BlockSpec((NB, D), lambda i: (i, 0)),
            pl.BlockSpec((D, D), lambda i: (0, 0)),
            pl.BlockSpec((NC, NB, 16), lambda i: (0, i, 0)),
        ],
        out_specs=[
            pl.BlockSpec((NC, NB, HD), lambda i: (0, i, 0)),
            pl.BlockSpec((NB, 1), lambda i: (i, 0)),
        ],
        out_shape=[
            jax.ShapeDtypeStruct((NC, N, HD), jnp.float32),
            jax.ShapeDtypeStruct((N, 1), jnp.float32),
        ],
    )(x, w, degp)


def _comb_body(aggp_ref, u_ref, dinv_ref, b_ref, y_ref, st_ref):
    i = pl.program_id(0)
    agg = jnp.concatenate([aggp_ref[0], aggp_ref[1]], axis=1)
    u = jnp.concatenate([u_ref[0], u_ref[1]], axis=1)
    y = dinv_ref[...] * (agg + u) + b_ref[...]
    y_ref[...] = y
    ssum = jnp.sum(y, axis=0, keepdims=True)
    ssq = jnp.sum(y * y, axis=0, keepdims=True)
    st = jnp.concatenate([ssum, ssq], axis=0)

    @pl.when(i == 0)
    def _():
        st_ref[...] = st

    @pl.when(i > 0)
    def _():
        st_ref[...] += st


def _comb_call(aggp, u, dinv, b):
    return pl.pallas_call(
        _comb_body,
        grid=(NBLK,),
        in_specs=[
            pl.BlockSpec((NC, NB, HD), lambda i: (0, i, 0)),
            pl.BlockSpec((NC, NB, HD), lambda i: (0, i, 0)),
            pl.BlockSpec((NB, 1), lambda i: (i, 0)),
            pl.BlockSpec((1, D), lambda i: (0, 0)),
        ],
        out_specs=[
            pl.BlockSpec((NB, D), lambda i: (i, 0)),
            pl.BlockSpec((2, D), lambda i: (0, 0)),
        ],
        out_shape=[
            jax.ShapeDtypeStruct((N, D), jnp.float32),
            jax.ShapeDtypeStruct((2, D), jnp.float32),
        ],
    )(aggp, u, dinv, b.reshape(1, D))


def _m_body(y_ref, st_ref, g_ref, be_ref, w_ref, dinv_ref, u_ref):
    mean = st_ref[0:1, :] * (1.0 / N)
    var = st_ref[1:2, :] * (1.0 / N) - mean * mean
    a = g_ref[...] * lax.rsqrt(var + EPS)
    cshift = be_ref[...] - mean * a
    t = jnp.maximum(y_ref[...] * a + cshift, 0.0)
    u = jnp.dot(t, w_ref[...],
                preferred_element_type=jnp.float32) * dinv_ref[...]
    u_ref[0] = u[:, :HD]
    u_ref[1] = u[:, HD:]


def _m_call(y, st, g, be, w, dinv):
    return pl.pallas_call(
        _m_body,
        grid=(NBLK,),
        in_specs=[
            pl.BlockSpec((NB, D), lambda i: (i, 0)),
            pl.BlockSpec((2, D), lambda i: (0, 0)),
            pl.BlockSpec((1, D), lambda i: (0, 0)),
            pl.BlockSpec((1, D), lambda i: (0, 0)),
            pl.BlockSpec((D, D), lambda i: (0, 0)),
            pl.BlockSpec((NB, 1), lambda i: (i, 0)),
        ],
        out_specs=pl.BlockSpec((NC, NB, HD), lambda i: (0, i, 0)),
        out_shape=jax.ShapeDtypeStruct((NC, N, HD), jnp.float32),
    )(y, st, g.reshape(1, D), be.reshape(1, D), w, dinv)


def _p_body(y_ref, st_ref, g_ref, be_ref, batch_ref, lw_ref, lb_ref,
            out_ref, psum, cnt):
    i = pl.program_id(0)
    mean = st_ref[0:1, :] * (1.0 / N)
    var = st_ref[1:2, :] * (1.0 / N) - mean * mean
    a = g_ref[...] * lax.rsqrt(var + EPS)
    cshift = be_ref[...] - mean * a
    t = jnp.maximum(y_ref[...] * a + cshift, 0.0)
    bt = batch_ref[0]
    gi = lax.broadcasted_iota(jnp.int32, (G, NB), 0)
    sel = jnp.where(gi == bt, 1.0, 0.0)

    @pl.when(i == 0)
    def _():
        psum[...] = jnp.zeros_like(psum)
        cnt[...] = jnp.zeros_like(cnt)

    psum[...] += jnp.dot(sel, t, preferred_element_type=jnp.float32)
    cnt[...] += jnp.sum(sel, axis=1, keepdims=True)

    @pl.when(i == pl.num_programs(0) - 1)
    def _():
        pooled = psum[...] / jnp.maximum(cnt[...], 1.0)
        out_ref[...] = jnp.dot(pooled, lw_ref[...],
                               preferred_element_type=jnp.float32) + lb_ref[...]


def _p_call(y, st, g, be, batch3, lw, lb):
    return pl.pallas_call(
        _p_body,
        grid=(NBLK,),
        in_specs=[
            pl.BlockSpec((NB, D), lambda i: (i, 0)),
            pl.BlockSpec((2, D), lambda i: (0, 0)),
            pl.BlockSpec((1, D), lambda i: (0, 0)),
            pl.BlockSpec((1, D), lambda i: (0, 0)),
            pl.BlockSpec((1, 1, NB), lambda i: (i, 0, 0)),
            pl.BlockSpec((D, D), lambda i: (0, 0)),
            pl.BlockSpec((1, D), lambda i: (0, 0)),
        ],
        out_specs=pl.BlockSpec((G, D), lambda i: (0, 0)),
        out_shape=jax.ShapeDtypeStruct((G, D), jnp.float32),
        scratch_shapes=[
            pltpu.VMEM((G, D), jnp.float32),
            pltpu.VMEM((G, 1), jnp.float32),
        ],
    )(y, st, g.reshape(1, D), be.reshape(1, D), batch3, lw,
      lb.reshape(1, D))



def kernel(x, edge_index, batch, W0, b0, g0, be0, W1, b1, g1, be1,
           W2, b2, g2, be2, lin_W, lin_b):
    src = edge_index[0]
    dst = edge_index[1]
    pad = EPAD - E
    srcp = jnp.concatenate(
        [src, jnp.zeros((pad,), jnp.int32)]).reshape(1, NS, NCH, K)
    src2 = jnp.concatenate(
        [srcp, srcp + N], axis=0).reshape(NC * NS, NCH, K)
    dstp = jnp.concatenate(
        [dst, jnp.full((pad,), DUMMY, jnp.int32)]).reshape(NS, NCH, K)
    batch3 = batch.reshape(NBLK, 1, NB)

    degp = _deg_kernel(dstp)
    u, dinv = _m0_call(x, W0, degp)

    Ws = [W0, W1, W2]
    bs = [b0, b1, b2]
    gs = [g0, g1, g2]
    bes = [be0, be1, be2]
    y = None
    st = None
    for i in range(3):
        aggp = _agg_kernel(u, src2, dstp)
        y, st = _comb_call(aggp, u, dinv, bs[i])
        if i < 2:
            u = _m_call(y, st, gs[i], bes[i], Ws[i + 1], dinv)
    return _p_call(y, st, gs[2], bes[2], batch3, lin_W, lin_b)

# --- scband reference (transcript-rebuilt; emitter-appended) ---
"""Pipeline reference for scband-gcnconv-model-19146964206336 (READ-ONLY COPY).

The authoritative reference and input builder live on the scoring server;
editing this copy changes nothing except your own understanding.
"""

import jax, jax.numpy as jnp
import numpy as np

N = 10000
E = 320000
D = 128
H = 128
O = 128
G = 64
EPS = 1e-5


def setup_inputs(seed: int = 0) -> dict:
    key = jax.random.key(seed)
    ks = jax.random.split(key, 20)
    x = jax.random.normal(ks[0], (N, D), dtype=jnp.float32)
    edge_index = jax.random.randint(ks[1], (2, E), 0, N, dtype=jnp.int32)
    batch = jnp.sort(jax.random.randint(ks[2], (N,), 0, G, dtype=jnp.int32))
    inp = {"x": x, "edge_index": edge_index, "batch": batch}
    dims = [(D, H), (H, H), (H, H)]
    for i, (din, dout) in enumerate(dims):
        inp[f"W{i}"] = jax.random.normal(ks[3 + 4 * i], (din, dout), dtype=jnp.float32) * (1.0 / np.sqrt(din))
        inp[f"b{i}"] = jnp.zeros((dout,), dtype=jnp.float32)
        inp[f"g{i}"] = jnp.ones((dout,), dtype=jnp.float32)
        inp[f"be{i}"] = jnp.zeros((dout,), dtype=jnp.float32)
    inp["lin_W"] = jax.random.normal(ks[18], (H, O), dtype=jnp.float32) * (1.0 / np.sqrt(H))
    inp["lin_b"] = jnp.zeros((O,), dtype=jnp.float32)
    return inp


def _gcn_conv(x, edge_index, W, b):
    h = x @ W
    self_loop = jnp.arange(N, dtype=edge_index.dtype)
    src = jnp.concatenate([edge_index[0], self_loop])
    dst = jnp.concatenate([edge_index[1], self_loop])
    deg = jnp.zeros((N,), dtype=h.dtype).at[dst].add(1.0)
    dinv = jnp.where(deg > 0, jax.lax.rsqrt(deg), 0.0)
    norm = dinv[src] * dinv[dst]
    out = jnp.zeros_like(h).at[dst].add(h[src] * norm[:, None])
    return out + b


def _batch_norm(x, gamma, beta):
    mean = jnp.mean(x, axis=0)
    var = jnp.mean((x - mean) ** 2, axis=0)
    return gamma * (x - mean) * jax.lax.rsqrt(var + EPS) + beta


def reference(x, edge_index, batch, W0, b0, g0, be0, W1, b1, g1, be1, W2, b2, g2, be2, lin_W, lin_b):
    Ws = [W0, W1, W2]
    bs = [b0, b1, b2]
    gs = [g0, g1, g2]
    bes = [be0, be1, be2]
    h = x
    for i in range(3):
        h = _gcn_conv(h, edge_index, Ws[i], bs[i])
        h = _batch_norm(h, gs[i], bes[i])
        h = jax.nn.relu(h)
    sums = jax.ops.segment_sum(h, batch, num_segments=G)
    cnt = jax.ops.segment_sum(jnp.ones((N,), dtype=h.dtype), batch, num_segments=G)
    pooled = sums / jnp.clip(cnt, 1.0)[:, None]
    out = pooled @ lin_W + lin_b
    return out

if __name__ == "__main__":
    import jax
    _d = setup_inputs()
    print(jax.jit(kernel)(*tuple(_d.values())))

</pallas_src>

<mosaic_0001>
#map = affine_map<(d0, d1) -> (0, 0, 0)>
#map1 = affine_map<(d0, d1) -> (0, 0)>
module attributes {stable_mosaic.version = 14 : i64} {
  func.func @_deg_body(%arg0: i32, %arg1: i32, %arg2: memref<16x160x128xi32, #tpu.memory_space<hbm>>, %arg3: memref<128x16xf32, #tpu.memory_space<hbm>>, %arg4: memref<640x16xf32, #tpu.memory_space<hbm>>, %arg5: memref<20480x16xf32, #tpu.memory_space<hbm>>, %arg6: memref<160x128xi32, #tpu.memory_space<vmem>>, %arg7: memref<128x16xf32, #tpu.memory_space<vmem>>, %arg8: memref<640x16xf32, #tpu.memory_space<vmem>>, %arg9: memref<10240x16xf32, #tpu.memory_space<vmem_shared>>) attributes {dimension_semantics = [#tpu.dimension_semantics<core_parallel>, #tpu.dimension_semantics<subcore_parallel>], iteration_bounds = array<i64: 2, 16>, scalar_prefetch = 0 : i64, scratch_operands = 4 : i64, tpu.core_type = #tpu.core_type<sc_vector_subcore>, window_params = [{transform_indices = #map}, {transform_indices = #map1}, {transform_indices = #map1}, {transform_indices = #map1}]} {
    "tpu.region"() ({
      %run_scoped3A = tpu.sem_alloc : memref<!tpu.dma_semaphore, #tpu.memory_space<semaphore_mem>>
      %dma_start3A = arith.constant 0 : i32
      %dma_start3A_22 = arith.constant 0 : i32
      %dma_start3A_23 = tpu.memref_slice %arg2[%arg1, %dma_start3A, %dma_start3A_22] : memref<16x160x128xi32, #tpu.memory_space<hbm>> -> memref<1x160x128xi32, #tpu.memory_space<hbm>>
      %dma_start3A_24 = tpu.memref_squeeze %dma_start3A_23 : memref<1x160x128xi32, #tpu.memory_space<hbm>> -> memref<160x128xi32, #tpu.memory_space<hbm>>
      %dma_start3A_25 = arith.constant 0 : i32
      %dma_start3A_26 = arith.constant 0 : i32
      %dma_start3A_27 = tpu.memref_slice %arg2[%arg1, %dma_start3A_25, %dma_start3A_26] : memref<16x160x128xi32, #tpu.memory_space<hbm>> -> memref<1x160x128xi32, #tpu.memory_space<hbm>>
      %dma_start3A_28 = tpu.memref_squeeze %dma_start3A_27 : memref<1x160x128xi32, #tpu.memory_space<hbm>> -> memref<160x128xi32, #tpu.memory_space<hbm>>
      tpu.enqueue_dma source(%dma_start3A_28 : memref<160x128xi32, #tpu.memory_space<hbm>>) target(%arg6 : memref<160x128xi32, #tpu.memory_space<vmem>>) target_semaphore(%run_scoped3A : memref<!tpu.dma_semaphore, #tpu.memory_space<semaphore_mem>>)
      %dma_wait3A = arith.constant 0 : i32
      %dma_wait3A_29 = arith.constant 0 : i32
      %dma_wait3A_30 = tpu.memref_slice %arg2[%arg1, %dma_wait3A, %dma_wait3A_29] : memref<16x160x128xi32, #tpu.memory_space<hbm>> -> memref<1x160x128xi32, #tpu.memory_space<hbm>>
      %dma_wait3A_31 = tpu.memref_squeeze %dma_wait3A_30 : memref<1x160x128xi32, #tpu.memory_space<hbm>> -> memref<160x128xi32, #tpu.memory_space<hbm>>
      %dma_wait3A_32 = arith.constant 0 : i32
      %dma_wait3A_33 = arith.constant 0 : i32
      %dma_wait3A_34 = tpu.memref_slice %arg2[%arg1, %dma_wait3A_32, %dma_wait3A_33] : memref<16x160x128xi32, #tpu.memory_space<hbm>> -> memref<1x160x128xi32, #tpu.memory_space<hbm>>
      %dma_wait3A_35 = tpu.memref_squeeze %dma_wait3A_34 : memref<1x160x128xi32, #tpu.memory_space<hbm>> -> memref<160x128xi32, #tpu.memory_space<hbm>>
      tpu.wait_dma2 semaphore(%run_scoped3A : memref<!tpu.dma_semaphore, #tpu.memory_space<semaphore_mem>>) src(%dma_wait3A_35 : memref<160x128xi32, #tpu.memory_space<hbm>>) dst(%arg6 : memref<160x128xi32, #tpu.memory_space<vmem>>)
      tpu.yield
    }) : () -> ()
    "tpu.region"() ({
      %run_scoped3A = tpu.sem_alloc : memref<!tpu.dma_semaphore, #tpu.memory_space<semaphore_mem>>
      tpu.enqueue_dma source(%arg3 : memref<128x16xf32, #tpu.memory_space<hbm>>) target(%arg7 : memref<128x16xf32, #tpu.memory_space<vmem>>) target_semaphore(%run_scoped3A : memref<!tpu.dma_semaphore, #tpu.memory_space<semaphore_mem>>)
      tpu.wait_dma2 semaphore(%run_scoped3A : memref<!tpu.dma_semaphore, #tpu.memory_space<semaphore_mem>>) src(%arg3 : memref<128x16xf32, #tpu.memory_space<hbm>>) dst(%arg7 : memref<128x16xf32, #tpu.memory_space<vmem>>)
      tpu.yield
    }) : () -> ()
    "tpu.region"() ({
      %run_scoped3A = tpu.sem_alloc : memref<!tpu.dma_semaphore, #tpu.memory_space<semaphore_mem>>
      tpu.enqueue_dma source(%arg4 : memref<640x16xf32, #tpu.memory_space<hbm>>) target(%arg8 : memref<640x16xf32, #tpu.memory_space<vmem>>) target_semaphore(%run_scoped3A : memref<!tpu.dma_semaphore, #tpu.memory_space<semaphore_mem>>)
      tpu.wait_dma2 semaphore(%run_scoped3A : memref<!tpu.dma_semaphore, #tpu.memory_space<semaphore_mem>>) src(%arg4 : memref<640x16xf32, #tpu.memory_space<hbm>>) dst(%arg8 : memref<640x16xf32, #tpu.memory_space<vmem>>)
      tpu.yield
    }) : () -> ()
    %mul3A = arith.constant 640 : i32
    %mul3A_0 = arith.muli %arg1, %mul3A : i32
    "tpu.region"() ({
      %run_scoped3A = tpu.sem_alloc : memref<!tpu.dma_semaphore, #tpu.memory_space<semaphore_mem>>
      %dma_start3A = arith.constant 0 : i32
      %dma_start3A_22 = tpu.memref_slice %arg9[%mul3A_0, %dma_start3A] : memref<10240x16xf32, #tpu.memory_space<vmem_shared>> -> memref<640x16xf32, #tpu.memory_space<vmem_shared>>
      %dma_start3A_23 = arith.constant 0 : i32
      %dma_start3A_24 = tpu.memref_slice %arg9[%mul3A_0, %dma_start3A_23] : memref<10240x16xf32, #tpu.memory_space<vmem_shared>> -> memref<640x16xf32, #tpu.memory_space<vmem_shared>>
      tpu.enqueue_dma source(%arg8 : memref<640x16xf32, #tpu.memory_space<vmem>>) target(%dma_start3A_24 : memref<640x16xf32, #tpu.memory_space<vmem_shared>>) target_semaphore(%run_scoped3A : memref<!tpu.dma_semaphore, #tpu.memory_space<semaphore_mem>>)
      %dma_wait3A = arith.constant 0 : i32
      %dma_wait3A_25 = tpu.memref_slice %arg9[%mul3A_0, %dma_wait3A] : memref<10240x16xf32, #tpu.memory_space<vmem_shared>> -> memref<640x16xf32, #tpu.memory_space<vmem_shared>>
      %dma_wait3A_26 = arith.constant 0 : i32
      %dma_wait3A_27 = tpu.memref_slice %arg9[%mul3A_0, %dma_wait3A_26] : memref<10240x16xf32, #tpu.memory_space<vmem_shared>> -> memref<640x16xf32, #tpu.memory_space<vmem_shared>>
      tpu.wait_dma2 semaphore(%run_scoped3A : memref<!tpu.dma_semaphore, #tpu.memory_space<semaphore_mem>>) src(%arg8 : memref<640x16xf32, #tpu.memory_space<vmem>>) dst(%dma_wait3A_27 : memref<640x16xf32, #tpu.memory_space<vmem_shared>>)
      tpu.yield
    }) : () -> ()
    %barrier3A = arith.constant 0 : index
    tpu.barrier barrier_id(%barrier3A)
    %mul3A_1 = arith.constant 80 : i32
    %mul3A_2 = arith.muli %arg0, %mul3A_1 : i32
    %add3A = arith.constant 1 : i32
    %add3A_3 = arith.addi %arg0, %add3A : i32
    %mul3A_4 = arith.constant 80 : i32
    %mul3A_5 = arith.muli %add3A_3, %mul3A_4 : i32
    %while3A = arith.constant 0 : i32
    %while3A_6 = arith.subi %mul3A_5, %mul3A_2 : i32
    %while3A_7 = arith.addi %mul3A_2, %while3A_6 : i32
    %while3A_8 = arith.constant 1 : i32
    %while3A_9 = arith.divsi %while3A_6, %while3A_8 : i32
    %while3A_10 = arith.muli %while3A_9, %while3A_8 : i32
    %while3A_11 = arith.addi %mul3A_2, %while3A_10 : i32
    %while3A_12 = arith.constant 1 : i32
    scf.for %while3A_22 = %mul3A_2 to %while3A_11 step %while3A_12  : i32 {
      "tpu.region"() ({
        %run_scoped3A = tpu.sem_alloc : memref<!tpu.dma_semaphore, #tpu.memory_space<semaphore_mem>>
        %dma_start3A = arith.constant 0 : i32
        %dma_start3A_23 = tpu.memref_slice %arg6[%while3A_22, %dma_start3A] : memref<160x128xi32, #tpu.memory_space<vmem>> -> memref<1x128xi32, #tpu.memory_space<vmem>>
        %dma_start3A_24 = tpu.memref_squeeze %dma_start3A_23 : memref<1x128xi32, #tpu.memory_space<vmem>> -> memref<128xi32, #tpu.memory_space<vmem>>
        %dma_start3A_25 = arith.constant 0 : i32
        %dma_start3A_26 = arith.constant 0 : i32
        %dma_start3A_27 = tpu.memref_slice %arg9[%dma_start3A_25, %dma_start3A_26] : memref<10240x16xf32, #tpu.memory_space<vmem_shared>> -> memref<10240x16xf32, #tpu.memory_space<vmem_shared>>
        tpu.enqueue_indirect_dma source(%arg7 : memref<128x16xf32, #tpu.memory_space<vmem>>) target(%dma_start3A_27 : memref<10240x16xf32, #tpu.memory_space<vmem_shared>>) offsets(%dma_start3A_24 : memref<128xi32, #tpu.memory_space<vmem>>) semaphore(%run_scoped3A : memref<!tpu.dma_semaphore, #tpu.memory_space<semaphore_mem>>) {add = true}
        %dma_wait3A = arith.constant 0 : i32
        %dma_wait3A_28 = tpu.memref_slice %arg6[%while3A_22, %dma_wait3A] : memref<160x128xi32, #tpu.memory_space<vmem>> -> memref<1x128xi32, #tpu.memory_space<vmem>>
        %dma_wait3A_29 = tpu.memref_squeeze %dma_wait3A_28 : memref<1x128xi32, #tpu.memory_space<vmem>> -> memref<128xi32, #tpu.memory_space<vmem>>
        %dma_wait3A_30 = arith.constant 0 : i32
        %dma_wait3A_31 = arith.constant 0 : i32
        %dma_wait3A_32 = tpu.memref_slice %arg9[%dma_wait3A_30, %dma_wait3A_31] : memref<10240x16xf32, #tpu.memory_space<vmem_shared>> -> memref<10240x16xf32, #tpu.memory_space<vmem_shared>>
        tpu.wait_indirect_dma semaphore(%run_scoped3A : memref<!tpu.dma_semaphore, #tpu.memory_space<semaphore_mem>>) src(%arg7 : memref<128x16xf32, #tpu.memory_space<vmem>>) dst(%dma_wait3A_32 : memref<10240x16xf32, #tpu.memory_space<vmem_shared>>)
        tpu.yield
      }) : () -> ()
    }
    %while3A_13 = arith.constant 1 : i32
    scf.for %while3A_22 = %while3A_11 to %while3A_7 step %while3A_13  : i32 {
      "tpu.region"() ({
        %run_scoped3A = tpu.sem_alloc : memref<!tpu.dma_semaphore, #tpu.memory_space<semaphore_mem>>
        %dma_start3A = arith.constant 0 : i32
        %dma_start3A_23 = tpu.memref_slice %arg6[%while3A_22, %dma_start3A] : memref<160x128xi32, #tpu.memory_space<vmem>> -> memref<1x128xi32, #tpu.memory_space<vmem>>
        %dma_start3A_24 = tpu.memref_squeeze %dma_start3A_23 : memref<1x128xi32, #tpu.memory_space<vmem>> -> memref<128xi32, #tpu.memory_space<vmem>>
        %dma_start3A_25 = arith.constant 0 : i32
        %dma_start3A_26 = arith.constant 0 : i32
        %dma_start3A_27 = tpu.memref_slice %arg9[%dma_start3A_25, %dma_start3A_26] : memref<10240x16xf32, #tpu.memory_space<vmem_shared>> -> memref<10240x16xf32, #tpu.memory_space<vmem_shared>>
        tpu.enqueue_indirect_dma source(%arg7 : memref<128x16xf32, #tpu.memory_space<vmem>>) target(%dma_start3A_27 : memref<10240x16xf32, #tpu.memory_space<vmem_shared>>) offsets(%dma_start3A_24 : memref<128xi32, #tpu.memory_space<vmem>>) semaphore(%run_scoped3A : memref<!tpu.dma_semaphore, #tpu.memory_space<semaphore_mem>>) {add = true}
        %dma_wait3A = arith.constant 0 : i32
        %dma_wait3A_28 = tpu.memref_slice %arg6[%while3A_22, %dma_wait3A] : memref<160x128xi32, #tpu.memory_space<vmem>> -> memref<1x128xi32, #tpu.memory_space<vmem>>
        %dma_wait3A_29 = tpu.memref_squeeze %dma_wait3A_28 : memref<1x128xi32, #tpu.memory_space<vmem>> -> memref<128xi32, #tpu.memory_space<vmem>>
        %dma_wait3A_30 = arith.constant 0 : i32
        %dma_wait3A_31 = arith.constant 0 : i32
        %dma_wait3A_32 = tpu.memref_slice %arg9[%dma_wait3A_30, %dma_wait3A_31] : memref<10240x16xf32, #tpu.memory_space<vmem_shared>> -> memref<10240x16xf32, #tpu.memory_space<vmem_shared>>
        tpu.wait_indirect_dma semaphore(%run_scoped3A : memref<!tpu.dma_semaphore, #tpu.memory_space<semaphore_mem>>) src(%arg7 : memref<128x16xf32, #tpu.memory_space<vmem>>) dst(%dma_wait3A_32 : memref<10240x16xf32, #tpu.memory_space<vmem_shared>>)
        tpu.yield
      }) : () -> ()
    }
    %barrier3A_14 = arith.constant 0 : index
    tpu.barrier barrier_id(%barrier3A_14)
    %mul3A_15 = arith.constant 640 : i32
    %mul3A_16 = arith.muli %arg1, %mul3A_15 : i32
    "tpu.region"() ({
      %run_scoped3A = tpu.sem_alloc : memref<!tpu.dma_semaphore, #tpu.memory_space<semaphore_mem>>
      %dma_start3A = arith.constant 0 : i32
      %dma_start3A_22 = tpu.memref_slice %arg9[%mul3A_16, %dma_start3A] : memref<10240x16xf32, #tpu.memory_space<vmem_shared>> -> memref<640x16xf32, #tpu.memory_space<vmem_shared>>
      %dma_start3A_23 = arith.constant 0 : i32
      %dma_start3A_24 = tpu.memref_slice %arg9[%mul3A_16, %dma_start3A_23] : memref<10240x16xf32, #tpu.memory_space<vmem_shared>> -> memref<640x16xf32, #tpu.memory_space<vmem_shared>>
      tpu.enqueue_dma source(%dma_start3A_24 : memref<640x16xf32, #tpu.memory_space<vmem_shared>>) target(%arg8 : memref<640x16xf32, #tpu.memory_space<vmem>>) target_semaphore(%run_scoped3A : memref<!tpu.dma_semaphore, #tpu.memory_space<semaphore_mem>>)
      %dma_wait3A = arith.constant 0 : i32
      %dma_wait3A_25 = tpu.memref_slice %arg9[%mul3A_16, %dma_wait3A] : memref<10240x16xf32, #tpu.memory_space<vmem_shared>> -> memref<640x16xf32, #tpu.memory_space<vmem_shared>>
      %dma_wait3A_26 = arith.constant 0 : i32
      %dma_wait3A_27 = tpu.memref_slice %arg9[%mul3A_16, %dma_wait3A_26] : memref<10240x16xf32, #tpu.memory_space<vmem_shared>> -> memref<640x16xf32, #tpu.memory_space<vmem_shared>>
      tpu.wait_dma2 semaphore(%run_scoped3A : memref<!tpu.dma_semaphore, #tpu.memory_space<semaphore_mem>>) src(%dma_wait3A_27 : memref<640x16xf32, #tpu.memory_space<vmem_shared>>) dst(%arg8 : memref<640x16xf32, #tpu.memory_space<vmem>>)
      tpu.yield
    }) : () -> ()
    %mul3A_17 = arith.constant 10240 : i32
    %mul3A_18 = arith.muli %arg0, %mul3A_17 : i32
    %mul3A_19 = arith.constant 640 : i32
    %mul3A_20 = arith.muli %arg1, %mul3A_19 : i32
    %add3A_21 = arith.addi %mul3A_18, %mul3A_20 : i32
    "tpu.region"() ({
      %run_scoped3A = tpu.sem_alloc : memref<!tpu.dma_semaphore, #tpu.memory_space<semaphore_mem>>
      %dma_start3A = arith.constant 0 : i32
      %dma_start3A_22 = tpu.memref_slice %arg5[%add3A_21, %dma_start3A] : memref<20480x16xf32, #tpu.memory_space<hbm>> -> memref<640x16xf32, #tpu.memory_space<hbm>>
      %dma_start3A_23 = arith.constant 0 : i32
      %dma_start3A_24 = tpu.memref_slice %arg5[%add3A_21, %dma_start3A_23] : memref<20480x16xf32, #tpu.memory_space<hbm>> -> memref<640x16xf32, #tpu.memory_space<hbm>>
      tpu.enqueue_dma source(%arg8 : memref<640x16xf32, #tpu.memory_space<vmem>>) target(%dma_start3A_24 : memref<640x16xf32, #tpu.memory_space<hbm>>) target_semaphore(%run_scoped3A : memref<!tpu.dma_semaphore, #tpu.memory_space<semaphore_mem>>)
      %dma_wait3A = arith.constant 0 : i32
      %dma_wait3A_25 = tpu.memref_slice %arg5[%add3A_21, %dma_wait3A] : memref<20480x16xf32, #tpu.memory_space<hbm>> -> memref<640x16xf32, #tpu.memory_space<hbm>>
      %dma_wait3A_26 = arith.constant 0 : i32
      %dma_wait3A_27 = tpu.memref_slice %arg5[%add3A_21, %dma_wait3A_26] : memref<20480x16xf32, #tpu.memory_space<hbm>> -> memref<640x16xf32, #tpu.memory_space<hbm>>
      tpu.wait_dma2 semaphore(%run_scoped3A : memref<!tpu.dma_semaphore, #tpu.memory_space<semaphore_mem>>) src(%arg8 : memref<640x16xf32, #tpu.memory_space<vmem>>) dst(%dma_wait3A_27 : memref<640x16xf32, #tpu.memory_space<hbm>>)
      tpu.yield
    }) : () -> ()
    return
  }
}

#map = affine_map<(d0, d1) -> (0, 0)>
#map1 = affine_map<(d0, d1) -> (0, 0, 0)>
module attributes {stable_mosaic.version = 14 : i64} {
  func.func @_agg_body(%arg0: i32, %arg1: i32, %arg2: memref<20000x64xf32, #tpu.memory_space<hbm>>, %arg3: memref<32x160x128xi32, #tpu.memory_space<hbm>>, %arg4: memref<16x160x128xi32, #tpu.memory_space<hbm>>, %arg5: memref<128x64xf32, #tpu.memory_space<hbm>>, %arg6: memref<20480x64xf32, #tpu.memory_space<hbm>>, %arg7: memref<160x128xi32, #tpu.memory_space<vmem>>, %arg8: memref<160x128xi32, #tpu.memory_space<vmem>>, %arg9: memref<128x64xf32, #tpu.memory_space<vmem>>, %arg10: memref<128x64xf32, #tpu.memory_space<vmem>>, %arg11: memref<128x64xf32, #tpu.memory_space<vmem>>, %arg12: memref<128x64xf32, #tpu.memory_space<vmem>>, %arg13: memref<!tpu.dma_semaphore, #tpu.memory_space<semaphore_mem>>, %arg14: memref<!tpu.dma_semaphore, #tpu.memory_space<semaphore_mem>>, %arg15: memref<!tpu.dma_semaphore, #tpu.memory_space<semaphore_mem>>, %arg16: memref<!tpu.dma_semaphore, #tpu.memory_space<semaphore_mem>>, %arg17: memref<!tpu.dma_semaphore, #tpu.memory_space<semaphore_mem>>, %arg18: memref<!tpu.dma_semaphore, #tpu.memory_space<semaphore_mem>>, %arg19: memref<!tpu.dma_semaphore, #tpu.memory_space<semaphore_mem>>, %arg20: memref<!tpu.dma_semaphore, #tpu.memory_space<semaphore_mem>>, %arg21: memref<10240x64xf32, #tpu.memory_space<vmem_shared>>) attributes {dimension_semantics = [#tpu.dimension_semantics<core_parallel>, #tpu.dimension_semantics<subcore_parallel>], iteration_bounds = array<i64: 2, 16>, scalar_prefetch = 0 : i64, scratch_operands = 15 : i64, tpu.core_type = #tpu.core_type<sc_vector_subcore>, window_params = [{transform_indices = #map}, {transform_indices = #map1}, {transform_indices = #map1}, {transform_indices = #map}, {transform_indices = #map}]} {
    %mul3A = arith.constant 16 : i32
    %mul3A_0 = arith.muli %arg0, %mul3A : i32
    %add3A = arith.addi %mul3A_0, %arg1 : i32
    "tpu.region"() ({
      %run_scoped3A = tpu.sem_alloc : memref<!tpu.dma_semaphore, #tpu.memory_space<semaphore_mem>>
      %dma_start3A_200 = arith.constant 0 : i32
      %dma_start3A_201 = arith.constant 0 : i32
      %dma_start3A_202 = tpu.memref_slice %arg3[%add3A, %dma_start3A_200, %dma_start3A_201] : memref<32x160x128xi32, #tpu.memory_space<hbm>> -> memref<1x160x128xi32, #tpu.memory_space<hbm>>
      %dma_start3A_203 = tpu.memref_squeeze %dma_start3A_202 : memref<1x160x128xi32, #tpu.memory_space<hbm>> -> memref<160x128xi32, #tpu.memory_space<hbm>>
      %dma_start3A_204 = arith.constant 0 : i32
      %dma_start3A_205 = arith.constant 0 : i32
      %dma_start3A_206 = tpu.memref_slice %arg3[%add3A, %dma_start3A_204, %dma_start3A_205] : memref<32x160x128xi32, #tpu.memory_space<hbm>> -> memref<1x160x128xi32, #tpu.memory_space<hbm>>
      %dma_start3A_207 = tpu.memref_squeeze %dma_start3A_206 : memref<1x160x128xi32, #tpu.memory_space<hbm>> -> memref<160x128xi32, #tpu.memory_space<hbm>>
      tpu.enqueue_dma source(%dma_start3A_207 : memref<160x128xi32, #tpu.memory_space<hbm>>) target(%arg7 : memref<160x128xi32, #tpu.memory_space<vmem>>) target_semaphore(%run_scoped3A : memref<!tpu.dma_semaphore, #tpu.memory_space<semaphore_mem>>)
      %dma_wait3A_208 = arith.constant 0 : i32
      %dma_wait3A_209 = arith.constant 0 : i32
      %dma_wait3A_210 = tpu.memref_slice %arg3[%add3A, %dma_wait3A_208, %dma_wait3A_209] : memref<32x160x128xi32, #tpu.memory_space<hbm>> -> memref<1x160x128xi32, #tpu.memory_space<hbm>>
      %dma_wait3A_211 = tpu.memref_squeeze %dma_wait3A_210 : memref<1x160x128xi32, #tpu.memory_space<hbm>> -> memref<160x128xi32, #tpu.memory_space<hbm>>
      %dma_wait3A_212 = arith.constant 0 : i32
      %dma_wait3A_213 = arith.constant 0 : i32
      %dma_wait3A_214 = tpu.memref_slice %arg3[%add3A, %dma_wait3A_212, %dma_wait3A_213] : memref<32x160x128xi32, #tpu.memory_space<hbm>> -> memref<1x160x128xi32, #tpu.memory_space<hbm>>
      %dma_wait3A_215 = tpu.memref_squeeze %dma_wait3A_214 : memref<1x160x128xi32, #tpu.memory_space<hbm>> -> memref<160x128xi32, #tpu.memory_space<hbm>>
      tpu.wait_dma2 semaphore(%run_scoped3A : memref<!tpu.dma_semaphore, #tpu.memory_space<semaphore_mem>>) src(%dma_wait3A_215 : memref<160x128xi32, #tpu.memory_space<hbm>>) dst(%arg7 : memref<160x128xi32, #tpu.memory_space<vmem>>)
      tpu.yield
    }) : () -> ()
    "tpu.region"() ({
      %run_scoped3A = tpu.sem_alloc : memref<!tpu.dma_semaphore, #tpu.memory_space<semaphore_mem>>
      %dma_start3A_200 = arith.constant 0 : i32
      %dma_start3A_201 = arith.constant 0 : i32
      %dma_start3A_202 = tpu.memref_slice %arg4[%arg1, %dma_start3A_200, %dma_start3A_201] : memref<16x160x128xi32, #tpu.memory_space<hbm>> -> memref<1x160x128xi32, #tpu.memory_space<hbm>>
      %dma_start3A_203 = tpu.memref_squeeze %dma_start3A_202 : memref<1x160x128xi32, #tpu.memory_space<hbm>> -> memref<160x128xi32, #tpu.memory_space<hbm>>
      %dma_start3A_204 = arith.constant 0 : i32
      %dma_start3A_205 = arith.constant 0 : i32
      %dma_start3A_206 = tpu.memref_slice %arg4[%arg1, %dma_start3A_204, %dma_start3A_205] : memref<16x160x128xi32, #tpu.memory_space<hbm>> -> memref<1x160x128xi32, #tpu.memory_space<hbm>>
      %dma_start3A_207 = tpu.memref_squeeze %dma_start3A_206 : memref<1x160x128xi32, #tpu.memory_space<hbm>> -> memref<160x128xi32, #tpu.memory_space<hbm>>
      tpu.enqueue_dma source(%dma_start3A_207 : memref<160x128xi32, #tpu.memory_space<hbm>>) target(%arg8 : memref<160x128xi32, #tpu.memory_space<vmem>>) target_semaphore(%run_scoped3A : memref<!tpu.dma_semaphore, #tpu.memory_space<semaphore_mem>>)
      %dma_wait3A_208 = arith.constant 0 : i32
      %dma_wait3A_209 = arith.constant 0 : i32
      %dma_wait3A_210 = tpu.memref_slice %arg4[%arg1, %dma_wait3A_208, %dma_wait3A_209] : memref<16x160x128xi32, #tpu.memory_space<hbm>> -> memref<1x160x128xi32, #tpu.memory_space<hbm>>
      %dma_wait3A_211 = tpu.memref_squeeze %dma_wait3A_210 : memref<1x160x128xi32, #tpu.memory_space<hbm>> -> memref<160x128xi32, #tpu.memory_space<hbm>>
      %dma_wait3A_212 = arith.constant 0 : i32
      %dma_wait3A_213 = arith.constant 0 : i32
      %dma_wait3A_214 = tpu.memref_slice %arg4[%arg1, %dma_wait3A_212, %dma_wait3A_213] : memref<16x160x128xi32, #tpu.memory_space<hbm>> -> memref<1x160x128xi32, #tpu.memory_space<hbm>>
      %dma_wait3A_215 = tpu.memref_squeeze %dma_wait3A_214 : memref<1x160x128xi32, #tpu.memory_space<hbm>> -> memref<160x128xi32, #tpu.memory_space<hbm>>
      tpu.wait_dma2 semaphore(%run_scoped3A : memref<!tpu.dma_semaphore, #tpu.memory_space<semaphore_mem>>) src(%dma_wait3A_215 : memref<160x128xi32, #tpu.memory_space<hbm>>) dst(%arg8 : memref<160x128xi32, #tpu.memory_space<vmem>>)
      tpu.yield
    }) : () -> ()
    "tpu.region"() ({
      %run_scoped3A = tpu.sem_alloc : memref<!tpu.dma_semaphore, #tpu.memory_space<semaphore_mem>>
      tpu.enqueue_dma source(%arg5 : memref<128x64xf32, #tpu.memory_space<hbm>>) target(%arg9 : memref<128x64xf32, #tpu.memory_space<vmem>>) target_semaphore(%run_scoped3A : memref<!tpu.dma_semaphore, #tpu.memory_space<semaphore_mem>>)
      tpu.wait_dma2 semaphore(%run_scoped3A : memref<!tpu.dma_semaphore, #tpu.memory_space<semaphore_mem>>) src(%arg5 : memref<128x64xf32, #tpu.memory_space<hbm>>) dst(%arg9 : memref<128x64xf32, #tpu.memory_space<vmem>>)
      tpu.yield
    }) : () -> ()
    %mul3A_1 = arith.constant 640 : i32
    %mul3A_2 = arith.muli %arg1, %mul3A_1 : i32
    %add3A_3 = arith.constant 0 : i32
    %add3A_4 = arith.addi %mul3A_2, %add3A_3 : i32
    %dma_start3A = arith.constant 0 : i32
    %dma_start3A_5 = tpu.memref_slice %arg21[%add3A_4, %dma_start3A] : memref<10240x64xf32, #tpu.memory_space<vmem_shared>> -> memref<128x64xf32, #tpu.memory_space<vmem_shared>>
    %dma_start3A_6 = arith.constant 0 : i32
    %dma_start3A_7 = tpu.memref_slice %arg21[%add3A_4, %dma_start3A_6] : memref<10240x64xf32, #tpu.memory_space<vmem_shared>> -> memref<128x64xf32, #tpu.memory_space<vmem_shared>>
    tpu.enqueue_dma source(%arg9 : memref<128x64xf32, #tpu.memory_space<vmem>>) target(%dma_start3A_7 : memref<128x64xf32, #tpu.memory_space<vmem_shared>>) target_semaphore(%arg13 : memref<!tpu.dma_semaphore, #tpu.memory_space<semaphore_mem>>)
    %mul3A_8 = arith.constant 640 : i32
    %mul3A_9 = arith.muli %arg1, %mul3A_8 : i32
    %add3A_10 = arith.constant 128 : i32
    %add3A_11 = arith.addi %mul3A_9, %add3A_10 : i32
    %dma_start3A_12 = arith.constant 0 : i32
    %dma_start3A_13 = tpu.memref_slice %arg21[%add3A_11, %dma_start3A_12] : memref<10240x64xf32, #tpu.memory_space<vmem_shared>> -> memref<128x64xf32, #tpu.memory_space<vmem_shared>>
    %dma_start3A_14 = arith.constant 0 : i32
    %dma_start3A_15 = tpu.memref_slice %arg21[%add3A_11, %dma_start3A_14] : memref<10240x64xf32, #tpu.memory_space<vmem_shared>> -> memref<128x64xf32, #tpu.memory_space<vmem_shared>>
    tpu.enqueue_dma source(%arg9 : memref<128x64xf32, #tpu.memory_space<vmem>>) target(%dma_start3A_15 : memref<128x64xf32, #tpu.memory_space<vmem_shared>>) target_semaphore(%arg14 : memref<!tpu.dma_semaphore, #tpu.memory_space<semaphore_mem>>)
    %mul3A_16 = arith.constant 640 : i32
    %mul3A_17 = arith.muli %arg1, %mul3A_16 : i32
    %add3A_18 = arith.constant 256 : i32
    %add3A_19 = arith.addi %mul3A_17, %add3A_18 : i32
    %dma_start3A_20 = arith.constant 0 : i32
    %dma_start3A_21 = tpu.memref_slice %arg21[%add3A_19, %dma_start3A_20] : memref<10240x64xf32, #tpu.memory_space<vmem_shared>> -> memref<128x64xf32, #tpu.memory_space<vmem_shared>>
    %dma_start3A_22 = arith.constant 0 : i32
    %dma_start3A_23 = tpu.memref_slice %arg21[%add3A_19, %dma_start3A_22] : memref<10240x64xf32, #tpu.memory_space<vmem_shared>> -> memref<128x64xf32, #tpu.memory_space<vmem_shared>>
    tpu.enqueue_dma source(%arg9 : memref<128x64xf32, #tpu.memory_space<vmem>>) target(%dma_start3A_23 : memref<128x64xf32, #tpu.memory_space<vmem_shared>>) target_semaphore(%arg15 : memref<!tpu.dma_semaphore, #tpu.memory_space<semaphore_mem>>)
    %mul3A_24 = arith.constant 640 : i32
    %mul3A_25 = arith.muli %arg1, %mul3A_24 : i32
    %add3A_26 = arith.constant 384 : i32
    %add3A_27 = arith.addi %mul3A_25, %add3A_26 : i32
    %dma_start3A_28 = arith.constant 0 : i32
    %dma_start3A_29 = tpu.memref_slice %arg21[%add3A_27, %dma_start3A_28] : memref<10240x64xf32, #tpu.memory_space<vmem_shared>> -> memref<128x64xf32, #tpu.memory_space<vmem_shared>>
    %dma_start3A_30 = arith.constant 0 : i32
    %dma_start3A_31 = tpu.memref_slice %arg21[%add3A_27, %dma_start3A_30] : memref<10240x64xf32, #tpu.memory_space<vmem_shared>> -> memref<128x64xf32, #tpu.memory_space<vmem_shared>>
    tpu.enqueue_dma source(%arg9 : memref<128x64xf32, #tpu.memory_space<vmem>>) target(%dma_start3A_31 : memref<128x64xf32, #tpu.memory_space<vmem_shared>>) target_semaphore(%arg16 : memref<!tpu.dma_semaphore, #tpu.memory_space<semaphore_mem>>)
    %mul3A_32 = arith.constant 640 : i32
    %mul3A_33 = arith.muli %arg1, %mul3A_32 : i32
    %add3A_34 = arith.constant 512 : i32
    %add3A_35 = arith.addi %mul3A_33, %add3A_34 : i32
    %dma_start3A_36 = arith.constant 0 : i32
    %dma_start3A_37 = tpu.memref_slice %arg21[%add3A_35, %dma_start3A_36] : memref<10240x64xf32, #tpu.memory_space<vmem_shared>> -> memref<128x64xf32, #tpu.memory_space<vmem_shared>>
    %dma_start3A_38 = arith.constant 0 : i32
    %dma_start3A_39 = tpu.memref_slice %arg21[%add3A_35, %dma_start3A_38] : memref<10240x64xf32, #tpu.memory_space<vmem_shared>> -> memref<128x64xf32, #tpu.memory_space<vmem_shared>>
    tpu.enqueue_dma source(%arg9 : memref<128x64xf32, #tpu.memory_space<vmem>>) target(%dma_start3A_39 : memref<128x64xf32, #tpu.memory_space<vmem_shared>>) target_semaphore(%arg13 : memref<!tpu.dma_semaphore, #tpu.memory_space<semaphore_mem>>)
    %dma_wait3A = arith.constant 0 : i32
    %dma_wait3A_40 = tpu.memref_slice %arg21[%add3A_4, %dma_wait3A] : memref<10240x64xf32, #tpu.memory_space<vmem_shared>> -> memref<128x64xf32, #tpu.memory_space<vmem_shared>>
    %dma_wait3A_41 = arith.constant 0 : i32
    %dma_wait3A_42 = tpu.memref_slice %arg21[%add3A_4, %dma_wait3A_41] : memref<10240x64xf32, #tpu.memory_space<vmem_shared>> -> memref<128x64xf32, #tpu.memory_space<vmem_shared>>
    tpu.wait_dma2 semaphore(%arg13 : memref<!tpu.dma_semaphore, #tpu.memory_space<semaphore_mem>>) src(%arg9 : memref<128x64xf32, #tpu.memory_space<vmem>>) dst(%dma_wait3A_42 : memref<128x64xf32, #tpu.memory_space<vmem_shared>>)
    %dma_wait3A_43 = arith.constant 0 : i32
    %dma_wait3A_44 = tpu.memref_slice %arg21[%add3A_11, %dma_wait3A_43] : memref<10240x64xf32, #tpu.memory_space<vmem_shared>> -> memref<128x64xf32, #tpu.memory_space<vmem_shared>>
    %dma_wait3A_45 = arith.constant 0 : i32
    %dma_wait3A_46 = tpu.memref_slice %arg21[%add3A_11, %dma_wait3A_45] : memref<10240x64xf32, #tpu.memory_space<vmem_shared>> -> memref<128x64xf32, #tpu.memory_space<vmem_shared>>
    tpu.wait_dma2 semaphore(%arg14 : memref<!tpu.dma_semaphore, #tpu.memory_space<semaphore_mem>>) src(%arg9 : memref<128x64xf32, #tpu.memory_space<vmem>>) dst(%dma_wait3A_46 : memref<128x64xf32, #tpu.memory_space<vmem_shared>>)
    %dma_wait3A_47 = arith.constant 0 : i32
    %dma_wait3A_48 = tpu.memref_slice %arg21[%add3A_19, %dma_wait3A_47] : memref<10240x64xf32, #tpu.memory_space<vmem_shared>> -> memref<128x64xf32, #tpu.memory_space<vmem_shared>>
    %dma_wait3A_49 = arith.constant 0 : i32
    %dma_wait3A_50 = tpu.memref_slice %arg21[%add3A_19, %dma_wait3A_49] : memref<10240x64xf32, #tpu.memory_space<vmem_shared>> -> memref<128x64xf32, #tpu.memory_space<vmem_shared>>
    tpu.wait_dma2 semaphore(%arg15 : memref<!tpu.dma_semaphore, #tpu.memory_space<semaphore_mem>>) src(%arg9 : memref<128x64xf32, #tpu.memory_space<vmem>>) dst(%dma_wait3A_50 : memref<128x64xf32, #tpu.memory_space<vmem_shared>>)
    %dma_wait3A_51 = arith.constant 0 : i32
    %dma_wait3A_52 = tpu.memref_slice %arg21[%add3A_27, %dma_wait3A_51] : memref<10240x64xf32, #tpu.memory_space<vmem_shared>> -> memref<128x64xf32, #tpu.memory_space<vmem_shared>>
    %dma_wait3A_53 = arith.constant 0 : i32
    %dma_wait3A_54 = tpu.memref_slice %arg21[%add3A_27, %dma_wait3A_53] : memref<10240x64xf32, #tpu.memory_space<vmem_shared>> -> memref<128x64xf32, #tpu.memory_space<vmem_shared>>
    tpu.wait_dma2 semaphore(%arg16 : memref<!tpu.dma_semaphore, #tpu.memory_space<semaphore_mem>>) src(%arg9 : memref<128x64xf32, #tpu.memory_space<vmem>>) dst(%dma_wait3A_54 : memref<128x64xf32, #tpu.memory_space<vmem_shared>>)
    %dma_wait3A_55 = arith.constant 0 : i32
    %dma_wait3A_56 = tpu.memref_slice %arg21[%add3A_35, %dma_wait3A_55] : memref<10240x64xf32, #tpu.memory_space<vmem_shared>> -> memref<128x64xf32, #tpu.memory_space<vmem_shared>>
    %dma_wait3A_57 = arith.constant 0 : i32
    %dma_wait3A_58 = tpu.memref_slice %arg21[%add3A_35, %dma_wait3A_57] : memref<10240x64xf32, #tpu.memory_space<vmem_shared>> -> memref<128x64xf32, #tpu.memory_space<vmem_shared>>
    tpu.wait_dma2 semaphore(%arg13 : memref<!tpu.dma_semaphore, #tpu.memory_space<semaphore_mem>>) src(%arg9 : memref<128x64xf32, #tpu.memory_space<vmem>>) dst(%dma_wait3A_58 : memref<128x64xf32, #tpu.memory_space<vmem_shared>>)
    %barrier3A = arith.constant 0 : index
    tpu.barrier barrier_id(%barrier3A)
    %scan3A = arith.constant 0 : i32
    %scan3A_59 = arith.constant 0 : i32
    %scan3A_60 = arith.constant 40 : i32
    %scan3A_61 = arith.addi %scan3A_59, %scan3A_60 : i32
    %scan3A_62 = arith.constant 1 : i32
    scf.for %scan3A_200 = %scan3A_59 to %scan3A_61 step %scan3A_62  : i32 {
      %mul3A_201 = arith.constant 4 : i32
      %mul3A_202 = arith.muli %scan3A_200, %mul3A_201 : i32
      %add3A_203 = arith.constant 0 : i32
      %add3A_204 = arith.addi %mul3A_202, %add3A_203 : i32
      %dma_start3A_205 = arith.constant 0 : i32
      %dma_start3A_206 = tpu.memref_slice %arg7[%add3A_204, %dma_start3A_205] : memref<160x128xi32, #tpu.memory_space<vmem>> -> memref<1x128xi32, #tpu.memory_space<vmem>>
      %dma_start3A_207 = tpu.memref_squeeze %dma_start3A_206 : memref<1x128xi32, #tpu.memory_space<vmem>> -> memref<128xi32, #tpu.memory_space<vmem>>
      %dma_start3A_208 = arith.constant 0 : i32
      %dma_start3A_209 = arith.constant 0 : i32
      %dma_start3A_210 = tpu.memref_slice %arg2[%dma_start3A_208, %dma_start3A_209] : memref<20000x64xf32, #tpu.memory_space<hbm>> -> memref<20000x64xf32, #tpu.memory_space<hbm>>
      tpu.enqueue_indirect_dma source(%dma_start3A_210 : memref<20000x64xf32, #tpu.memory_space<hbm>>) target(%arg9 : memref<128x64xf32, #tpu.memory_space<vmem>>) offsets(%dma_start3A_207 : memref<128xi32, #tpu.memory_space<vmem>>) semaphore(%arg13 : memref<!tpu.dma_semaphore, #tpu.memory_space<semaphore_mem>>)
      %add3A_211 = arith.constant 1 : i32
      %add3A_212 = arith.addi %mul3A_202, %add3A_211 : i32
      %dma_start3A_213 = arith.constant 0 : i32
      %dma_start3A_214 = tpu.memref_slice %arg7[%add3A_212, %dma_start3A_213] : memref<160x128xi32, #tpu.memory_space<vmem>> -> memref<1x128xi32, #tpu.memory_space<vmem>>
      %dma_start3A_215 = tpu.memref_squeeze %dma_start3A_214 : memref<1x128xi32, #tpu.memory_space<vmem>> -> memref<128xi32, #tpu.memory_space<vmem>>
      %dma_start3A_216 = arith.constant 0 : i32
      %dma_start3A_217 = arith.constant 0 : i32
      %dma_start3A_218 = tpu.memref_slice %arg2[%dma_start3A_216, %dma_start3A_217] : memref<20000x64xf32, #tpu.memory_space<hbm>> -> memref<20000x64xf32, #tpu.memory_space<hbm>>
      tpu.enqueue_indirect_dma source(%dma_start3A_218 : memref<20000x64xf32, #tpu.memory_space<hbm>>) target(%arg10 : memref<128x64xf32, #tpu.memory_space<vmem>>) offsets(%dma_start3A_215 : memref<128xi32, #tpu.memory_space<vmem>>) semaphore(%arg14 : memref<!tpu.dma_semaphore, #tpu.memory_space<semaphore_mem>>)
      %add3A_219 = arith.constant 2 : i32
      %add3A_220 = arith.addi %mul3A_202, %add3A_219 : i32
      %dma_start3A_221 = arith.constant 0 : i32
      %dma_start3A_222 = tpu.memref_slice %arg7[%add3A_220, %dma_start3A_221] : memref<160x128xi32, #tpu.memory_space<vmem>> -> memref<1x128xi32, #tpu.memory_space<vmem>>
      %dma_start3A_223 = tpu.memref_squeeze %dma_start3A_222 : memref<1x128xi32, #tpu.memory_space<vmem>> -> memref<128xi32, #tpu.memory_space<vmem>>
      %dma_start3A_224 = arith.constant 0 : i32
      %dma_start3A_225 = arith.constant 0 : i32
      %dma_start3A_226 = tpu.memref_slice %arg2[%dma_start3A_224, %dma_start3A_225] : memref<20000x64xf32, #tpu.memory_space<hbm>> -> memref<20000x64xf32, #tpu.memory_space<hbm>>
      tpu.enqueue_indirect_dma source(%dma_start3A_226 : memref<20000x64xf32, #tpu.memory_space<hbm>>) target(%arg11 : memref<128x64xf32, #tpu.memory_space<vmem>>) offsets(%dma_start3A_223 : memref<128xi32, #tpu.memory_space<vmem>>) semaphore(%arg15 : memref<!tpu.dma_semaphore, #tpu.memory_space<semaphore_mem>>)
      %add3A_227 = arith.constant 3 : i32
      %add3A_228 = arith.addi %mul3A_202, %add3A_227 : i32
      %dma_start3A_229 = arith.constant 0 : i32
      %dma_start3A_230 = tpu.memref_slice %arg7[%add3A_228, %dma_start3A_229] : memref<160x128xi32, #tpu.memory_space<vmem>> -> memref<1x128xi32, #tpu.memory_space<vmem>>
      %dma_start3A_231 = tpu.memref_squeeze %dma_start3A_230 : memref<1x128xi32, #tpu.memory_space<vmem>> -> memref<128xi32, #tpu.memory_space<vmem>>
      %dma_start3A_232 = arith.constant 0 : i32
      %dma_start3A_233 = arith.constant 0 : i32
      %dma_start3A_234 = tpu.memref_slice %arg2[%dma_start3A_232, %dma_start3A_233] : memref<20000x64xf32, #tpu.memory_space<hbm>> -> memref<20000x64xf32, #tpu.memory_space<hbm>>
      tpu.enqueue_indirect_dma source(%dma_start3A_234 : memref<20000x64xf32, #tpu.memory_space<hbm>>) target(%arg12 : memref<128x64xf32, #tpu.memory_space<vmem>>) offsets(%dma_start3A_231 : memref<128xi32, #tpu.memory_space<vmem>>) semaphore(%arg16 : memref<!tpu.dma_semaphore, #tpu.memory_space<semaphore_mem>>)
      %dma_wait3A_235 = arith.constant 0 : i32
      %dma_wait3A_236 = tpu.memref_slice %arg7[%add3A_204, %dma_wait3A_235] : memref<160x128xi32, #tpu.memory_space<vmem>> -> memref<1x128xi32, #tpu.memory_space<vmem>>
      %dma_wait3A_237 = tpu.memref_squeeze %dma_wait3A_236 : memref<1x128xi32, #tpu.memory_space<vmem>> -> memref<128xi32, #tpu.memory_space<vmem>>
      %dma_wait3A_238 = arith.constant 0 : i32
      %dma_wait3A_239 = arith.constant 0 : i32
      %dma_wait3A_240 = tpu.memref_slice %arg2[%dma_wait3A_238, %dma_wait3A_239] : memref<20000x64xf32, #tpu.memory_space<hbm>> -> memref<20000x64xf32, #tpu.memory_space<hbm>>
      tpu.wait_indirect_dma semaphore(%arg13 : memref<!tpu.dma_semaphore, #tpu.memory_space<semaphore_mem>>) src(%dma_wait3A_240 : memref<20000x64xf32, #tpu.memory_space<hbm>>) dst(%arg9 : memref<128x64xf32, #tpu.memory_space<vmem>>)
      %add3A_241 = arith.constant 0 : i32
      %add3A_242 = arith.addi %mul3A_202, %add3A_241 : i32
      %dma_start3A_243 = arith.constant 0 : i32
      %dma_start3A_244 = tpu.memref_slice %arg8[%add3A_242, %dma_start3A_243] : memref<160x128xi32, #tpu.memory_space<vmem>> -> memref<1x128xi32, #tpu.memory_space<vmem>>
      %dma_start3A_245 = tpu.memref_squeeze %dma_start3A_244 : memref<1x128xi32, #tpu.memory_space<vmem>> -> memref<128xi32, #tpu.memory_space<vmem>>
      %dma_start3A_246 = arith.constant 0 : i32
      %dma_start3A_247 = arith.constant 0 : i32
      %dma_start3A_248 = tpu.memref_slice %arg21[%dma_start3A_246, %dma_start3A_247] : memref<10240x64xf32, #tpu.memory_space<vmem_shared>> -> memref<10240x64xf32, #tpu.memory_space<vmem_shared>>
      tpu.enqueue_indirect_dma source(%arg9 : memref<128x64xf32, #tpu.memory_space<vmem>>) target(%dma_start3A_248 : memref<10240x64xf32, #tpu.memory_space<vmem_shared>>) offsets(%dma_start3A_245 : memref<128xi32, #tpu.memory_space<vmem>>) semaphore(%arg17 : memref<!tpu.dma_semaphore, #tpu.memory_space<semaphore_mem>>) {add = true}
      %dma_wait3A_249 = arith.constant 0 : i32
      %dma_wait3A_250 = tpu.memref_slice %arg7[%add3A_212, %dma_wait3A_249] : memref<160x128xi32, #tpu.memory_space<vmem>> -> memref<1x128xi32, #tpu.memory_space<vmem>>
      %dma_wait3A_251 = tpu.memref_squeeze %dma_wait3A_250 : memref<1x128xi32, #tpu.memory_space<vmem>> -> memref<128xi32, #tpu.memory_space<vmem>>
      %dma_wait3A_252 = arith.constant 0 : i32
      %dma_wait3A_253 = arith.constant 0 : i32
      %dma_wait3A_254 = tpu.memref_slice %arg2[%dma_wait3A_252, %dma_wait3A_253] : memref<20000x64xf32, #tpu.memory_space<hbm>> -> memref<20000x64xf32, #tpu.memory_space<hbm>>
      tpu.wait_indirect_dma semaphore(%arg14 : memref<!tpu.dma_semaphore, #tpu.memory_space<semaphore_mem>>) src(%dma_wait3A_254 : memref<20000x64xf32, #tpu.memory_space<hbm>>) dst(%arg10 : memref<128x64xf32, #tpu.memory_space<vmem>>)
      %add3A_255 = arith.constant 1 : i32
      %add3A_256 = arith.addi %mul3A_202, %add3A_255 : i32
      %dma_start3A_257 = arith.constant 0 : i32
      %dma_start3A_258 = tpu.memref_slice %arg8[%add3A_256, %dma_start3A_257] : memref<160x128xi32, #tpu.memory_space<vmem>> -> memref<1x128xi32, #tpu.memory_space<vmem>>
      %dma_start3A_259 = tpu.memref_squeeze %dma_start3A_258 : memref<1x128xi32, #tpu.memory_space<vmem>> -> memref<128xi32, #tpu.memory_space<vmem>>
      %dma_start3A_260 = arith.constant 0 : i32
      %dma_start3A_261 = arith.constant 0 : i32
      %dma_start3A_262 = tpu.memref_slice %arg21[%dma_start3A_260, %dma_start3A_261] : memref<10240x64xf32, #tpu.memory_space<vmem_shared>> -> memref<10240x64xf32, #tpu.memory_space<vmem_shared>>
      tpu.enqueue_indirect_dma source(%arg10 : memref<128x64xf32, #tpu.memory_space<vmem>>) target(%dma_start3A_262 : memref<10240x64xf32, #tpu.memory_space<vmem_shared>>) offsets(%dma_start3A_259 : memref<128xi32, #tpu.memory_space<vmem>>) semaphore(%arg18 : memref<!tpu.dma_semaphore, #tpu.memory_space<semaphore_mem>>) {add = true}
      %dma_wait3A_263 = arith.constant 0 : i32
      %dma_wait3A_264 = tpu.memref_slice %arg7[%add3A_220, %dma_wait3A_263] : memref<160x128xi32, #tpu.memory_space<vmem>> -> memref<1x128xi32, #tpu.memory_space<vmem>>
      %dma_wait3A_265 = tpu.memref_squeeze %dma_wait3A_264 : memref<1x128xi32, #tpu.memory_space<vmem>> -> memref<128xi32, #tpu.memory_space<vmem>>
      %dma_wait3A_266 = arith.constant 0 : i32
      %dma_wait3A_267 = arith.constant 0 : i32
      %dma_wait3A_268 = tpu.memref_slice %arg2[%dma_wait3A_266, %dma_wait3A_267] : memref<20000x64xf32, #tpu.memory_space<hbm>> -> memref<20000x64xf32, #tpu.memory_space<hbm>>
      tpu.wait_indirect_dma semaphore(%arg15 : memref<!tpu.dma_semaphore, #tpu.memory_space<semaphore_mem>>) src(%dma_wait3A_268 : memref<20000x64xf32, #tpu.memory_space<hbm>>) dst(%arg11 : memref<128x64xf32, #tpu.memory_space<vmem>>)
      %add3A_269 = arith.constant 2 : i32
      %add3A_270 = arith.addi %mul3A_202, %add3A_269 : i32
      %dma_start3A_271 = arith.constant 0 : i32
      %dma_start3A_272 = tpu.memref_slice %arg8[%add3A_270, %dma_start3A_271] : memref<160x128xi32, #tpu.memory_space<vmem>> -> memref<1x128xi32, #tpu.memory_space<vmem>>
      %dma_start3A_273 = tpu.memref_squeeze %dma_start3A_272 : memref<1x128xi32, #tpu.memory_space<vmem>> -> memref<128xi32, #tpu.memory_space<vmem>>
      %dma_start3A_274 = arith.constant 0 : i32
      %dma_start3A_275 = arith.constant 0 : i32
      %dma_start3A_276 = tpu.memref_slice %arg21[%dma_start3A_274, %dma_start3A_275] : memref<10240x64xf32, #tpu.memory_space<vmem_shared>> -> memref<10240x64xf32, #tpu.memory_space<vmem_shared>>
      tpu.enqueue_indirect_dma source(%arg11 : memref<128x64xf32, #tpu.memory_space<vmem>>) target(%dma_start3A_276 : memref<10240x64xf32, #tpu.memory_space<vmem_shared>>) offsets(%dma_start3A_273 : memref<128xi32, #tpu.memory_space<vmem>>) semaphore(%arg19 : memref<!tpu.dma_semaphore, #tpu.memory_space<semaphore_mem>>) {add = true}
      %dma_wait3A_277 = arith.constant 0 : i32
      %dma_wait3A_278 = tpu.memref_slice %arg7[%add3A_228, %dma_wait3A_277] : memref<160x128xi32, #tpu.memory_space<vmem>> -> memref<1x128xi32, #tpu.memory_space<vmem>>
      %dma_wait3A_279 = tpu.memref_squeeze %dma_wait3A_278 : memref<1x128xi32, #tpu.memory_space<vmem>> -> memref<128xi32, #tpu.memory_space<vmem>>
      %dma_wait3A_280 = arith.constant 0 : i32
      %dma_wait3A_281 = arith.constant 0 : i32
      %dma_wait3A_282 = tpu.memref_slice %arg2[%dma_wait3A_280, %dma_wait3A_281] : memref<20000x64xf32, #tpu.memory_space<hbm>> -> memref<20000x64xf32, #tpu.memory_space<hbm>>
      tpu.wait_indirect_dma semaphore(%arg16 : memref<!tpu.dma_semaphore, #tpu.memory_space<semaphore_mem>>) src(%dma_wait3A_282 : memref<20000x64xf32, #tpu.memory_space<hbm>>) dst(%arg12 : memref<128x64xf32, #tpu.memory_space<vmem>>)
      %add3A_283 = arith.constant 3 : i32
      %add3A_284 = arith.addi %mul3A_202, %add3A_283 : i32
      %dma_start3A_285 = arith.constant 0 : i32
      %dma_start3A_286 = tpu.memref_slice %arg8[%add3A_284, %dma_start3A_285] : memref<160x128xi32, #tpu.memory_space<vmem>> -> memref<1x128xi32, #tpu.memory_space<vmem>>
      %dma_start3A_287 = tpu.memref_squeeze %dma_start3A_286 : memref<1x128xi32, #tpu.memory_space<vmem>> -> memref<128xi32, #tpu.memory_space<vmem>>
      %dma_start3A_288 = arith.constant 0 : i32
      %dma_start3A_289 = arith.constant 0 : i32
      %dma_start3A_290 = tpu.memref_slice %arg21[%dma_start3A_288, %dma_start3A_289] : memref<10240x64xf32, #tpu.memory_space<vmem_shared>> -> memref<10240x64xf32, #tpu.memory_space<vmem_shared>>
      tpu.enqueue_indirect_dma source(%arg12 : memref<128x64xf32, #tpu.memory_space<vmem>>) target(%dma_start3A_290 : memref<10240x64xf32, #tpu.memory_space<vmem_shared>>) offsets(%dma_start3A_287 : memref<128xi32, #tpu.memory_space<vmem>>) semaphore(%arg20 : memref<!tpu.dma_semaphore, #tpu.memory_space<semaphore_mem>>) {add = true}
      %dma_wait3A_291 = arith.constant 0 : i32
      %dma_wait3A_292 = tpu.memref_slice %arg8[%add3A_242, %dma_wait3A_291] : memref<160x128xi32, #tpu.memory_space<vmem>> -> memref<1x128xi32, #tpu.memory_space<vmem>>
      %dma_wait3A_293 = tpu.memref_squeeze %dma_wait3A_292 : memref<1x128xi32, #tpu.memory_space<vmem>> -> memref<128xi32, #tpu.memory_space<vmem>>
      %dma_wait3A_294 = arith.constant 0 : i32
      %dma_wait3A_295 = arith.constant 0 : i32
      %dma_wait3A_296 = tpu.memref_slice %arg21[%dma_wait3A_294, %dma_wait3A_295] : memref<10240x64xf32, #tpu.memory_space<vmem_shared>> -> memref<10240x64xf32, #tpu.memory_space<vmem_shared>>
      tpu.wait_indirect_dma semaphore(%arg17 : memref<!tpu.dma_semaphore, #tpu.memory_space<semaphore_mem>>) src(%arg9 : memref<128x64xf32, #tpu.memory_space<vmem>>) dst(%dma_wait3A_296 : memref<10240x64xf32, #tpu.memory_space<vmem_shared>>)
      %dma_wait3A_297 = arith.constant 0 : i32
      %dma_wait3A_298 = tpu.memref_slice %arg8[%add3A_256, %dma_wait3A_297] : memref<160x128xi32, #tpu.memory_space<vmem>> -> memref<1x128xi32, #tpu.memory_space<vmem>>
      %dma_wait3A_299 = tpu.memref_squeeze %dma_wait3A_298 : memref<1x128xi32, #tpu.memory_space<vmem>> -> memref<128xi32, #tpu.memory_space<vmem>>
      %dma_wait3A_300 = arith.constant 0 : i32
      %dma_wait3A_301 = arith.constant 0 : i32
      %dma_wait3A_302 = tpu.memref_slice %arg21[%dma_wait3A_300, %dma_wait3A_301] : memref<10240x64xf32, #tpu.memory_space<vmem_shared>> -> memref<10240x64xf32, #tpu.memory_space<vmem_shared>>
      tpu.wait_indirect_dma semaphore(%arg18 : memref<!tpu.dma_semaphore, #tpu.memory_space<semaphore_mem>>) src(%arg10 : memref<128x64xf32, #tpu.memory_space<vmem>>) dst(%dma_wait3A_302 : memref<10240x64xf32, #tpu.memory_space<vmem_shared>>)
      %dma_wait3A_303 = arith.constant 0 : i32
      %dma_wait3A_304 = tpu.memref_slice %arg8[%add3A_270, %dma_wait3A_303] : memref<160x128xi32, #tpu.memory_space<vmem>> -> memref<1x128xi32, #tpu.memory_space<vmem>>
      %dma_wait3A_305 = tpu.memref_squeeze %dma_wait3A_304 : memref<1x128xi32, #tpu.memory_space<vmem>> -> memref<128xi32, #tpu.memory_space<vmem>>
      %dma_wait3A_306 = arith.constant 0 : i32
      %dma_wait3A_307 = arith.constant 0 : i32
      %dma_wait3A_308 = tpu.memref_slice %arg21[%dma_wait3A_306, %dma_wait3A_307] : memref<10240x64xf32, #tpu.memory_space<vmem_shared>> -> memref<10240x64xf32, #tpu.memory_space<vmem_shared>>
      tpu.wait_indirect_dma semaphore(%arg19 : memref<!tpu.dma_semaphore, #tpu.memory_space<semaphore_mem>>) src(%arg11 : memref<128x64xf32, #tpu.memory_space<vmem>>) dst(%dma_wait3A_308 : memref<10240x64xf32, #tpu.memory_space<vmem_shared>>)
      %dma_wait3A_309 = arith.constant 0 : i32
      %dma_wait3A_310 = tpu.memref_slice %arg8[%add3A_284, %dma_wait3A_309] : memref<160x128xi32, #tpu.memory_space<vmem>> -> memref<1x128xi32, #tpu.memory_space<vmem>>
      %dma_wait3A_311 = tpu.memref_squeeze %dma_wait3A_310 : memref<1x128xi32, #tpu.memory_space<vmem>> -> memref<128xi32, #tpu.memory_space<vmem>>
      %dma_wait3A_312 = arith.constant 0 : i32
      %dma_wait3A_313 = arith.constant 0 : i32
      %dma_wait3A_314 = tpu.memref_slice %arg21[%dma_wait3A_312, %dma_wait3A_313] : memref<10240x64xf32, #tpu.memory_space<vmem_shared>> -> memref<10240x64xf32, #tpu.memory_space<vmem_shared>>
      tpu.wait_indirect_dma semaphore(%arg20 : memref<!tpu.dma_semaphore, #tpu.memory_space<semaphore_mem>>) src(%arg12 : memref<128x64xf32, #tpu.memory_space<vmem>>) dst(%dma_wait3A_314 : memref<10240x64xf32, #tpu.memory_space<vmem_shared>>)
    }
    %scan3A_63 = arith.constant 40 : i32
    %barrier3A_64 = arith.constant 0 : index
    tpu.barrier barrier_id(%barrier3A_64)
    %mul3A_65 = arith.constant 640 : i32
    %mul3A_66 = arith.muli %arg1, %mul3A_65 : i32
    %add3A_67 = arith.constant 0 : i32
    %add3A_68 = arith.addi %mul3A_66, %add3A_67 : i32
    %dma_start3A_69 = arith.constant 0 : i32
    %dma_start3A_70 = tpu.memref_slice %arg21[%add3A_68, %dma_start3A_69] : memref<10240x64xf32, #tpu.memory_space<vmem_shared>> -> memref<128x64xf32, #tpu.memory_space<vmem_shared>>
    %dma_start3A_71 = arith.constant 0 : i32
    %dma_start3A_72 = tpu.memref_slice %arg21[%add3A_68, %dma_start3A_71] : memref<10240x64xf32, #tpu.memory_space<vmem_shared>> -> memref<128x64xf32, #tpu.memory_space<vmem_shared>>
    tpu.enqueue_dma source(%dma_start3A_72 : memref<128x64xf32, #tpu.memory_space<vmem_shared>>) target(%arg9 : memref<128x64xf32, #tpu.memory_space<vmem>>) target_semaphore(%arg13 : memref<!tpu.dma_semaphore, #tpu.memory_space<semaphore_mem>>)
    %mul3A_73 = arith.constant 640 : i32
    %mul3A_74 = arith.muli %arg1, %mul3A_73 : i32
    %add3A_75 = arith.constant 128 : i32
    %add3A_76 = arith.addi %mul3A_74, %add3A_75 : i32
    %dma_start3A_77 = arith.constant 0 : i32
    %dma_start3A_78 = tpu.memref_slice %arg21[%add3A_76, %dma_start3A_77] : memref<10240x64xf32, #tpu.memory_space<vmem_shared>> -> memref<128x64xf32, #tpu.memory_space<vmem_shared>>
    %dma_start3A_79 = arith.constant 0 : i32
    %dma_start3A_80 = tpu.memref_slice %arg21[%add3A_76, %dma_start3A_79] : memref<10240x64xf32, #tpu.memory_space<vmem_shared>> -> memref<128x64xf32, #tpu.memory_space<vmem_shared>>
    tpu.enqueue_dma source(%dma_start3A_80 : memref<128x64xf32, #tpu.memory_space<vmem_shared>>) target(%arg10 : memref<128x64xf32, #tpu.memory_space<vmem>>) target_semaphore(%arg14 : memref<!tpu.dma_semaphore, #tpu.memory_space<semaphore_mem>>)
    %mul3A_81 = arith.constant 640 : i32
    %mul3A_82 = arith.muli %arg1, %mul3A_81 : i32
    %add3A_83 = arith.constant 256 : i32
    %add3A_84 = arith.addi %mul3A_82, %add3A_83 : i32
    %dma_start3A_85 = arith.constant 0 : i32
    %dma_start3A_86 = tpu.memref_slice %arg21[%add3A_84, %dma_start3A_85] : memref<10240x64xf32, #tpu.memory_space<vmem_shared>> -> memref<128x64xf32, #tpu.memory_space<vmem_shared>>
    %dma_start3A_87 = arith.constant 0 : i32
    %dma_start3A_88 = tpu.memref_slice %arg21[%add3A_84, %dma_start3A_87] : memref<10240x64xf32, #tpu.memory_space<vmem_shared>> -> memref<128x64xf32, #tpu.memory_space<vmem_shared>>
    tpu.enqueue_dma source(%dma_start3A_88 : memref<128x64xf32, #tpu.memory_space<vmem_shared>>) target(%arg11 : memref<128x64xf32, #tpu.memory_space<vmem>>) target_semaphore(%arg15 : memref<!tpu.dma_semaphore, #tpu.memory_space<semaphore_mem>>)
    %mul3A_89 = arith.constant 640 : i32
    %mul3A_90 = arith.muli %arg1, %mul3A_89 : i32
    %add3A_91 = arith.constant 384 : i32
    %add3A_92 = arith.addi %mul3A_90, %add3A_91 : i32
    %dma_start3A_93 = arith.constant 0 : i32
    %dma_start3A_94 = tpu.memref_slice %arg21[%add3A_92, %dma_start3A_93] : memref<10240x64xf32, #tpu.memory_space<vmem_shared>> -> memref<128x64xf32, #tpu.memory_space<vmem_shared>>
    %dma_start3A_95 = arith.constant 0 : i32
    %dma_start3A_96 = tpu.memref_slice %arg21[%add3A_92, %dma_start3A_95] : memref<10240x64xf32, #tpu.memory_space<vmem_shared>> -> memref<128x64xf32, #tpu.memory_space<vmem_shared>>
    tpu.enqueue_dma source(%dma_start3A_96 : memref<128x64xf32, #tpu.memory_space<vmem_shared>>) target(%arg12 : memref<128x64xf32, #tpu.memory_space<vmem>>) target_semaphore(%arg16 : memref<!tpu.dma_semaphore, #tpu.memory_space<semaphore_mem>>)
    %dma_wait3A_97 = arith.constant 0 : i32
    %dma_wait3A_98 = tpu.memref_slice %arg21[%add3A_68, %dma_wait3A_97] : memref<10240x64xf32, #tpu.memory_space<vmem_shared>> -> memref<128x64xf32, #tpu.memory_space<vmem_shared>>
    %dma_wait3A_99 = arith.constant 0 : i32
    %dma_wait3A_100 = tpu.memref_slice %arg21[%add3A_68, %dma_wait3A_99] : memref<10240x64xf32, #tpu.memory_space<vmem_shared>> -> memref<128x64xf32, #tpu.memory_space<vmem_shared>>
    tpu.wait_dma2 semaphore(%arg13 : memref<!tpu.dma_semaphore, #tpu.memory_space<semaphore_mem>>) src(%dma_wait3A_100 : memref<128x64xf32, #tpu.memory_space<vmem_shared>>) dst(%arg9 : memref<128x64xf32, #tpu.memory_space<vmem>>)
    %mul3A_101 = arith.constant 10240 : i32
    %mul3A_102 = arith.muli %arg0, %mul3A_101 : i32
    %mul3A_103 = arith.constant 640 : i32
    %mul3A_104 = arith.muli %arg1, %mul3A_103 : i32
    %add3A_105 = arith.addi %mul3A_102, %mul3A_104 : i32
    %add3A_106 = arith.constant 0 : i32
    %add3A_107 = arith.addi %add3A_105, %add3A_106 : i32
    %dma_start3A_108 = arith.constant 0 : i32
    %dma_start3A_109 = tpu.memref_slice %arg6[%add3A_107, %dma_start3A_108] : memref<20480x64xf32, #tpu.memory_space<hbm>> -> memref<128x64xf32, #tpu.memory_space<hbm>>
    %dma_start3A_110 = arith.constant 0 : i32
    %dma_start3A_111 = tpu.memref_slice %arg6[%add3A_107, %dma_start3A_110] : memref<20480x64xf32, #tpu.memory_space<hbm>> -> memref<128x64xf32, #tpu.memory_space<hbm>>
    tpu.enqueue_dma source(%arg9 : memref<128x64xf32, #tpu.memory_space<vmem>>) target(%dma_start3A_111 : memref<128x64xf32, #tpu.memory_space<hbm>>) target_semaphore(%arg17 : memref<!tpu.dma_semaphore, #tpu.memory_space<semaphore_mem>>)
    %dma_wait3A_112 = arith.constant 0 : i32
    %dma_wait3A_113 = tpu.memref_slice %arg21[%add3A_76, %dma_wait3A_112] : memref<10240x64xf32, #tpu.memory_space<vmem_shared>> -> memref<128x64xf32, #tpu.memory_space<vmem_shared>>
    %dma_wait3A_114 = arith.constant 0 : i32
    %dma_wait3A_115 = tpu.memref_slice %arg21[%add3A_76, %dma_wait3A_114] : memref<10240x64xf32, #tpu.memory_space<vmem_shared>> -> memref<128x64xf32, #tpu.memory_space<vmem_shared>>
    tpu.wait_dma2 semaphore(%arg14 : memref<!tpu.dma_semaphore, #tpu.memory_space<semaphore_mem>>) src(%dma_wait3A_115 : memref<128x64xf32, #tpu.memory_space<vmem_shared>>) dst(%arg10 : memref<128x64xf32, #tpu.memory_space<vmem>>)
    %mul3A_116 = arith.constant 10240 : i32
    %mul3A_117 = arith.muli %arg0, %mul3A_116 : i32
    %mul3A_118 = arith.constant 640 : i32
    %mul3A_119 = arith.muli %arg1, %mul3A_118 : i32
    %add3A_120 = arith.addi %mul3A_117, %mul3A_119 : i32
    %add3A_121 = arith.constant 128 : i32
    %add3A_122 = arith.addi %add3A_120, %add3A_121 : i32
    %dma_start3A_123 = arith.constant 0 : i32
    %dma_start3A_124 = tpu.memref_slice %arg6[%add3A_122, %dma_start3A_123] : memref<20480x64xf32, #tpu.memory_space<hbm>> -> memref<128x64xf32, #tpu.memory_space<hbm>>
    %dma_start3A_125 = arith.constant 0 : i32
    %dma_start3A_126 = tpu.memref_slice %arg6[%add3A_122, %dma_start3A_125] : memref<20480x64xf32, #tpu.memory_space<hbm>> -> memref<128x64xf32, #tpu.memory_space<hbm>>
    tpu.enqueue_dma source(%arg10 : memref<128x64xf32, #tpu.memory_space<vmem>>) target(%dma_start3A_126 : memref<128x64xf32, #tpu.memory_space<hbm>>) target_semaphore(%arg18 : memref<!tpu.dma_semaphore, #tpu.memory_space<semaphore_mem>>)
    %dma_wait3A_127 = arith.constant 0 : i32
    %dma_wait3A_128 = tpu.memref_slice %arg21[%add3A_84, %dma_wait3A_127] : memref<10240x64xf32, #tpu.memory_space<vmem_shared>> -> memref<128x64xf32, #tpu.memory_space<vmem_shared>>
    %dma_wait3A_129 = arith.constant 0 : i32
    %dma_wait3A_130 = tpu.memref_slice %arg21[%add3A_84, %dma_wait3A_129] : memref<10240x64xf32, #tpu.memory_space<vmem_shared>> -> memref<128x64xf32, #tpu.memory_space<vmem_shared>>
    tpu.wait_dma2 semaphore(%arg15 : memref<!tpu.dma_semaphore, #tpu.memory_space<semaphore_mem>>) src(%dma_wait3A_130 : memref<128x64xf32, #tpu.memory_space<vmem_shared>>) dst(%arg11 : memref<128x64xf32, #tpu.memory_space<vmem>>)
    %mul3A_131 = arith.constant 10240 : i32
    %mul3A_132 = arith.muli %arg0, %mul3A_131 : i32
    %mul3A_133 = arith.constant 640 : i32
    %mul3A_134 = arith.muli %arg1, %mul3A_133 : i32
    %add3A_135 = arith.addi %mul3A_132, %mul3A_134 : i32
    %add3A_136 = arith.constant 256 : i32
    %add3A_137 = arith.addi %add3A_135, %add3A_136 : i32
    %dma_start3A_138 = arith.constant 0 : i32
    %dma_start3A_139 = tpu.memref_slice %arg6[%add3A_137, %dma_start3A_138] : memref<20480x64xf32, #tpu.memory_space<hbm>> -> memref<128x64xf32, #tpu.memory_space<hbm>>
    %dma_start3A_140 = arith.constant 0 : i32
    %dma_start3A_141 = tpu.memref_slice %arg6[%add3A_137, %dma_start3A_140] : memref<20480x64xf32, #tpu.memory_space<hbm>> -> memref<128x64xf32, #tpu.memory_space<hbm>>
    tpu.enqueue_dma source(%arg11 : memref<128x64xf32, #tpu.memory_space<vmem>>) target(%dma_start3A_141 : memref<128x64xf32, #tpu.memory_space<hbm>>) target_semaphore(%arg19 : memref<!tpu.dma_semaphore, #tpu.memory_space<semaphore_mem>>)
    %dma_wait3A_142 = arith.constant 0 : i32
    %dma_wait3A_143 = tpu.memref_slice %arg21[%add3A_92, %dma_wait3A_142] : memref<10240x64xf32, #tpu.memory_space<vmem_shared>> -> memref<128x64xf32, #tpu.memory_space<vmem_shared>>
    %dma_wait3A_144 = arith.constant 0 : i32
    %dma_wait3A_145 = tpu.memref_slice %arg21[%add3A_92, %dma_wait3A_144] : memref<10240x64xf32, #tpu.memory_space<vmem_shared>> -> memref<128x64xf32, #tpu.memory_space<vmem_shared>>
    tpu.wait_dma2 semaphore(%arg16 : memref<!tpu.dma_semaphore, #tpu.memory_space<semaphore_mem>>) src(%dma_wait3A_145 : memref<128x64xf32, #tpu.memory_space<vmem_shared>>) dst(%arg12 : memref<128x64xf32, #tpu.memory_space<vmem>>)
    %mul3A_146 = arith.constant 10240 : i32
    %mul3A_147 = arith.muli %arg0, %mul3A_146 : i32
    %mul3A_148 = arith.constant 640 : i32
    %mul3A_149 = arith.muli %arg1, %mul3A_148 : i32
    %add3A_150 = arith.addi %mul3A_147, %mul3A_149 : i32
    %add3A_151 = arith.constant 384 : i32
    %add3A_152 = arith.addi %add3A_150, %add3A_151 : i32
    %dma_start3A_153 = arith.constant 0 : i32
    %dma_start3A_154 = tpu.memref_slice %arg6[%add3A_152, %dma_start3A_153] : memref<20480x64xf32, #tpu.memory_space<hbm>> -> memref<128x64xf32, #tpu.memory_space<hbm>>
    %dma_start3A_155 = arith.constant 0 : i32
    %dma_start3A_156 = tpu.memref_slice %arg6[%add3A_152, %dma_start3A_155] : memref<20480x64xf32, #tpu.memory_space<hbm>> -> memref<128x64xf32, #tpu.memory_space<hbm>>
    tpu.enqueue_dma source(%arg12 : memref<128x64xf32, #tpu.memory_space<vmem>>) target(%dma_start3A_156 : memref<128x64xf32, #tpu.memory_space<hbm>>) target_semaphore(%arg20 : memref<!tpu.dma_semaphore, #tpu.memory_space<semaphore_mem>>)
    %dma_wait3A_157 = arith.constant 0 : i32
    %dma_wait3A_158 = tpu.memref_slice %arg6[%add3A_107, %dma_wait3A_157] : memref<20480x64xf32, #tpu.memory_space<hbm>> -> memref<128x64xf32, #tpu.memory_space<hbm>>
    %dma_wait3A_159 = arith.constant 0 : i32
    %dma_wait3A_160 = tpu.memref_slice %arg6[%add3A_107, %dma_wait3A_159] : memref<20480x64xf32, #tpu.memory_space<hbm>> -> memref<128x64xf32, #tpu.memory_space<hbm>>
    tpu.wait_dma2 semaphore(%arg17 : memref<!tpu.dma_semaphore, #tpu.memory_space<semaphore_mem>>) src(%arg9 : memref<128x64xf32, #tpu.memory_space<vmem>>) dst(%dma_wait3A_160 : memref<128x64xf32, #tpu.memory_space<hbm>>)
    %dma_wait3A_161 = arith.constant 0 : i32
    %dma_wait3A_162 = tpu.memref_slice %arg6[%add3A_122, %dma_wait3A_161] : memref<20480x64xf32, #tpu.memory_space<hbm>> -> memref<128x64xf32, #tpu.memory_space<hbm>>
    %dma_wait3A_163 = arith.constant 0 : i32
    %dma_wait3A_164 = tpu.memref_slice %arg6[%add3A_122, %dma_wait3A_163] : memref<20480x64xf32, #tpu.memory_space<hbm>> -> memref<128x64xf32, #tpu.memory_space<hbm>>
    tpu.wait_dma2 semaphore(%arg18 : memref<!tpu.dma_semaphore, #tpu.memory_space<semaphore_mem>>) src(%arg10 : memref<128x64xf32, #tpu.memory_space<vmem>>) dst(%dma_wait3A_164 : memref<128x64xf32, #tpu.memory_space<hbm>>)
    %dma_wait3A_165 = arith.constant 0 : i32
    %dma_wait3A_166 = tpu.memref_slice %arg6[%add3A_137, %dma_wait3A_165] : memref<20480x64xf32, #tpu.memory_space<hbm>> -> memref<128x64xf32, #tpu.memory_space<hbm>>
    %dma_wait3A_167 = arith.constant 0 : i32
    %dma_wait3A_168 = tpu.memref_slice %arg6[%add3A_137, %dma_wait3A_167] : memref<20480x64xf32, #tpu.memory_space<hbm>> -> memref<128x64xf32, #tpu.memory_space<hbm>>
    tpu.wait_dma2 semaphore(%arg19 : memref<!tpu.dma_semaphore, #tpu.memory_space<semaphore_mem>>) src(%arg11 : memref<128x64xf32, #tpu.memory_space<vmem>>) dst(%dma_wait3A_168 : memref<128x64xf32, #tpu.memory_space<hbm>>)
    %dma_wait3A_169 = arith.constant 0 : i32
    %dma_wait3A_170 = tpu.memref_slice %arg6[%add3A_152, %dma_wait3A_169] : memref<20480x64xf32, #tpu.memory_space<hbm>> -> memref<128x64xf32, #tpu.memory_space<hbm>>
    %dma_wait3A_171 = arith.constant 0 : i32
    %dma_wait3A_172 = tpu.memref_slice %arg6[%add3A_152, %dma_wait3A_171] : memref<20480x64xf32, #tpu.memory_space<hbm>> -> memref<128x64xf32, #tpu.memory_space<hbm>>
    tpu.wait_dma2 semaphore(%arg20 : memref<!tpu.dma_semaphore, #tpu.memory_space<semaphore_mem>>) src(%arg12 : memref<128x64xf32, #tpu.memory_space<vmem>>) dst(%dma_wait3A_172 : memref<128x64xf32, #tpu.memory_space<hbm>>)
    %mul3A_173 = arith.constant 640 : i32
    %mul3A_174 = arith.muli %arg1, %mul3A_173 : i32
    %add3A_175 = arith.constant 512 : i32
    %add3A_176 = arith.addi %mul3A_174, %add3A_175 : i32
    %dma_start3A_177 = arith.constant 0 : i32
    %dma_start3A_178 = tpu.memref_slice %arg21[%add3A_176, %dma_start3A_177] : memref<10240x64xf32, #tpu.memory_space<vmem_shared>> -> memref<128x64xf32, #tpu.memory_space<vmem_shared>>
    %dma_start3A_179 = arith.constant 0 : i32
    %dma_start3A_180 = tpu.memref_slice %arg21[%add3A_176, %dma_start3A_179] : memref<10240x64xf32, #tpu.memory_space<vmem_shared>> -> memref<128x64xf32, #tpu.memory_space<vmem_shared>>
    tpu.enqueue_dma source(%dma_start3A_180 : memref<128x64xf32, #tpu.memory_space<vmem_shared>>) target(%arg9 : memref<128x64xf32, #tpu.memory_space<vmem>>) target_semaphore(%arg13 : memref<!tpu.dma_semaphore, #tpu.memory_space<semaphore_mem>>)
    %dma_wait3A_181 = arith.constant 0 : i32
    %dma_wait3A_182 = tpu.memref_slice %arg21[%add3A_176, %dma_wait3A_181] : memref<10240x64xf32, #tpu.memory_space<vmem_shared>> -> memref<128x64xf32, #tpu.memory_space<vmem_shared>>
    %dma_wait3A_183 = arith.constant 0 : i32
    %dma_wait3A_184 = tpu.memref_slice %arg21[%add3A_176, %dma_wait3A_183] : memref<10240x64xf32, #tpu.memory_space<vmem_shared>> -> memref<128x64xf32, #tpu.memory_space<vmem_shared>>
    tpu.wait_dma2 semaphore(%arg13 : memref<!tpu.dma_semaphore, #tpu.memory_space<semaphore_mem>>) src(%dma_wait3A_184 : memref<128x64xf32, #tpu.memory_space<vmem_shared>>) dst(%arg9 : memref<128x64xf32, #tpu.memory_space<vmem>>)
    %mul3A_185 = arith.constant 10240 : i32
    %mul3A_186 = arith.muli %arg0, %mul3A_185 : i32
    %mul3A_187 = arith.constant 640 : i32
    %mul3A_188 = arith.muli %arg1, %mul3A_187 : i32
    %add3A_189 = arith.addi %mul3A_186, %mul3A_188 : i32
    %add3A_190 = arith.constant 512 : i32
    %add3A_191 = arith.addi %add3A_189, %add3A_190 : i32
    %dma_start3A_192 = arith.constant 0 : i32
    %dma_start3A_193 = tpu.memref_slice %arg6[%add3A_191, %dma_start3A_192] : memref<20480x64xf32, #tpu.memory_space<hbm>> -> memref<128x64xf32, #tpu.memory_space<hbm>>
    %dma_start3A_194 = arith.constant 0 : i32
    %dma_start3A_195 = tpu.memref_slice %arg6[%add3A_191, %dma_start3A_194] : memref<20480x64xf32, #tpu.memory_space<hbm>> -> memref<128x64xf32, #tpu.memory_space<hbm>>
    tpu.enqueue_dma source(%arg9 : memref<128x64xf32, #tpu.memory_space<vmem>>) target(%dma_start3A_195 : memref<128x64xf32, #tpu.memory_space<hbm>>) target_semaphore(%arg17 : memref<!tpu.dma_semaphore, #tpu.memory_space<semaphore_mem>>)
    %dma_wait3A_196 = arith.constant 0 : i32
    %dma_wait3A_197 = tpu.memref_slice %arg6[%add3A_191, %dma_wait3A_196] : memref<20480x64xf32, #tpu.memory_space<hbm>> -> memref<128x64xf32, #tpu.memory_space<hbm>>
    %dma_wait3A_198 = arith.constant 0 : i32
    %dma_wait3A_199 = tpu.memref_slice %arg6[%add3A_191, %dma_wait3A_198] : memref<20480x64xf32, #tpu.memory_space<hbm>> -> memref<128x64xf32, #tpu.memory_space<hbm>>
    tpu.wait_dma2 semaphore(%arg17 : memref<!tpu.dma_semaphore, #tpu.memory_space<semaphore_mem>>) src(%arg9 : memref<128x64xf32, #tpu.memory_space<vmem>>) dst(%dma_wait3A_199 : memref<128x64xf32, #tpu.memory_space<hbm>>)
    return
  }
}

#map = affine_map<(d0, d1) -> (0, 0)>
#map1 = affine_map<(d0, d1) -> (0, 0, 0)>
module attributes {stable_mosaic.version = 14 : i64} {
  func.func @_agg_body(%arg0: i32, %arg1: i32, %arg2: memref<20000x64xf32, #tpu.memory_space<hbm>>, %arg3: memref<32x160x128xi32, #tpu.memory_space<hbm>>, %arg4: memref<16x160x128xi32, #tpu.memory_space<hbm>>, %arg5: memref<128x64xf32, #tpu.memory_space<hbm>>, %arg6: memref<20480x64xf32, #tpu.memory_space<hbm>>, %arg7: memref<160x128xi32, #tpu.memory_space<vmem>>, %arg8: memref<160x128xi32, #tpu.memory_space<vmem>>, %arg9: memref<128x64xf32, #tpu.memory_space<vmem>>, %arg10: memref<128x64xf32, #tpu.memory_space<vmem>>, %arg11: memref<128x64xf32, #tpu.memory_space<vmem>>, %arg12: memref<128x64xf32, #tpu.memory_space<vmem>>, %arg13: memref<!tpu.dma_semaphore, #tpu.memory_space<semaphore_mem>>, %arg14: memref<!tpu.dma_semaphore, #tpu.memory_space<semaphore_mem>>, %arg15: memref<!tpu.dma_semaphore, #tpu.memory_space<semaphore_mem>>, %arg16: memref<!tpu.dma_semaphore, #tpu.memory_space<semaphore_mem>>, %arg17: memref<!tpu.dma_semaphore, #tpu.memory_space<semaphore_mem>>, %arg18: memref<!tpu.dma_semaphore, #tpu.memory_space<semaphore_mem>>, %arg19: memref<!tpu.dma_semaphore, #tpu.memory_space<semaphore_mem>>, %arg20: memref<!tpu.dma_semaphore, #tpu.memory_space<semaphore_mem>>, %arg21: memref<10240x64xf32, #tpu.memory_space<vmem_shared>>) attributes {dimension_semantics = [#tpu.dimension_semantics<core_parallel>, #tpu.dimension_semantics<subcore_parallel>], iteration_bounds = array<i64: 2, 16>, scalar_prefetch = 0 : i64, scratch_operands = 15 : i64, tpu.core_type = #tpu.core_type<sc_vector_subcore>, window_params = [{transform_indices = #map}, {transform_indices = #map1}, {transform_indices = #map1}, {transform_indices = #map}, {transform_indices = #map}]} {
    %mul3A = arith.constant 16 : i32
    %mul3A_0 = arith.muli %arg0, %mul3A : i32
    %add3A = arith.addi %mul3A_0, %arg1 : i32
    "tpu.region"() ({
      %run_scoped3A = tpu.sem_alloc : memref<!tpu.dma_semaphore, #tpu.memory_space<semaphore_mem>>
      %dma_start3A_200 = arith.constant 0 : i32
      %dma_start3A_201 = arith.constant 0 : i32
      %dma_start3A_202 = tpu.memref_slice %arg3[%add3A, %dma_start3A_200, %dma_start3A_201] : memref<32x160x128xi32, #tpu.memory_space<hbm>> -> memref<1x160x128xi32, #tpu.memory_space<hbm>>
      %dma_start3A_203 = tpu.memref_squeeze %dma_start3A_202 : memref<1x160x128xi32, #tpu.memory_space<hbm>> -> memref<160x128xi32, #tpu.memory_space<hbm>>
      %dma_start3A_204 = arith.constant 0 : i32
      %dma_start3A_205 = arith.constant 0 : i32
      %dma_start3A_206 = tpu.memref_slice %arg3[%add3A, %dma_start3A_204, %dma_start3A_205] : memref<32x160x128xi32, #tpu.memory_space<hbm>> -> memref<1x160x128xi32, #tpu.memory_space<hbm>>
      %dma_start3A_207 = tpu.memref_squeeze %dma_start3A_206 : memref<1x160x128xi32, #tpu.memory_space<hbm>> -> memref<160x128xi32, #tpu.memory_space<hbm>>
      tpu.enqueue_dma source(%dma_start3A_207 : memref<160x128xi32, #tpu.memory_space<hbm>>) target(%arg7 : memref<160x128xi32, #tpu.memory_space<vmem>>) target_semaphore(%run_scoped3A : memref<!tpu.dma_semaphore, #tpu.memory_space<semaphore_mem>>)
      %dma_wait3A_208 = arith.constant 0 : i32
      %dma_wait3A_209 = arith.constant 0 : i32
      %dma_wait3A_210 = tpu.memref_slice %arg3[%add3A, %dma_wait3A_208, %dma_wait3A_209] : memref<32x160x128xi32, #tpu.memory_space<hbm>> -> memref<1x160x128xi32, #tpu.memory_space<hbm>>
      %dma_wait3A_211 = tpu.memref_squeeze %dma_wait3A_210 : memref<1x160x128xi32, #tpu.memory_space<hbm>> -> memref<160x128xi32, #tpu.memory_space<hbm>>
      %dma_wait3A_212 = arith.constant 0 : i32
      %dma_wait3A_213 = arith.constant 0 : i32
      %dma_wait3A_214 = tpu.memref_slice %arg3[%add3A, %dma_wait3A_212, %dma_wait3A_213] : memref<32x160x128xi32, #tpu.memory_space<hbm>> -> memref<1x160x128xi32, #tpu.memory_space<hbm>>
      %dma_wait3A_215 = tpu.memref_squeeze %dma_wait3A_214 : memref<1x160x128xi32, #tpu.memory_space<hbm>> -> memref<160x128xi32, #tpu.memory_space<hbm>>
      tpu.wait_dma2 semaphore(%run_scoped3A : memref<!tpu.dma_semaphore, #tpu.memory_space<semaphore_mem>>) src(%dma_wait3A_215 : memref<160x128xi32, #tpu.memory_space<hbm>>) dst(%arg7 : memref<160x128xi32, #tpu.memory_space<vmem>>)
      tpu.yield
    }) : () -> ()
    "tpu.region"() ({
      %run_scoped3A = tpu.sem_alloc : memref<!tpu.dma_semaphore, #tpu.memory_space<semaphore_mem>>
      %dma_start3A_200 = arith.constant 0 : i32
      %dma_start3A_201 = arith.constant 0 : i32
      %dma_start3A_202 = tpu.memref_slice %arg4[%arg1, %dma_start3A_200, %dma_start3A_201] : memref<16x160x128xi32, #tpu.memory_space<hbm>> -> memref<1x160x128xi32, #tpu.memory_space<hbm>>
      %dma_start3A_203 = tpu.memref_squeeze %dma_start3A_202 : memref<1x160x128xi32, #tpu.memory_space<hbm>> -> memref<160x128xi32, #tpu.memory_space<hbm>>
      %dma_start3A_204 = arith.constant 0 : i32
      %dma_start3A_205 = arith.constant 0 : i32
      %dma_start3A_206 = tpu.memref_slice %arg4[%arg1, %dma_start3A_204, %dma_start3A_205] : memref<16x160x128xi32, #tpu.memory_space<hbm>> -> memref<1x160x128xi32, #tpu.memory_space<hbm>>
      %dma_start3A_207 = tpu.memref_squeeze %dma_start3A_206 : memref<1x160x128xi32, #tpu.memory_space<hbm>> -> memref<160x128xi32, #tpu.memory_space<hbm>>
      tpu.enqueue_dma source(%dma_start3A_207 : memref<160x128xi32, #tpu.memory_space<hbm>>) target(%arg8 : memref<160x128xi32, #tpu.memory_space<vmem>>) target_semaphore(%run_scoped3A : memref<!tpu.dma_semaphore, #tpu.memory_space<semaphore_mem>>)
      %dma_wait3A_208 = arith.constant 0 : i32
      %dma_wait3A_209 = arith.constant 0 : i32
      %dma_wait3A_210 = tpu.memref_slice %arg4[%arg1, %dma_wait3A_208, %dma_wait3A_209] : memref<16x160x128xi32, #tpu.memory_space<hbm>> -> memref<1x160x128xi32, #tpu.memory_space<hbm>>
      %dma_wait3A_211 = tpu.memref_squeeze %dma_wait3A_210 : memref<1x160x128xi32, #tpu.memory_space<hbm>> -> memref<160x128xi32, #tpu.memory_space<hbm>>
      %dma_wait3A_212 = arith.constant 0 : i32
      %dma_wait3A_213 = arith.constant 0 : i32
      %dma_wait3A_214 = tpu.memref_slice %arg4[%arg1, %dma_wait3A_212, %dma_wait3A_213] : memref<16x160x128xi32, #tpu.memory_space<hbm>> -> memref<1x160x128xi32, #tpu.memory_space<hbm>>
      %dma_wait3A_215 = tpu.memref_squeeze %dma_wait3A_214 : memref<1x160x128xi32, #tpu.memory_space<hbm>> -> memref<160x128xi32, #tpu.memory_space<hbm>>
      tpu.wait_dma2 semaphore(%run_scoped3A : memref<!tpu.dma_semaphore, #tpu.memory_space<semaphore_mem>>) src(%dma_wait3A_215 : memref<160x128xi32, #tpu.memory_space<hbm>>) dst(%arg8 : memref<160x128xi32, #tpu.memory_space<vmem>>)
      tpu.yield
    }) : () -> ()
    "tpu.region"() ({
      %run_scoped3A = tpu.sem_alloc : memref<!tpu.dma_semaphore, #tpu.memory_space<semaphore_mem>>
      tpu.enqueue_dma source(%arg5 : memref<128x64xf32, #tpu.memory_space<hbm>>) target(%arg9 : memref<128x64xf32, #tpu.memory_space<vmem>>) target_semaphore(%run_scoped3A : memref<!tpu.dma_semaphore, #tpu.memory_space<semaphore_mem>>)
      tpu.wait_dma2 semaphore(%run_scoped3A : memref<!tpu.dma_semaphore, #tpu.memory_space<semaphore_mem>>) src(%arg5 : memref<128x64xf32, #tpu.memory_space<hbm>>) dst(%arg9 : memref<128x64xf32, #tpu.memory_space<vmem>>)
      tpu.yield
    }) : () -> ()
    %mul3A_1 = arith.constant 640 : i32
    %mul3A_2 = arith.muli %arg1, %mul3A_1 : i32
    %add3A_3 = arith.constant 0 : i32
    %add3A_4 = arith.addi %mul3A_2, %add3A_3 : i32
    %dma_start3A = arith.constant 0 : i32
    %dma_start3A_5 = tpu.memref_slice %arg21[%add3A_4, %dma_start3A] : memref<10240x64xf32, #tpu.memory_space<vmem_shared>> -> memref<128x64xf32, #tpu.memory_space<vmem_shared>>
    %dma_start3A_6 = arith.constant 0 : i32
    %dma_start3A_7 = tpu.memref_slice %arg21[%add3A_4, %dma_start3A_6] : memref<10240x64xf32, #tpu.memory_space<vmem_shared>> -> memref<128x64xf32, #tpu.memory_space<vmem_shared>>
    tpu.enqueue_dma source(%arg9 : memref<128x64xf32, #tpu.memory_space<vmem>>) target(%dma_start3A_7 : memref<128x64xf32, #tpu.memory_space<vmem_shared>>) target_semaphore(%arg13 : memref<!tpu.dma_semaphore, #tpu.memory_space<semaphore_mem>>)
    %mul3A_8 = arith.constant 640 : i32
    %mul3A_9 = arith.muli %arg1, %mul3A_8 : i32
    %add3A_10 = arith.constant 128 : i32
    %add3A_11 = arith.addi %mul3A_9, %add3A_10 : i32
    %dma_start3A_12 = arith.constant 0 : i32
    %dma_start3A_13 = tpu.memref_slice %arg21[%add3A_11, %dma_start3A_12] : memref<10240x64xf32, #tpu.memory_space<vmem_shared>> -> memref<128x64xf32, #tpu.memory_space<vmem_shared>>
    %dma_start3A_14 = arith.constant 0 : i32
    %dma_start3A_15 = tpu.memref_slice %arg21[%add3A_11, %dma_start3A_14] : memref<10240x64xf32, #tpu.memory_space<vmem_shared>> -> memref<128x64xf32, #tpu.memory_space<vmem_shared>>
    tpu.enqueue_dma source(%arg9 : memref<128x64xf32, #tpu.memory_space<vmem>>) target(%dma_start3A_15 : memref<128x64xf32, #tpu.memory_space<vmem_shared>>) target_semaphore(%arg14 : memref<!tpu.dma_semaphore, #tpu.memory_space<semaphore_mem>>)
    %mul3A_16 = arith.constant 640 : i32
    %mul3A_17 = arith.muli %arg1, %mul3A_16 : i32
    %add3A_18 = arith.constant 256 : i32
    %add3A_19 = arith.addi %mul3A_17, %add3A_18 : i32
    %dma_start3A_20 = arith.constant 0 : i32
    %dma_start3A_21 = tpu.memref_slice %arg21[%add3A_19, %dma_start3A_20] : memref<10240x64xf32, #tpu.memory_space<vmem_shared>> -> memref<128x64xf32, #tpu.memory_space<vmem_shared>>
    %dma_start3A_22 = arith.constant 0 : i32
    %dma_start3A_23 = tpu.memref_slice %arg21[%add3A_19, %dma_start3A_22] : memref<10240x64xf32, #tpu.memory_space<vmem_shared>> -> memref<128x64xf32, #tpu.memory_space<vmem_shared>>
    tpu.enqueue_dma source(%arg9 : memref<128x64xf32, #tpu.memory_space<vmem>>) target(%dma_start3A_23 : memref<128x64xf32, #tpu.memory_space<vmem_shared>>) target_semaphore(%arg15 : memref<!tpu.dma_semaphore, #tpu.memory_space<semaphore_mem>>)
    %mul3A_24 = arith.constant 640 : i32
    %mul3A_25 = arith.muli %arg1, %mul3A_24 : i32
    %add3A_26 = arith.constant 384 : i32
    %add3A_27 = arith.addi %mul3A_25, %add3A_26 : i32
    %dma_start3A_28 = arith.constant 0 : i32
    %dma_start3A_29 = tpu.memref_slice %arg21[%add3A_27, %dma_start3A_28] : memref<10240x64xf32, #tpu.memory_space<vmem_shared>> -> memref<128x64xf32, #tpu.memory_space<vmem_shared>>
    %dma_start3A_30 = arith.constant 0 : i32
    %dma_start3A_31 = tpu.memref_slice %arg21[%add3A_27, %dma_start3A_30] : memref<10240x64xf32, #tpu.memory_space<vmem_shared>> -> memref<128x64xf32, #tpu.memory_space<vmem_shared>>
    tpu.enqueue_dma source(%arg9 : memref<128x64xf32, #tpu.memory_space<vmem>>) target(%dma_start3A_31 : memref<128x64xf32, #tpu.memory_space<vmem_shared>>) target_semaphore(%arg16 : memref<!tpu.dma_semaphore, #tpu.memory_space<semaphore_mem>>)
    %mul3A_32 = arith.constant 640 : i32
    %mul3A_33 = arith.muli %arg1, %mul3A_32 : i32
    %add3A_34 = arith.constant 512 : i32
    %add3A_35 = arith.addi %mul3A_33, %add3A_34 : i32
    %dma_start3A_36 = arith.constant 0 : i32
    %dma_start3A_37 = tpu.memref_slice %arg21[%add3A_35, %dma_start3A_36] : memref<10240x64xf32, #tpu.memory_space<vmem_shared>> -> memref<128x64xf32, #tpu.memory_space<vmem_shared>>
    %dma_start3A_38 = arith.constant 0 : i32
    %dma_start3A_39 = tpu.memref_slice %arg21[%add3A_35, %dma_start3A_38] : memref<10240x64xf32, #tpu.memory_space<vmem_shared>> -> memref<128x64xf32, #tpu.memory_space<vmem_shared>>
    tpu.enqueue_dma source(%arg9 : memref<128x64xf32, #tpu.memory_space<vmem>>) target(%dma_start3A_39 : memref<128x64xf32, #tpu.memory_space<vmem_shared>>) target_semaphore(%arg13 : memref<!tpu.dma_semaphore, #tpu.memory_space<semaphore_mem>>)
    %dma_wait3A = arith.constant 0 : i32
    %dma_wait3A_40 = tpu.memref_slice %arg21[%add3A_4, %dma_wait3A] : memref<10240x64xf32, #tpu.memory_space<vmem_shared>> -> memref<128x64xf32, #tpu.memory_space<vmem_shared>>
    %dma_wait3A_41 = arith.constant 0 : i32
    %dma_wait3A_42 = tpu.memref_slice %arg21[%add3A_4, %dma_wait3A_41] : memref<10240x64xf32, #tpu.memory_space<vmem_shared>> -> memref<128x64xf32, #tpu.memory_space<vmem_shared>>
    tpu.wait_dma2 semaphore(%arg13 : memref<!tpu.dma_semaphore, #tpu.memory_space<semaphore_mem>>) src(%arg9 : memref<128x64xf32, #tpu.memory_space<vmem>>) dst(%dma_wait3A_42 : memref<128x64xf32, #tpu.memory_space<vmem_shared>>)
    %dma_wait3A_43 = arith.constant 0 : i32
    %dma_wait3A_44 = tpu.memref_slice %arg21[%add3A_11, %dma_wait3A_43] : memref<10240x64xf32, #tpu.memory_space<vmem_shared>> -> memref<128x64xf32, #tpu.memory_space<vmem_shared>>
    %dma_wait3A_45 = arith.constant 0 : i32
    %dma_wait3A_46 = tpu.memref_slice %arg21[%add3A_11, %dma_wait3A_45] : memref<10240x64xf32, #tpu.memory_space<vmem_shared>> -> memref<128x64xf32, #tpu.memory_space<vmem_shared>>
    tpu.wait_dma2 semaphore(%arg14 : memref<!tpu.dma_semaphore, #tpu.memory_space<semaphore_mem>>) src(%arg9 : memref<128x64xf32, #tpu.memory_space<vmem>>) dst(%dma_wait3A_46 : memref<128x64xf32, #tpu.memory_space<vmem_shared>>)
    %dma_wait3A_47 = arith.constant 0 : i32
    %dma_wait3A_48 = tpu.memref_slice %arg21[%add3A_19, %dma_wait3A_47] : memref<10240x64xf32, #tpu.memory_space<vmem_shared>> -> memref<128x64xf32, #tpu.memory_space<vmem_shared>>
    %dma_wait3A_49 = arith.constant 0 : i32
    %dma_wait3A_50 = tpu.memref_slice %arg21[%add3A_19, %dma_wait3A_49] : memref<10240x64xf32, #tpu.memory_space<vmem_shared>> -> memref<128x64xf32, #tpu.memory_space<vmem_shared>>
    tpu.wait_dma2 semaphore(%arg15 : memref<!tpu.dma_semaphore, #tpu.memory_space<semaphore_mem>>) src(%arg9 : memref<128x64xf32, #tpu.memory_space<vmem>>) dst(%dma_wait3A_50 : memref<128x64xf32, #tpu.memory_space<vmem_shared>>)
    %dma_wait3A_51 = arith.constant 0 : i32
    %dma_wait3A_52 = tpu.memref_slice %arg21[%add3A_27, %dma_wait3A_51] : memref<10240x64xf32, #tpu.memory_space<vmem_shared>> -> memref<128x64xf32, #tpu.memory_space<vmem_shared>>
    %dma_wait3A_53 = arith.constant 0 : i32
    %dma_wait3A_54 = tpu.memref_slice %arg21[%add3A_27, %dma_wait3A_53] : memref<10240x64xf32, #tpu.memory_space<vmem_shared>> -> memref<128x64xf32, #tpu.memory_space<vmem_shared>>
    tpu.wait_dma2 semaphore(%arg16 : memref<!tpu.dma_semaphore, #tpu.memory_space<semaphore_mem>>) src(%arg9 : memref<128x64xf32, #tpu.memory_space<vmem>>) dst(%dma_wait3A_54 : memref<128x64xf32, #tpu.memory_space<vmem_shared>>)
    %dma_wait3A_55 = arith.constant 0 : i32
    %dma_wait3A_56 = tpu.memref_slice %arg21[%add3A_35, %dma_wait3A_55] : memref<10240x64xf32, #tpu.memory_space<vmem_shared>> -> memref<128x64xf32, #tpu.memory_space<vmem_shared>>
    %dma_wait3A_57 = arith.constant 0 : i32
    %dma_wait3A_58 = tpu.memref_slice %arg21[%add3A_35, %dma_wait3A_57] : memref<10240x64xf32, #tpu.memory_space<vmem_shared>> -> memref<128x64xf32, #tpu.memory_space<vmem_shared>>
    tpu.wait_dma2 semaphore(%arg13 : memref<!tpu.dma_semaphore, #tpu.memory_space<semaphore_mem>>) src(%arg9 : memref<128x64xf32, #tpu.memory_space<vmem>>) dst(%dma_wait3A_58 : memref<128x64xf32, #tpu.memory_space<vmem_shared>>)
    %barrier3A = arith.constant 0 : index
    tpu.barrier barrier_id(%barrier3A)
    %scan3A = arith.constant 0 : i32
    %scan3A_59 = arith.constant 0 : i32
    %scan3A_60 = arith.constant 40 : i32
    %scan3A_61 = arith.addi %scan3A_59, %scan3A_60 : i32
    %scan3A_62 = arith.constant 1 : i32
    scf.for %scan3A_200 = %scan3A_59 to %scan3A_61 step %scan3A_62  : i32 {
      %mul3A_201 = arith.constant 4 : i32
      %mul3A_202 = arith.muli %scan3A_200, %mul3A_201 : i32
      %add3A_203 = arith.constant 0 : i32
      %add3A_204 = arith.addi %mul3A_202, %add3A_203 : i32
      %dma_start3A_205 = arith.constant 0 : i32
      %dma_start3A_206 = tpu.memref_slice %arg7[%add3A_204, %dma_start3A_205] : memref<160x128xi32, #tpu.memory_space<vmem>> -> memref<1x128xi32, #tpu.memory_space<vmem>>
      %dma_start3A_207 = tpu.memref_squeeze %dma_start3A_206 : memref<1x128xi32, #tpu.memory_space<vmem>> -> memref<128xi32, #tpu.memory_space<vmem>>
      %dma_start3A_208 = arith.constant 0 : i32
      %dma_start3A_209 = arith.constant 0 : i32
      %dma_start3A_210 = tpu.memref_slice %arg2[%dma_start3A_208, %dma_start3A_209] : memref<20000x64xf32, #tpu.memory_space<hbm>> -> memref<20000x64xf32, #tpu.memory_space<hbm>>
      tpu.enqueue_indirect_dma source(%dma_start3A_210 : memref<20000x64xf32, #tpu.memory_space<hbm>>) target(%arg9 : memref<128x64xf32, #tpu.memory_space<vmem>>) offsets(%dma_start3A_207 : memref<128xi32, #tpu.memory_space<vmem>>) semaphore(%arg13 : memref<!tpu.dma_semaphore, #tpu.memory_space<semaphore_mem>>)
      %add3A_211 = arith.constant 1 : i32
      %add3A_212 = arith.addi %mul3A_202, %add3A_211 : i32
      %dma_start3A_213 = arith.constant 0 : i32
      %dma_start3A_214 = tpu.memref_slice %arg7[%add3A_212, %dma_start3A_213] : memref<160x128xi32, #tpu.memory_space<vmem>> -> memref<1x128xi32, #tpu.memory_space<vmem>>
      %dma_start3A_215 = tpu.memref_squeeze %dma_start3A_214 : memref<1x128xi32, #tpu.memory_space<vmem>> -> memref<128xi32, #tpu.memory_space<vmem>>
      %dma_start3A_216 = arith.constant 0 : i32
      %dma_start3A_217 = arith.constant 0 : i32
      %dma_start3A_218 = tpu.memref_slice %arg2[%dma_start3A_216, %dma_start3A_217] : memref<20000x64xf32, #tpu.memory_space<hbm>> -> memref<20000x64xf32, #tpu.memory_space<hbm>>
      tpu.enqueue_indirect_dma source(%dma_start3A_218 : memref<20000x64xf32, #tpu.memory_space<hbm>>) target(%arg10 : memref<128x64xf32, #tpu.memory_space<vmem>>) offsets(%dma_start3A_215 : memref<128xi32, #tpu.memory_space<vmem>>) semaphore(%arg14 : memref<!tpu.dma_semaphore, #tpu.memory_space<semaphore_mem>>)
      %add3A_219 = arith.constant 2 : i32
      %add3A_220 = arith.addi %mul3A_202, %add3A_219 : i32
      %dma_start3A_221 = arith.constant 0 : i32
      %dma_start3A_222 = tpu.memref_slice %arg7[%add3A_220, %dma_start3A_221] : memref<160x128xi32, #tpu.memory_space<vmem>> -> memref<1x128xi32, #tpu.memory_space<vmem>>
      %dma_start3A_223 = tpu.memref_squeeze %dma_start3A_222 : memref<1x128xi32, #tpu.memory_space<vmem>> -> memref<128xi32, #tpu.memory_space<vmem>>
      %dma_start3A_224 = arith.constant 0 : i32
      %dma_start3A_225 = arith.constant 0 : i32
      %dma_start3A_226 = tpu.memref_slice %arg2[%dma_start3A_224, %dma_start3A_225] : memref<20000x64xf32, #tpu.memory_space<hbm>> -> memref<20000x64xf32, #tpu.memory_space<hbm>>
      tpu.enqueue_indirect_dma source(%dma_start3A_226 : memref<20000x64xf32, #tpu.memory_space<hbm>>) target(%arg11 : memref<128x64xf32, #tpu.memory_space<vmem>>) offsets(%dma_start3A_223 : memref<128xi32, #tpu.memory_space<vmem>>) semaphore(%arg15 : memref<!tpu.dma_semaphore, #tpu.memory_space<semaphore_mem>>)
      %add3A_227 = arith.constant 3 : i32
      %add3A_228 = arith.addi %mul3A_202, %add3A_227 : i32
      %dma_start3A_229 = arith.constant 0 : i32
      %dma_start3A_230 = tpu.memref_slice %arg7[%add3A_228, %dma_start3A_229] : memref<160x128xi32, #tpu.memory_space<vmem>> -> memref<1x128xi32, #tpu.memory_space<vmem>>
      %dma_start3A_231 = tpu.memref_squeeze %dma_start3A_230 : memref<1x128xi32, #tpu.memory_space<vmem>> -> memref<128xi32, #tpu.memory_space<vmem>>
      %dma_start3A_232 = arith.constant 0 : i32
      %dma_start3A_233 = arith.constant 0 : i32
      %dma_start3A_234 = tpu.memref_slice %arg2[%dma_start3A_232, %dma_start3A_233] : memref<20000x64xf32, #tpu.memory_space<hbm>> -> memref<20000x64xf32, #tpu.memory_space<hbm>>
      tpu.enqueue_indirect_dma source(%dma_start3A_234 : memref<20000x64xf32, #tpu.memory_space<hbm>>) target(%arg12 : memref<128x64xf32, #tpu.memory_space<vmem>>) offsets(%dma_start3A_231 : memref<128xi32, #tpu.memory_space<vmem>>) semaphore(%arg16 : memref<!tpu.dma_semaphore, #tpu.memory_space<semaphore_mem>>)
      %dma_wait3A_235 = arith.constant 0 : i32
      %dma_wait3A_236 = tpu.memref_slice %arg7[%add3A_204, %dma_wait3A_235] : memref<160x128xi32, #tpu.memory_space<vmem>> -> memref<1x128xi32, #tpu.memory_space<vmem>>
      %dma_wait3A_237 = tpu.memref_squeeze %dma_wait3A_236 : memref<1x128xi32, #tpu.memory_space<vmem>> -> memref<128xi32, #tpu.memory_space<vmem>>
      %dma_wait3A_238 = arith.constant 0 : i32
      %dma_wait3A_239 = arith.constant 0 : i32
      %dma_wait3A_240 = tpu.memref_slice %arg2[%dma_wait3A_238, %dma_wait3A_239] : memref<20000x64xf32, #tpu.memory_space<hbm>> -> memref<20000x64xf32, #tpu.memory_space<hbm>>
      tpu.wait_indirect_dma semaphore(%arg13 : memref<!tpu.dma_semaphore, #tpu.memory_space<semaphore_mem>>) src(%dma_wait3A_240 : memref<20000x64xf32, #tpu.memory_space<hbm>>) dst(%arg9 : memref<128x64xf32, #tpu.memory_space<vmem>>)
      %add3A_241 = arith.constant 0 : i32
      %add3A_242 = arith.addi %mul3A_202, %add3A_241 : i32
      %dma_start3A_243 = arith.constant 0 : i32
      %dma_start3A_244 = tpu.memref_slice %arg8[%add3A_242, %dma_start3A_243] : memref<160x128xi32, #tpu.memory_space<vmem>> -> memref<1x128xi32, #tpu.memory_space<vmem>>
      %dma_start3A_245 = tpu.memref_squeeze %dma_start3A_244 : memref<1x128xi32, #tpu.memory_space<vmem>> -> memref<128xi32, #tpu.memory_space<vmem>>
      %dma_start3A_246 = arith.constant 0 : i32
      %dma_start3A_247 = arith.constant 0 : i32
      %dma_start3A_248 = tpu.memref_slice %arg21[%dma_start3A_246, %dma_start3A_247] : memref<10240x64xf32, #tpu.memory_space<vmem_shared>> -> memref<10240x64xf32, #tpu.memory_space<vmem_shared>>
      tpu.enqueue_indirect_dma source(%arg9 : memref<128x64xf32, #tpu.memory_space<vmem>>) target(%dma_start3A_248 : memref<10240x64xf32, #tpu.memory_space<vmem_shared>>) offsets(%dma_start3A_245 : memref<128xi32, #tpu.memory_space<vmem>>) semaphore(%arg17 : memref<!tpu.dma_semaphore, #tpu.memory_space<semaphore_mem>>) {add = true}
      %dma_wait3A_249 = arith.constant 0 : i32
      %dma_wait3A_250 = tpu.memref_slice %arg7[%add3A_212, %dma_wait3A_249] : memref<160x128xi32, #tpu.memory_space<vmem>> -> memref<1x128xi32, #tpu.memory_space<vmem>>
      %dma_wait3A_251 = tpu.memref_squeeze %dma_wait3A_250 : memref<1x128xi32, #tpu.memory_space<vmem>> -> memref<128xi32, #tpu.memory_space<vmem>>
      %dma_wait3A_252 = arith.constant 0 : i32
      %dma_wait3A_253 = arith.constant 0 : i32
      %dma_wait3A_254 = tpu.memref_slice %arg2[%dma_wait3A_252, %dma_wait3A_253] : memref<20000x64xf32, #tpu.memory_space<hbm>> -> memref<20000x64xf32, #tpu.memory_space<hbm>>
      tpu.wait_indirect_dma semaphore(%arg14 : memref<!tpu.dma_semaphore, #tpu.memory_space<semaphore_mem>>) src(%dma_wait3A_254 : memref<20000x64xf32, #tpu.memory_space<hbm>>) dst(%arg10 : memref<128x64xf32, #tpu.memory_space<vmem>>)
      %add3A_255 = arith.constant 1 : i32
      %add3A_256 = arith.addi %mul3A_202, %add3A_255 : i32
      %dma_start3A_257 = arith.constant 0 : i32
      %dma_start3A_258 = tpu.memref_slice %arg8[%add3A_256, %dma_start3A_257] : memref<160x128xi32, #tpu.memory_space<vmem>> -> memref<1x128xi32, #tpu.memory_space<vmem>>
      %dma_start3A_259 = tpu.memref_squeeze %dma_start3A_258 : memref<1x128xi32, #tpu.memory_space<vmem>> -> memref<128xi32, #tpu.memory_space<vmem>>
      %dma_start3A_260 = arith.constant 0 : i32
      %dma_start3A_261 = arith.constant 0 : i32
      %dma_start3A_262 = tpu.memref_slice %arg21[%dma_start3A_260, %dma_start3A_261] : memref<10240x64xf32, #tpu.memory_space<vmem_shared>> -> memref<10240x64xf32, #tpu.memory_space<vmem_shared>>
      tpu.enqueue_indirect_dma source(%arg10 : memref<128x64xf32, #tpu.memory_space<vmem>>) target(%dma_start3A_262 : memref<10240x64xf32, #tpu.memory_space<vmem_shared>>) offsets(%dma_start3A_259 : memref<128xi32, #tpu.memory_space<vmem>>) semaphore(%arg18 : memref<!tpu.dma_semaphore, #tpu.memory_space<semaphore_mem>>) {add = true}
      %dma_wait3A_263 = arith.constant 0 : i32
      %dma_wait3A_264 = tpu.memref_slice %arg7[%add3A_220, %dma_wait3A_263] : memref<160x128xi32, #tpu.memory_space<vmem>> -> memref<1x128xi32, #tpu.memory_space<vmem>>
      %dma_wait3A_265 = tpu.memref_squeeze %dma_wait3A_264 : memref<1x128xi32, #tpu.memory_space<vmem>> -> memref<128xi32, #tpu.memory_space<vmem>>
      %dma_wait3A_266 = arith.constant 0 : i32
      %dma_wait3A_267 = arith.constant 0 : i32
      %dma_wait3A_268 = tpu.memref_slice %arg2[%dma_wait3A_266, %dma_wait3A_267] : memref<20000x64xf32, #tpu.memory_space<hbm>> -> memref<20000x64xf32, #tpu.memory_space<hbm>>
      tpu.wait_indirect_dma semaphore(%arg15 : memref<!tpu.dma_semaphore, #tpu.memory_space<semaphore_mem>>) src(%dma_wait3A_268 : memref<20000x64xf32, #tpu.memory_space<hbm>>) dst(%arg11 : memref<128x64xf32, #tpu.memory_space<vmem>>)
      %add3A_269 = arith.constant 2 : i32
      %add3A_270 = arith.addi %mul3A_202, %add3A_269 : i32
      %dma_start3A_271 = arith.constant 0 : i32
      %dma_start3A_272 = tpu.memref_slice %arg8[%add3A_270, %dma_start3A_271] : memref<160x128xi32, #tpu.memory_space<vmem>> -> memref<1x128xi32, #tpu.memory_space<vmem>>
      %dma_start3A_273 = tpu.memref_squeeze %dma_start3A_272 : memref<1x128xi32, #tpu.memory_space<vmem>> -> memref<128xi32, #tpu.memory_space<vmem>>
      %dma_start3A_274 = arith.constant 0 : i32
      %dma_start3A_275 = arith.constant 0 : i32
      %dma_start3A_276 = tpu.memref_slice %arg21[%dma_start3A_274, %dma_start3A_275] : memref<10240x64xf32, #tpu.memory_space<vmem_shared>> -> memref<10240x64xf32, #tpu.memory_space<vmem_shared>>
      tpu.enqueue_indirect_dma source(%arg11 : memref<128x64xf32, #tpu.memory_space<vmem>>) target(%dma_start3A_276 : memref<10240x64xf32, #tpu.memory_space<vmem_shared>>) offsets(%dma_start3A_273 : memref<128xi32, #tpu.memory_space<vmem>>) semaphore(%arg19 : memref<!tpu.dma_semaphore, #tpu.memory_space<semaphore_mem>>) {add = true}
      %dma_wait3A_277 = arith.constant 0 : i32
      %dma_wait3A_278 = tpu.memref_slice %arg7[%add3A_228, %dma_wait3A_277] : memref<160x128xi32, #tpu.memory_space<vmem>> -> memref<1x128xi32, #tpu.memory_space<vmem>>
      %dma_wait3A_279 = tpu.memref_squeeze %dma_wait3A_278 : memref<1x128xi32, #tpu.memory_space<vmem>> -> memref<128xi32, #tpu.memory_space<vmem>>
      %dma_wait3A_280 = arith.constant 0 : i32
      %dma_wait3A_281 = arith.constant 0 : i32
      %dma_wait3A_282 = tpu.memref_slice %arg2[%dma_wait3A_280, %dma_wait3A_281] : memref<20000x64xf32, #tpu.memory_space<hbm>> -> memref<20000x64xf32, #tpu.memory_space<hbm>>
      tpu.wait_indirect_dma semaphore(%arg16 : memref<!tpu.dma_semaphore, #tpu.memory_space<semaphore_mem>>) src(%dma_wait3A_282 : memref<20000x64xf32, #tpu.memory_space<hbm>>) dst(%arg12 : memref<128x64xf32, #tpu.memory_space<vmem>>)
      %add3A_283 = arith.constant 3 : i32
      %add3A_284 = arith.addi %mul3A_202, %add3A_283 : i32
      %dma_start3A_285 = arith.constant 0 : i32
      %dma_start3A_286 = tpu.memref_slice %arg8[%add3A_284, %dma_start3A_285] : memref<160x128xi32, #tpu.memory_space<vmem>> -> memref<1x128xi32, #tpu.memory_space<vmem>>
      %dma_start3A_287 = tpu.memref_squeeze %dma_start3A_286 : memref<1x128xi32, #tpu.memory_space<vmem>> -> memref<128xi32, #tpu.memory_space<vmem>>
      %dma_start3A_288 = arith.constant 0 : i32
      %dma_start3A_289 = arith.constant 0 : i32
      %dma_start3A_290 = tpu.memref_slice %arg21[%dma_start3A_288, %dma_start3A_289] : memref<10240x64xf32, #tpu.memory_space<vmem_shared>> -> memref<10240x64xf32, #tpu.memory_space<vmem_shared>>
      tpu.enqueue_indirect_dma source(%arg12 : memref<128x64xf32, #tpu.memory_space<vmem>>) target(%dma_start3A_290 : memref<10240x64xf32, #tpu.memory_space<vmem_shared>>) offsets(%dma_start3A_287 : memref<128xi32, #tpu.memory_space<vmem>>) semaphore(%arg20 : memref<!tpu.dma_semaphore, #tpu.memory_space<semaphore_mem>>) {add = true}
      %dma_wait3A_291 = arith.constant 0 : i32
      %dma_wait3A_292 = tpu.memref_slice %arg8[%add3A_242, %dma_wait3A_291] : memref<160x128xi32, #tpu.memory_space<vmem>> -> memref<1x128xi32, #tpu.memory_space<vmem>>
      %dma_wait3A_293 = tpu.memref_squeeze %dma_wait3A_292 : memref<1x128xi32, #tpu.memory_space<vmem>> -> memref<128xi32, #tpu.memory_space<vmem>>
      %dma_wait3A_294 = arith.constant 0 : i32
      %dma_wait3A_295 = arith.constant 0 : i32
      %dma_wait3A_296 = tpu.memref_slice %arg21[%dma_wait3A_294, %dma_wait3A_295] : memref<10240x64xf32, #tpu.memory_space<vmem_shared>> -> memref<10240x64xf32, #tpu.memory_space<vmem_shared>>
      tpu.wait_indirect_dma semaphore(%arg17 : memref<!tpu.dma_semaphore, #tpu.memory_space<semaphore_mem>>) src(%arg9 : memref<128x64xf32, #tpu.memory_space<vmem>>) dst(%dma_wait3A_296 : memref<10240x64xf32, #tpu.memory_space<vmem_shared>>)
      %dma_wait3A_297 = arith.constant 0 : i32
      %dma_wait3A_298 = tpu.memref_slice %arg8[%add3A_256, %dma_wait3A_297] : memref<160x128xi32, #tpu.memory_space<vmem>> -> memref<1x128xi32, #tpu.memory_space<vmem>>
      %dma_wait3A_299 = tpu.memref_squeeze %dma_wait3A_298 : memref<1x128xi32, #tpu.memory_space<vmem>> -> memref<128xi32, #tpu.memory_space<vmem>>
      %dma_wait3A_300 = arith.constant 0 : i32
      %dma_wait3A_301 = arith.constant 0 : i32
      %dma_wait3A_302 = tpu.memref_slice %arg21[%dma_wait3A_300, %dma_wait3A_301] : memref<10240x64xf32, #tpu.memory_space<vmem_shared>> -> memref<10240x64xf32, #tpu.memory_space<vmem_shared>>
      tpu.wait_indirect_dma semaphore(%arg18 : memref<!tpu.dma_semaphore, #tpu.memory_space<semaphore_mem>>) src(%arg10 : memref<128x64xf32, #tpu.memory_space<vmem>>) dst(%dma_wait3A_302 : memref<10240x64xf32, #tpu.memory_space<vmem_shared>>)
      %dma_wait3A_303 = arith.constant 0 : i32
      %dma_wait3A_304 = tpu.memref_slice %arg8[%add3A_270, %dma_wait3A_303] : memref<160x128xi32, #tpu.memory_space<vmem>> -> memref<1x128xi32, #tpu.memory_space<vmem>>
      %dma_wait3A_305 = tpu.memref_squeeze %dma_wait3A_304 : memref<1x128xi32, #tpu.memory_space<vmem>> -> memref<128xi32, #tpu.memory_space<vmem>>
      %dma_wait3A_306 = arith.constant 0 : i32
      %dma_wait3A_307 = arith.constant 0 : i32
      %dma_wait3A_308 = tpu.memref_slice %arg21[%dma_wait3A_306, %dma_wait3A_307] : memref<10240x64xf32, #tpu.memory_space<vmem_shared>> -> memref<10240x64xf32, #tpu.memory_space<vmem_shared>>
      tpu.wait_indirect_dma semaphore(%arg19 : memref<!tpu.dma_semaphore, #tpu.memory_space<semaphore_mem>>) src(%arg11 : memref<128x64xf32, #tpu.memory_space<vmem>>) dst(%dma_wait3A_308 : memref<10240x64xf32, #tpu.memory_space<vmem_shared>>)
      %dma_wait3A_309 = arith.constant 0 : i32
      %dma_wait3A_310 = tpu.memref_slice %arg8[%add3A_284, %dma_wait3A_309] : memref<160x128xi32, #tpu.memory_space<vmem>> -> memref<1x128xi32, #tpu.memory_space<vmem>>
      %dma_wait3A_311 = tpu.memref_squeeze %dma_wait3A_310 : memref<1x128xi32, #tpu.memory_space<vmem>> -> memref<128xi32, #tpu.memory_space<vmem>>
      %dma_wait3A_312 = arith.constant 0 : i32
      %dma_wait3A_313 = arith.constant 0 : i32
      %dma_wait3A_314 = tpu.memref_slice %arg21[%dma_wait3A_312, %dma_wait3A_313] : memref<10240x64xf32, #tpu.memory_space<vmem_shared>> -> memref<10240x64xf32, #tpu.memory_space<vmem_shared>>
      tpu.wait_indirect_dma semaphore(%arg20 : memref<!tpu.dma_semaphore, #tpu.memory_space<semaphore_mem>>) src(%arg12 : memref<128x64xf32, #tpu.memory_space<vmem>>) dst(%dma_wait3A_314 : memref<10240x64xf32, #tpu.memory_space<vmem_shared>>)
    }
    %scan3A_63 = arith.constant 40 : i32
    %barrier3A_64 = arith.constant 0 : index
    tpu.barrier barrier_id(%barrier3A_64)
    %mul3A_65 = arith.constant 640 : i32
    %mul3A_66 = arith.muli %arg1, %mul3A_65 : i32
    %add3A_67 = arith.constant 0 : i32
    %add3A_68 = arith.addi %mul3A_66, %add3A_67 : i32
    %dma_start3A_69 = arith.constant 0 : i32
    %dma_start3A_70 = tpu.memref_slice %arg21[%add3A_68, %dma_start3A_69] : memref<10240x64xf32, #tpu.memory_space<vmem_shared>> -> memref<128x64xf32, #tpu.memory_space<vmem_shared>>
    %dma_start3A_71 = arith.constant 0 : i32
    %dma_start3A_72 = tpu.memref_slice %arg21[%add3A_68, %dma_start3A_71] : memref<10240x64xf32, #tpu.memory_space<vmem_shared>> -> memref<128x64xf32, #tpu.memory_space<vmem_shared>>
    tpu.enqueue_dma source(%dma_start3A_72 : memref<128x64xf32, #tpu.memory_space<vmem_shared>>) target(%arg9 : memref<128x64xf32, #tpu.memory_space<vmem>>) target_semaphore(%arg13 : memref<!tpu.dma_semaphore, #tpu.memory_space<semaphore_mem>>)
    %mul3A_73 = arith.constant 640 : i32
    %mul3A_74 = arith.muli %arg1, %mul3A_73 : i32
    %add3A_75 = arith.constant 128 : i32
    %add3A_76 = arith.addi %mul3A_74, %add3A_75 : i32
    %dma_start3A_77 = arith.constant 0 : i32
    %dma_start3A_78 = tpu.memref_slice %arg21[%add3A_76, %dma_start3A_77] : memref<10240x64xf32, #tpu.memory_space<vmem_shared>> -> memref<128x64xf32, #tpu.memory_space<vmem_shared>>
    %dma_start3A_79 = arith.constant 0 : i32
    %dma_start3A_80 = tpu.memref_slice %arg21[%add3A_76, %dma_start3A_79] : memref<10240x64xf32, #tpu.memory_space<vmem_shared>> -> memref<128x64xf32, #tpu.memory_space<vmem_shared>>
    tpu.enqueue_dma source(%dma_start3A_80 : memref<128x64xf32, #tpu.memory_space<vmem_shared>>) target(%arg10 : memref<128x64xf32, #tpu.memory_space<vmem>>) target_semaphore(%arg14 : memref<!tpu.dma_semaphore, #tpu.memory_space<semaphore_mem>>)
    %mul3A_81 = arith.constant 640 : i32
    %mul3A_82 = arith.muli %arg1, %mul3A_81 : i32
    %add3A_83 = arith.constant 256 : i32
    %add3A_84 = arith.addi %mul3A_82, %add3A_83 : i32
    %dma_start3A_85 = arith.constant 0 : i32
    %dma_start3A_86 = tpu.memref_slice %arg21[%add3A_84, %dma_start3A_85] : memref<10240x64xf32, #tpu.memory_space<vmem_shared>> -> memref<128x64xf32, #tpu.memory_space<vmem_shared>>
    %dma_start3A_87 = arith.constant 0 : i32
    %dma_start3A_88 = tpu.memref_slice %arg21[%add3A_84, %dma_start3A_87] : memref<10240x64xf32, #tpu.memory_space<vmem_shared>> -> memref<128x64xf32, #tpu.memory_space<vmem_shared>>
    tpu.enqueue_dma source(%dma_start3A_88 : memref<128x64xf32, #tpu.memory_space<vmem_shared>>) target(%arg11 : memref<128x64xf32, #tpu.memory_space<vmem>>) target_semaphore(%arg15 : memref<!tpu.dma_semaphore, #tpu.memory_space<semaphore_mem>>)
    %mul3A_89 = arith.constant 640 : i32
    %mul3A_90 = arith.muli %arg1, %mul3A_89 : i32
    %add3A_91 = arith.constant 384 : i32
    %add3A_92 = arith.addi %mul3A_90, %add3A_91 : i32
    %dma_start3A_93 = arith.constant 0 : i32
    %dma_start3A_94 = tpu.memref_slice %arg21[%add3A_92, %dma_start3A_93] : memref<10240x64xf32, #tpu.memory_space<vmem_shared>> -> memref<128x64xf32, #tpu.memory_space<vmem_shared>>
    %dma_start3A_95 = arith.constant 0 : i32
    %dma_start3A_96 = tpu.memref_slice %arg21[%add3A_92, %dma_start3A_95] : memref<10240x64xf32, #tpu.memory_space<vmem_shared>> -> memref<128x64xf32, #tpu.memory_space<vmem_shared>>
    tpu.enqueue_dma source(%dma_start3A_96 : memref<128x64xf32, #tpu.memory_space<vmem_shared>>) target(%arg12 : memref<128x64xf32, #tpu.memory_space<vmem>>) target_semaphore(%arg16 : memref<!tpu.dma_semaphore, #tpu.memory_space<semaphore_mem>>)
    %dma_wait3A_97 = arith.constant 0 : i32
    %dma_wait3A_98 = tpu.memref_slice %arg21[%add3A_68, %dma_wait3A_97] : memref<10240x64xf32, #tpu.memory_space<vmem_shared>> -> memref<128x64xf32, #tpu.memory_space<vmem_shared>>
    %dma_wait3A_99 = arith.constant 0 : i32
    %dma_wait3A_100 = tpu.memref_slice %arg21[%add3A_68, %dma_wait3A_99] : memref<10240x64xf32, #tpu.memory_space<vmem_shared>> -> memref<128x64xf32, #tpu.memory_space<vmem_shared>>
    tpu.wait_dma2 semaphore(%arg13 : memref<!tpu.dma_semaphore, #tpu.memory_space<semaphore_mem>>) src(%dma_wait3A_100 : memref<128x64xf32, #tpu.memory_space<vmem_shared>>) dst(%arg9 : memref<128x64xf32, #tpu.memory_space<vmem>>)
    %mul3A_101 = arith.constant 10240 : i32
    %mul3A_102 = arith.muli %arg0, %mul3A_101 : i32
    %mul3A_103 = arith.constant 640 : i32
    %mul3A_104 = arith.muli %arg1, %mul3A_103 : i32
    %add3A_105 = arith.addi %mul3A_102, %mul3A_104 : i32
    %add3A_106 = arith.constant 0 : i32
    %add3A_107 = arith.addi %add3A_105, %add3A_106 : i32
    %dma_start3A_108 = arith.constant 0 : i32
    %dma_start3A_109 = tpu.memref_slice %arg6[%add3A_107, %dma_start3A_108] : memref<20480x64xf32, #tpu.memory_space<hbm>> -> memref<128x64xf32, #tpu.memory_space<hbm>>
    %dma_start3A_110 = arith.constant 0 : i32
    %dma_start3A_111 = tpu.memref_slice %arg6[%add3A_107, %dma_start3A_110] : memref<20480x64xf32, #tpu.memory_space<hbm>> -> memref<128x64xf32, #tpu.memory_space<hbm>>
    tpu.enqueue_dma source(%arg9 : memref<128x64xf32, #tpu.memory_space<vmem>>) target(%dma_start3A_111 : memref<128x64xf32, #tpu.memory_space<hbm>>) target_semaphore(%arg17 : memref<!tpu.dma_semaphore, #tpu.memory_space<semaphore_mem>>)
    %dma_wait3A_112 = arith.constant 0 : i32
    %dma_wait3A_113 = tpu.memref_slice %arg21[%add3A_76, %dma_wait3A_112] : memref<10240x64xf32, #tpu.memory_space<vmem_shared>> -> memref<128x64xf32, #tpu.memory_space<vmem_shared>>
    %dma_wait3A_114 = arith.constant 0 : i32
    %dma_wait3A_115 = tpu.memref_slice %arg21[%add3A_76, %dma_wait3A_114] : memref<10240x64xf32, #tpu.memory_space<vmem_shared>> -> memref<128x64xf32, #tpu.memory_space<vmem_shared>>
    tpu.wait_dma2 semaphore(%arg14 : memref<!tpu.dma_semaphore, #tpu.memory_space<semaphore_mem>>) src(%dma_wait3A_115 : memref<128x64xf32, #tpu.memory_space<vmem_shared>>) dst(%arg10 : memref<128x64xf32, #tpu.memory_space<vmem>>)
    %mul3A_116 = arith.constant 10240 : i32
    %mul3A_117 = arith.muli %arg0, %mul3A_116 : i32
    %mul3A_118 = arith.constant 640 : i32
    %mul3A_119 = arith.muli %arg1, %mul3A_118 : i32
    %add3A_120 = arith.addi %mul3A_117, %mul3A_119 : i32
    %add3A_121 = arith.constant 128 : i32
    %add3A_122 = arith.addi %add3A_120, %add3A_121 : i32
    %dma_start3A_123 = arith.constant 0 : i32
    %dma_start3A_124 = tpu.memref_slice %arg6[%add3A_122, %dma_start3A_123] : memref<20480x64xf32, #tpu.memory_space<hbm>> -> memref<128x64xf32, #tpu.memory_space<hbm>>
    %dma_start3A_125 = arith.constant 0 : i32
    %dma_start3A_126 = tpu.memref_slice %arg6[%add3A_122, %dma_start3A_125] : memref<20480x64xf32, #tpu.memory_space<hbm>> -> memref<128x64xf32, #tpu.memory_space<hbm>>
    tpu.enqueue_dma source(%arg10 : memref<128x64xf32, #tpu.memory_space<vmem>>) target(%dma_start3A_126 : memref<128x64xf32, #tpu.memory_space<hbm>>) target_semaphore(%arg18 : memref<!tpu.dma_semaphore, #tpu.memory_space<semaphore_mem>>)
    %dma_wait3A_127 = arith.constant 0 : i32
    %dma_wait3A_128 = tpu.memref_slice %arg21[%add3A_84, %dma_wait3A_127] : memref<10240x64xf32, #tpu.memory_space<vmem_shared>> -> memref<128x64xf32, #tpu.memory_space<vmem_shared>>
    %dma_wait3A_129 = arith.constant 0 : i32
    %dma_wait3A_130 = tpu.memref_slice %arg21[%add3A_84, %dma_wait3A_129] : memref<10240x64xf32, #tpu.memory_space<vmem_shared>> -> memref<128x64xf32, #tpu.memory_space<vmem_shared>>
    tpu.wait_dma2 semaphore(%arg15 : memref<!tpu.dma_semaphore, #tpu.memory_space<semaphore_mem>>) src(%dma_wait3A_130 : memref<128x64xf32, #tpu.memory_space<vmem_shared>>) dst(%arg11 : memref<128x64xf32, #tpu.memory_space<vmem>>)
    %mul3A_131 = arith.constant 10240 : i32
    %mul3A_132 = arith.muli %arg0, %mul3A_131 : i32
    %mul3A_133 = arith.constant 640 : i32
    %mul3A_134 = arith.muli %arg1, %mul3A_133 : i32
    %add3A_135 = arith.addi %mul3A_132, %mul3A_134 : i32
    %add3A_136 = arith.constant 256 : i32
    %add3A_137 = arith.addi %add3A_135, %add3A_136 : i32
    %dma_start3A_138 = arith.constant 0 : i32
    %dma_start3A_139 = tpu.memref_slice %arg6[%add3A_137, %dma_start3A_138] : memref<20480x64xf32, #tpu.memory_space<hbm>> -> memref<128x64xf32, #tpu.memory_space<hbm>>
    %dma_start3A_140 = arith.constant 0 : i32
    %dma_start3A_141 = tpu.memref_slice %arg6[%add3A_137, %dma_start3A_140] : memref<20480x64xf32, #tpu.memory_space<hbm>> -> memref<128x64xf32, #tpu.memory_space<hbm>>
    tpu.enqueue_dma source(%arg11 : memref<128x64xf32, #tpu.memory_space<vmem>>) target(%dma_start3A_141 : memref<128x64xf32, #tpu.memory_space<hbm>>) target_semaphore(%arg19 : memref<!tpu.dma_semaphore, #tpu.memory_space<semaphore_mem>>)
    %dma_wait3A_142 = arith.constant 0 : i32
    %dma_wait3A_143 = tpu.memref_slice %arg21[%add3A_92, %dma_wait3A_142] : memref<10240x64xf32, #tpu.memory_space<vmem_shared>> -> memref<128x64xf32, #tpu.memory_space<vmem_shared>>
    %dma_wait3A_144 = arith.constant 0 : i32
    %dma_wait3A_145 = tpu.memref_slice %arg21[%add3A_92, %dma_wait3A_144] : memref<10240x64xf32, #tpu.memory_space<vmem_shared>> -> memref<128x64xf32, #tpu.memory_space<vmem_shared>>
    tpu.wait_dma2 semaphore(%arg16 : memref<!tpu.dma_semaphore, #tpu.memory_space<semaphore_mem>>) src(%dma_wait3A_145 : memref<128x64xf32, #tpu.memory_space<vmem_shared>>) dst(%arg12 : memref<128x64xf32, #tpu.memory_space<vmem>>)
    %mul3A_146 = arith.constant 10240 : i32
    %mul3A_147 = arith.muli %arg0, %mul3A_146 : i32
    %mul3A_148 = arith.constant 640 : i32
    %mul3A_149 = arith.muli %arg1, %mul3A_148 : i32
    %add3A_150 = arith.addi %mul3A_147, %mul3A_149 : i32
    %add3A_151 = arith.constant 384 : i32
    %add3A_152 = arith.addi %add3A_150, %add3A_151 : i32
    %dma_start3A_153 = arith.constant 0 : i32
    %dma_start3A_154 = tpu.memref_slice %arg6[%add3A_152, %dma_start3A_153] : memref<20480x64xf32, #tpu.memory_space<hbm>> -> memref<128x64xf32, #tpu.memory_space<hbm>>
    %dma_start3A_155 = arith.constant 0 : i32
    %dma_start3A_156 = tpu.memref_slice %arg6[%add3A_152, %dma_start3A_155] : memref<20480x64xf32, #tpu.memory_space<hbm>> -> memref<128x64xf32, #tpu.memory_space<hbm>>
    tpu.enqueue_dma source(%arg12 : memref<128x64xf32, #tpu.memory_space<vmem>>) target(%dma_start3A_156 : memref<128x64xf32, #tpu.memory_space<hbm>>) target_semaphore(%arg20 : memref<!tpu.dma_semaphore, #tpu.memory_space<semaphore_mem>>)
    %dma_wait3A_157 = arith.constant 0 : i32
    %dma_wait3A_158 = tpu.memref_slice %arg6[%add3A_107, %dma_wait3A_157] : memref<20480x64xf32, #tpu.memory_space<hbm>> -> memref<128x64xf32, #tpu.memory_space<hbm>>
    %dma_wait3A_159 = arith.constant 0 : i32
    %dma_wait3A_160 = tpu.memref_slice %arg6[%add3A_107, %dma_wait3A_159] : memref<20480x64xf32, #tpu.memory_space<hbm>> -> memref<128x64xf32, #tpu.memory_space<hbm>>
    tpu.wait_dma2 semaphore(%arg17 : memref<!tpu.dma_semaphore, #tpu.memory_space<semaphore_mem>>) src(%arg9 : memref<128x64xf32, #tpu.memory_space<vmem>>) dst(%dma_wait3A_160 : memref<128x64xf32, #tpu.memory_space<hbm>>)
    %dma_wait3A_161 = arith.constant 0 : i32
    %dma_wait3A_162 = tpu.memref_slice %arg6[%add3A_122, %dma_wait3A_161] : memref<20480x64xf32, #tpu.memory_space<hbm>> -> memref<128x64xf32, #tpu.memory_space<hbm>>
    %dma_wait3A_163 = arith.constant 0 : i32
    %dma_wait3A_164 = tpu.memref_slice %arg6[%add3A_122, %dma_wait3A_163] : memref<20480x64xf32, #tpu.memory_space<hbm>> -> memref<128x64xf32, #tpu.memory_space<hbm>>
    tpu.wait_dma2 semaphore(%arg18 : memref<!tpu.dma_semaphore, #tpu.memory_space<semaphore_mem>>) src(%arg10 : memref<128x64xf32, #tpu.memory_space<vmem>>) dst(%dma_wait3A_164 : memref<128x64xf32, #tpu.memory_space<hbm>>)
    %dma_wait3A_165 = arith.constant 0 : i32
    %dma_wait3A_166 = tpu.memref_slice %arg6[%add3A_137, %dma_wait3A_165] : memref<20480x64xf32, #tpu.memory_space<hbm>> -> memref<128x64xf32, #tpu.memory_space<hbm>>
    %dma_wait3A_167 = arith.constant 0 : i32
    %dma_wait3A_168 = tpu.memref_slice %arg6[%add3A_137, %dma_wait3A_167] : memref<20480x64xf32, #tpu.memory_space<hbm>> -> memref<128x64xf32, #tpu.memory_space<hbm>>
    tpu.wait_dma2 semaphore(%arg19 : memref<!tpu.dma_semaphore, #tpu.memory_space<semaphore_mem>>) src(%arg11 : memref<128x64xf32, #tpu.memory_space<vmem>>) dst(%dma_wait3A_168 : memref<128x64xf32, #tpu.memory_space<hbm>>)
    %dma_wait3A_169 = arith.constant 0 : i32
    %dma_wait3A_170 = tpu.memref_slice %arg6[%add3A_152, %dma_wait3A_169] : memref<20480x64xf32, #tpu.memory_space<hbm>> -> memref<128x64xf32, #tpu.memory_space<hbm>>
    %dma_wait3A_171 = arith.constant 0 : i32
    %dma_wait3A_172 = tpu.memref_slice %arg6[%add3A_152, %dma_wait3A_171] : memref<20480x64xf32, #tpu.memory_space<hbm>> -> memref<128x64xf32, #tpu.memory_space<hbm>>
    tpu.wait_dma2 semaphore(%arg20 : memref<!tpu.dma_semaphore, #tpu.memory_space<semaphore_mem>>) src(%arg12 : memref<128x64xf32, #tpu.memory_space<vmem>>) dst(%dma_wait3A_172 : memref<128x64xf32, #tpu.memory_space<hbm>>)
    %mul3A_173 = arith.constant 640 : i32
    %mul3A_174 = arith.muli %arg1, %mul3A_173 : i32
    %add3A_175 = arith.constant 512 : i32
    %add3A_176 = arith.addi %mul3A_174, %add3A_175 : i32
    %dma_start3A_177 = arith.constant 0 : i32
    %dma_start3A_178 = tpu.memref_slice %arg21[%add3A_176, %dma_start3A_177] : memref<10240x64xf32, #tpu.memory_space<vmem_shared>> -> memref<128x64xf32, #tpu.memory_space<vmem_shared>>
    %dma_start3A_179 = arith.constant 0 : i32
    %dma_start3A_180 = tpu.memref_slice %arg21[%add3A_176, %dma_start3A_179] : memref<10240x64xf32, #tpu.memory_space<vmem_shared>> -> memref<128x64xf32, #tpu.memory_space<vmem_shared>>
    tpu.enqueue_dma source(%dma_start3A_180 : memref<128x64xf32, #tpu.memory_space<vmem_shared>>) target(%arg9 : memref<128x64xf32, #tpu.memory_space<vmem>>) target_semaphore(%arg13 : memref<!tpu.dma_semaphore, #tpu.memory_space<semaphore_mem>>)
    %dma_wait3A_181 = arith.constant 0 : i32
    %dma_wait3A_182 = tpu.memref_slice %arg21[%add3A_176, %dma_wait3A_181] : memref<10240x64xf32, #tpu.memory_space<vmem_shared>> -> memref<128x64xf32, #tpu.memory_space<vmem_shared>>
    %dma_wait3A_183 = arith.constant 0 : i32
    %dma_wait3A_184 = tpu.memref_slice %arg21[%add3A_176, %dma_wait3A_183] : memref<10240x64xf32, #tpu.memory_space<vmem_shared>> -> memref<128x64xf32, #tpu.memory_space<vmem_shared>>
    tpu.wait_dma2 semaphore(%arg13 : memref<!tpu.dma_semaphore, #tpu.memory_space<semaphore_mem>>) src(%dma_wait3A_184 : memref<128x64xf32, #tpu.memory_space<vmem_shared>>) dst(%arg9 : memref<128x64xf32, #tpu.memory_space<vmem>>)
    %mul3A_185 = arith.constant 10240 : i32
    %mul3A_186 = arith.muli %arg0, %mul3A_185 : i32
    %mul3A_187 = arith.constant 640 : i32
    %mul3A_188 = arith.muli %arg1, %mul3A_187 : i32
    %add3A_189 = arith.addi %mul3A_186, %mul3A_188 : i32
    %add3A_190 = arith.constant 512 : i32
    %add3A_191 = arith.addi %add3A_189, %add3A_190 : i32
    %dma_start3A_192 = arith.constant 0 : i32
    %dma_start3A_193 = tpu.memref_slice %arg6[%add3A_191, %dma_start3A_192] : memref<20480x64xf32, #tpu.memory_space<hbm>> -> memref<128x64xf32, #tpu.memory_space<hbm>>
    %dma_start3A_194 = arith.constant 0 : i32
    %dma_start3A_195 = tpu.memref_slice %arg6[%add3A_191, %dma_start3A_194] : memref<20480x64xf32, #tpu.memory_space<hbm>> -> memref<128x64xf32, #tpu.memory_space<hbm>>
    tpu.enqueue_dma source(%arg9 : memref<128x64xf32, #tpu.memory_space<vmem>>) target(%dma_start3A_195 : memref<128x64xf32, #tpu.memory_space<hbm>>) target_semaphore(%arg17 : memref<!tpu.dma_semaphore, #tpu.memory_space<semaphore_mem>>)
    %dma_wait3A_196 = arith.constant 0 : i32
    %dma_wait3A_197 = tpu.memref_slice %arg6[%add3A_191, %dma_wait3A_196] : memref<20480x64xf32, #tpu.memory_space<hbm>> -> memref<128x64xf32, #tpu.memory_space<hbm>>
    %dma_wait3A_198 = arith.constant 0 : i32
    %dma_wait3A_199 = tpu.memref_slice %arg6[%add3A_191, %dma_wait3A_198] : memref<20480x64xf32, #tpu.memory_space<hbm>> -> memref<128x64xf32, #tpu.memory_space<hbm>>
    tpu.wait_dma2 semaphore(%arg17 : memref<!tpu.dma_semaphore, #tpu.memory_space<semaphore_mem>>) src(%arg9 : memref<128x64xf32, #tpu.memory_space<vmem>>) dst(%dma_wait3A_199 : memref<128x64xf32, #tpu.memory_space<hbm>>)
    return
  }
}

#map = affine_map<(d0, d1) -> (0, 0)>
#map1 = affine_map<(d0, d1) -> (0, 0, 0)>
module attributes {stable_mosaic.version = 14 : i64} {
  func.func @_agg_body(%arg0: i32, %arg1: i32, %arg2: memref<20000x64xf32, #tpu.memory_space<hbm>>, %arg3: memref<32x160x128xi32, #tpu.memory_space<hbm>>, %arg4: memref<16x160x128xi32, #tpu.memory_space<hbm>>, %arg5: memref<128x64xf32, #tpu.memory_space<hbm>>, %arg6: memref<20480x64xf32, #tpu.memory_space<hbm>>, %arg7: memref<160x128xi32, #tpu.memory_space<vmem>>, %arg8: memref<160x128xi32, #tpu.memory_space<vmem>>, %arg9: memref<128x64xf32, #tpu.memory_space<vmem>>, %arg10: memref<128x64xf32, #tpu.memory_space<vmem>>, %arg11: memref<128x64xf32, #tpu.memory_space<vmem>>, %arg12: memref<128x64xf32, #tpu.memory_space<vmem>>, %arg13: memref<!tpu.dma_semaphore, #tpu.memory_space<semaphore_mem>>, %arg14: memref<!tpu.dma_semaphore, #tpu.memory_space<semaphore_mem>>, %arg15: memref<!tpu.dma_semaphore, #tpu.memory_space<semaphore_mem>>, %arg16: memref<!tpu.dma_semaphore, #tpu.memory_space<semaphore_mem>>, %arg17: memref<!tpu.dma_semaphore, #tpu.memory_space<semaphore_mem>>, %arg18: memref<!tpu.dma_semaphore, #tpu.memory_space<semaphore_mem>>, %arg19: memref<!tpu.dma_semaphore, #tpu.memory_space<semaphore_mem>>, %arg20: memref<!tpu.dma_semaphore, #tpu.memory_space<semaphore_mem>>, %arg21: memref<10240x64xf32, #tpu.memory_space<vmem_shared>>) attributes {dimension_semantics = [#tpu.dimension_semantics<core_parallel>, #tpu.dimension_semantics<subcore_parallel>], iteration_bounds = array<i64: 2, 16>, scalar_prefetch = 0 : i64, scratch_operands = 15 : i64, tpu.core_type = #tpu.core_type<sc_vector_subcore>, window_params = [{transform_indices = #map}, {transform_indices = #map1}, {transform_indices = #map1}, {transform_indices = #map}, {transform_indices = #map}]} {
    %mul3A = arith.constant 16 : i32
    %mul3A_0 = arith.muli %arg0, %mul3A : i32
    %add3A = arith.addi %mul3A_0, %arg1 : i32
    "tpu.region"() ({
      %run_scoped3A = tpu.sem_alloc : memref<!tpu.dma_semaphore, #tpu.memory_space<semaphore_mem>>
      %dma_start3A_200 = arith.constant 0 : i32
      %dma_start3A_201 = arith.constant 0 : i32
      %dma_start3A_202 = tpu.memref_slice %arg3[%add3A, %dma_start3A_200, %dma_start3A_201] : memref<32x160x128xi32, #tpu.memory_space<hbm>> -> memref<1x160x128xi32, #tpu.memory_space<hbm>>
      %dma_start3A_203 = tpu.memref_squeeze %dma_start3A_202 : memref<1x160x128xi32, #tpu.memory_space<hbm>> -> memref<160x128xi32, #tpu.memory_space<hbm>>
      %dma_start3A_204 = arith.constant 0 : i32
      %dma_start3A_205 = arith.constant 0 : i32
      %dma_start3A_206 = tpu.memref_slice %arg3[%add3A, %dma_start3A_204, %dma_start3A_205] : memref<32x160x128xi32, #tpu.memory_space<hbm>> -> memref<1x160x128xi32, #tpu.memory_space<hbm>>
      %dma_start3A_207 = tpu.memref_squeeze %dma_start3A_206 : memref<1x160x128xi32, #tpu.memory_space<hbm>> -> memref<160x128xi32, #tpu.memory_space<hbm>>
      tpu.enqueue_dma source(%dma_start3A_207 : memref<160x128xi32, #tpu.memory_space<hbm>>) target(%arg7 : memref<160x128xi32, #tpu.memory_space<vmem>>) target_semaphore(%run_scoped3A : memref<!tpu.dma_semaphore, #tpu.memory_space<semaphore_mem>>)
      %dma_wait3A_208 = arith.constant 0 : i32
      %dma_wait3A_209 = arith.constant 0 : i32
      %dma_wait3A_210 = tpu.memref_slice %arg3[%add3A, %dma_wait3A_208, %dma_wait3A_209] : memref<32x160x128xi32, #tpu.memory_space<hbm>> -> memref<1x160x128xi32, #tpu.memory_space<hbm>>
      %dma_wait3A_211 = tpu.memref_squeeze %dma_wait3A_210 : memref<1x160x128xi32, #tpu.memory_space<hbm>> -> memref<160x128xi32, #tpu.memory_space<hbm>>
      %dma_wait3A_212 = arith.constant 0 : i32
      %dma_wait3A_213 = arith.constant 0 : i32
      %dma_wait3A_214 = tpu.memref_slice %arg3[%add3A, %dma_wait3A_212, %dma_wait3A_213] : memref<32x160x128xi32, #tpu.memory_space<hbm>> -> memref<1x160x128xi32, #tpu.memory_space<hbm>>
      %dma_wait3A_215 = tpu.memref_squeeze %dma_wait3A_214 : memref<1x160x128xi32, #tpu.memory_space<hbm>> -> memref<160x128xi32, #tpu.memory_space<hbm>>
      tpu.wait_dma2 semaphore(%run_scoped3A : memref<!tpu.dma_semaphore, #tpu.memory_space<semaphore_mem>>) src(%dma_wait3A_215 : memref<160x128xi32, #tpu.memory_space<hbm>>) dst(%arg7 : memref<160x128xi32, #tpu.memory_space<vmem>>)
      tpu.yield
    }) : () -> ()
    "tpu.region"() ({
      %run_scoped3A = tpu.sem_alloc : memref<!tpu.dma_semaphore, #tpu.memory_space<semaphore_mem>>
      %dma_start3A_200 = arith.constant 0 : i32
      %dma_start3A_201 = arith.constant 0 : i32
      %dma_start3A_202 = tpu.memref_slice %arg4[%arg1, %dma_start3A_200, %dma_start3A_201] : memref<16x160x128xi32, #tpu.memory_space<hbm>> -> memref<1x160x128xi32, #tpu.memory_space<hbm>>
      %dma_start3A_203 = tpu.memref_squeeze %dma_start3A_202 : memref<1x160x128xi32, #tpu.memory_space<hbm>> -> memref<160x128xi32, #tpu.memory_space<hbm>>
      %dma_start3A_204 = arith.constant 0 : i32
      %dma_start3A_205 = arith.constant 0 : i32
      %dma_start3A_206 = tpu.memref_slice %arg4[%arg1, %dma_start3A_204, %dma_start3A_205] : memref<16x160x128xi32, #tpu.memory_space<hbm>> -> memref<1x160x128xi32, #tpu.memory_space<hbm>>
      %dma_start3A_207 = tpu.memref_squeeze %dma_start3A_206 : memref<1x160x128xi32, #tpu.memory_space<hbm>> -> memref<160x128xi32, #tpu.memory_space<hbm>>
      tpu.enqueue_dma source(%dma_start3A_207 : memref<160x128xi32, #tpu.memory_space<hbm>>) target(%arg8 : memref<160x128xi32, #tpu.memory_space<vmem>>) target_semaphore(%run_scoped3A : memref<!tpu.dma_semaphore, #tpu.memory_space<semaphore_mem>>)
      %dma_wait3A_208 = arith.constant 0 : i32
      %dma_wait3A_209 = arith.constant 0 : i32
      %dma_wait3A_210 = tpu.memref_slice %arg4[%arg1, %dma_wait3A_208, %dma_wait3A_209] : memref<16x160x128xi32, #tpu.memory_space<hbm>> -> memref<1x160x128xi32, #tpu.memory_space<hbm>>
      %dma_wait3A_211 = tpu.memref_squeeze %dma_wait3A_210 : memref<1x160x128xi32, #tpu.memory_space<hbm>> -> memref<160x128xi32, #tpu.memory_space<hbm>>
      %dma_wait3A_212 = arith.constant 0 : i32
      %dma_wait3A_213 = arith.constant 0 : i32
      %dma_wait3A_214 = tpu.memref_slice %arg4[%arg1, %dma_wait3A_212, %dma_wait3A_213] : memref<16x160x128xi32, #tpu.memory_space<hbm>> -> memref<1x160x128xi32, #tpu.memory_space<hbm>>
      %dma_wait3A_215 = tpu.memref_squeeze %dma_wait3A_214 : memref<1x160x128xi32, #tpu.memory_space<hbm>> -> memref<160x128xi32, #tpu.memory_space<hbm>>
      tpu.wait_dma2 semaphore(%run_scoped3A : memref<!tpu.dma_semaphore, #tpu.memory_space<semaphore_mem>>) src(%dma_wait3A_215 : memref<160x128xi32, #tpu.memory_space<hbm>>) dst(%arg8 : memref<160x128xi32, #tpu.memory_space<vmem>>)
      tpu.yield
    }) : () -> ()
    "tpu.region"() ({
      %run_scoped3A = tpu.sem_alloc : memref<!tpu.dma_semaphore, #tpu.memory_space<semaphore_mem>>
      tpu.enqueue_dma source(%arg5 : memref<128x64xf32, #tpu.memory_space<hbm>>) target(%arg9 : memref<128x64xf32, #tpu.memory_space<vmem>>) target_semaphore(%run_scoped3A : memref<!tpu.dma_semaphore, #tpu.memory_space<semaphore_mem>>)
      tpu.wait_dma2 semaphore(%run_scoped3A : memref<!tpu.dma_semaphore, #tpu.memory_space<semaphore_mem>>) src(%arg5 : memref<128x64xf32, #tpu.memory_space<hbm>>) dst(%arg9 : memref<128x64xf32, #tpu.memory_space<vmem>>)
      tpu.yield
    }) : () -> ()
    %mul3A_1 = arith.constant 640 : i32
    %mul3A_2 = arith.muli %arg1, %mul3A_1 : i32
    %add3A_3 = arith.constant 0 : i32
    %add3A_4 = arith.addi %mul3A_2, %add3A_3 : i32
    %dma_start3A = arith.constant 0 : i32
    %dma_start3A_5 = tpu.memref_slice %arg21[%add3A_4, %dma_start3A] : memref<10240x64xf32, #tpu.memory_space<vmem_shared>> -> memref<128x64xf32, #tpu.memory_space<vmem_shared>>
    %dma_start3A_6 = arith.constant 0 : i32
    %dma_start3A_7 = tpu.memref_slice %arg21[%add3A_4, %dma_start3A_6] : memref<10240x64xf32, #tpu.memory_space<vmem_shared>> -> memref<128x64xf32, #tpu.memory_space<vmem_shared>>
    tpu.enqueue_dma source(%arg9 : memref<128x64xf32, #tpu.memory_space<vmem>>) target(%dma_start3A_7 : memref<128x64xf32, #tpu.memory_space<vmem_shared>>) target_semaphore(%arg13 : memref<!tpu.dma_semaphore, #tpu.memory_space<semaphore_mem>>)
    %mul3A_8 = arith.constant 640 : i32
    %mul3A_9 = arith.muli %arg1, %mul3A_8 : i32
    %add3A_10 = arith.constant 128 : i32
    %add3A_11 = arith.addi %mul3A_9, %add3A_10 : i32
    %dma_start3A_12 = arith.constant 0 : i32
    %dma_start3A_13 = tpu.memref_slice %arg21[%add3A_11, %dma_start3A_12] : memref<10240x64xf32, #tpu.memory_space<vmem_shared>> -> memref<128x64xf32, #tpu.memory_space<vmem_shared>>
    %dma_start3A_14 = arith.constant 0 : i32
    %dma_start3A_15 = tpu.memref_slice %arg21[%add3A_11, %dma_start3A_14] : memref<10240x64xf32, #tpu.memory_space<vmem_shared>> -> memref<128x64xf32, #tpu.memory_space<vmem_shared>>
    tpu.enqueue_dma source(%arg9 : memref<128x64xf32, #tpu.memory_space<vmem>>) target(%dma_start3A_15 : memref<128x64xf32, #tpu.memory_space<vmem_shared>>) target_semaphore(%arg14 : memref<!tpu.dma_semaphore, #tpu.memory_space<semaphore_mem>>)
    %mul3A_16 = arith.constant 640 : i32
    %mul3A_17 = arith.muli %arg1, %mul3A_16 : i32
    %add3A_18 = arith.constant 256 : i32
    %add3A_19 = arith.addi %mul3A_17, %add3A_18 : i32
    %dma_start3A_20 = arith.constant 0 : i32
    %dma_start3A_21 = tpu.memref_slice %arg21[%add3A_19, %dma_start3A_20] : memref<10240x64xf32, #tpu.memory_space<vmem_shared>> -> memref<128x64xf32, #tpu.memory_space<vmem_shared>>
    %dma_start3A_22 = arith.constant 0 : i32
    %dma_start3A_23 = tpu.memref_slice %arg21[%add3A_19, %dma_start3A_22] : memref<10240x64xf32, #tpu.memory_space<vmem_shared>> -> memref<128x64xf32, #tpu.memory_space<vmem_shared>>
    tpu.enqueue_dma source(%arg9 : memref<128x64xf32, #tpu.memory_space<vmem>>) target(%dma_start3A_23 : memref<128x64xf32, #tpu.memory_space<vmem_shared>>) target_semaphore(%arg15 : memref<!tpu.dma_semaphore, #tpu.memory_space<semaphore_mem>>)
    %mul3A_24 = arith.constant 640 : i32
    %mul3A_25 = arith.muli %arg1, %mul3A_24 : i32
    %add3A_26 = arith.constant 384 : i32
    %add3A_27 = arith.addi %mul3A_25, %add3A_26 : i32
    %dma_start3A_28 = arith.constant 0 : i32
    %dma_start3A_29 = tpu.memref_slice %arg21[%add3A_27, %dma_start3A_28] : memref<10240x64xf32, #tpu.memory_space<vmem_shared>> -> memref<128x64xf32, #tpu.memory_space<vmem_shared>>
    %dma_start3A_30 = arith.constant 0 : i32
    %dma_start3A_31 = tpu.memref_slice %arg21[%add3A_27, %dma_start3A_30] : memref<10240x64xf32, #tpu.memory_space<vmem_shared>> -> memref<128x64xf32, #tpu.memory_space<vmem_shared>>
    tpu.enqueue_dma source(%arg9 : memref<128x64xf32, #tpu.memory_space<vmem>>) target(%dma_start3A_31 : memref<128x64xf32, #tpu.memory_space<vmem_shared>>) target_semaphore(%arg16 : memref<!tpu.dma_semaphore, #tpu.memory_space<semaphore_mem>>)
    %mul3A_32 = arith.constant 640 : i32
    %mul3A_33 = arith.muli %arg1, %mul3A_32 : i32
    %add3A_34 = arith.constant 512 : i32
    %add3A_35 = arith.addi %mul3A_33, %add3A_34 : i32
    %dma_start3A_36 = arith.constant 0 : i32
    %dma_start3A_37 = tpu.memref_slice %arg21[%add3A_35, %dma_start3A_36] : memref<10240x64xf32, #tpu.memory_space<vmem_shared>> -> memref<128x64xf32, #tpu.memory_space<vmem_shared>>
    %dma_start3A_38 = arith.constant 0 : i32
    %dma_start3A_39 = tpu.memref_slice %arg21[%add3A_35, %dma_start3A_38] : memref<10240x64xf32, #tpu.memory_space<vmem_shared>> -> memref<128x64xf32, #tpu.memory_space<vmem_shared>>
    tpu.enqueue_dma source(%arg9 : memref<128x64xf32, #tpu.memory_space<vmem>>) target(%dma_start3A_39 : memref<128x64xf32, #tpu.memory_space<vmem_shared>>) target_semaphore(%arg13 : memref<!tpu.dma_semaphore, #tpu.memory_space<semaphore_mem>>)
    %dma_wait3A = arith.constant 0 : i32
    %dma_wait3A_40 = tpu.memref_slice %arg21[%add3A_4, %dma_wait3A] : memref<10240x64xf32, #tpu.memory_space<vmem_shared>> -> memref<128x64xf32, #tpu.memory_space<vmem_shared>>
    %dma_wait3A_41 = arith.constant 0 : i32
    %dma_wait3A_42 = tpu.memref_slice %arg21[%add3A_4, %dma_wait3A_41] : memref<10240x64xf32, #tpu.memory_space<vmem_shared>> -> memref<128x64xf32, #tpu.memory_space<vmem_shared>>
    tpu.wait_dma2 semaphore(%arg13 : memref<!tpu.dma_semaphore, #tpu.memory_space<semaphore_mem>>) src(%arg9 : memref<128x64xf32, #tpu.memory_space<vmem>>) dst(%dma_wait3A_42 : memref<128x64xf32, #tpu.memory_space<vmem_shared>>)
    %dma_wait3A_43 = arith.constant 0 : i32
    %dma_wait3A_44 = tpu.memref_slice %arg21[%add3A_11, %dma_wait3A_43] : memref<10240x64xf32, #tpu.memory_space<vmem_shared>> -> memref<128x64xf32, #tpu.memory_space<vmem_shared>>
    %dma_wait3A_45 = arith.constant 0 : i32
    %dma_wait3A_46 = tpu.memref_slice %arg21[%add3A_11, %dma_wait3A_45] : memref<10240x64xf32, #tpu.memory_space<vmem_shared>> -> memref<128x64xf32, #tpu.memory_space<vmem_shared>>
    tpu.wait_dma2 semaphore(%arg14 : memref<!tpu.dma_semaphore, #tpu.memory_space<semaphore_mem>>) src(%arg9 : memref<128x64xf32, #tpu.memory_space<vmem>>) dst(%dma_wait3A_46 : memref<128x64xf32, #tpu.memory_space<vmem_shared>>)
    %dma_wait3A_47 = arith.constant 0 : i32
    %dma_wait3A_48 = tpu.memref_slice %arg21[%add3A_19, %dma_wait3A_47] : memref<10240x64xf32, #tpu.memory_space<vmem_shared>> -> memref<128x64xf32, #tpu.memory_space<vmem_shared>>
    %dma_wait3A_49 = arith.constant 0 : i32
    %dma_wait3A_50 = tpu.memref_slice %arg21[%add3A_19, %dma_wait3A_49] : memref<10240x64xf32, #tpu.memory_space<vmem_shared>> -> memref<128x64xf32, #tpu.memory_space<vmem_shared>>
    tpu.wait_dma2 semaphore(%arg15 : memref<!tpu.dma_semaphore, #tpu.memory_space<semaphore_mem>>) src(%arg9 : memref<128x64xf32, #tpu.memory_space<vmem>>) dst(%dma_wait3A_50 : memref<128x64xf32, #tpu.memory_space<vmem_shared>>)
    %dma_wait3A_51 = arith.constant 0 : i32
    %dma_wait3A_52 = tpu.memref_slice %arg21[%add3A_27, %dma_wait3A_51] : memref<10240x64xf32, #tpu.memory_space<vmem_shared>> -> memref<128x64xf32, #tpu.memory_space<vmem_shared>>
    %dma_wait3A_53 = arith.constant 0 : i32
    %dma_wait3A_54 = tpu.memref_slice %arg21[%add3A_27, %dma_wait3A_53] : memref<10240x64xf32, #tpu.memory_space<vmem_shared>> -> memref<128x64xf32, #tpu.memory_space<vmem_shared>>
    tpu.wait_dma2 semaphore(%arg16 : memref<!tpu.dma_semaphore, #tpu.memory_space<semaphore_mem>>) src(%arg9 : memref<128x64xf32, #tpu.memory_space<vmem>>) dst(%dma_wait3A_54 : memref<128x64xf32, #tpu.memory_space<vmem_shared>>)
    %dma_wait3A_55 = arith.constant 0 : i32
    %dma_wait3A_56 = tpu.memref_slice %arg21[%add3A_35, %dma_wait3A_55] : memref<10240x64xf32, #tpu.memory_space<vmem_shared>> -> memref<128x64xf32, #tpu.memory_space<vmem_shared>>
    %dma_wait3A_57 = arith.constant 0 : i32
    %dma_wait3A_58 = tpu.memref_slice %arg21[%add3A_35, %dma_wait3A_57] : memref<10240x64xf32, #tpu.memory_space<vmem_shared>> -> memref<128x64xf32, #tpu.memory_space<vmem_shared>>
    tpu.wait_dma2 semaphore(%arg13 : memref<!tpu.dma_semaphore, #tpu.memory_space<semaphore_mem>>) src(%arg9 : memref<128x64xf32, #tpu.memory_space<vmem>>) dst(%dma_wait3A_58 : memref<128x64xf32, #tpu.memory_space<vmem_shared>>)
    %barrier3A = arith.constant 0 : index
    tpu.barrier barrier_id(%barrier3A)
    %scan3A = arith.constant 0 : i32
    %scan3A_59 = arith.constant 0 : i32
    %scan3A_60 = arith.constant 40 : i32
    %scan3A_61 = arith.addi %scan3A_59, %scan3A_60 : i32
    %scan3A_62 = arith.constant 1 : i32
    scf.for %scan3A_200 = %scan3A_59 to %scan3A_61 step %scan3A_62  : i32 {
      %mul3A_201 = arith.constant 4 : i32
      %mul3A_202 = arith.muli %scan3A_200, %mul3A_201 : i32
      %add3A_203 = arith.constant 0 : i32
      %add3A_204 = arith.addi %mul3A_202, %add3A_203 : i32
      %dma_start3A_205 = arith.constant 0 : i32
      %dma_start3A_206 = tpu.memref_slice %arg7[%add3A_204, %dma_start3A_205] : memref<160x128xi32, #tpu.memory_space<vmem>> -> memref<1x128xi32, #tpu.memory_space<vmem>>
      %dma_start3A_207 = tpu.memref_squeeze %dma_start3A_206 : memref<1x128xi32, #tpu.memory_space<vmem>> -> memref<128xi32, #tpu.memory_space<vmem>>
      %dma_start3A_208 = arith.constant 0 : i32
      %dma_start3A_209 = arith.constant 0 : i32
      %dma_start3A_210 = tpu.memref_slice %arg2[%dma_start3A_208, %dma_start3A_209] : memref<20000x64xf32, #tpu.memory_space<hbm>> -> memref<20000x64xf32, #tpu.memory_space<hbm>>
      tpu.enqueue_indirect_dma source(%dma_start3A_210 : memref<20000x64xf32, #tpu.memory_space<hbm>>) target(%arg9 : memref<128x64xf32, #tpu.memory_space<vmem>>) offsets(%dma_start3A_207 : memref<128xi32, #tpu.memory_space<vmem>>) semaphore(%arg13 : memref<!tpu.dma_semaphore, #tpu.memory_space<semaphore_mem>>)
      %add3A_211 = arith.constant 1 : i32
      %add3A_212 = arith.addi %mul3A_202, %add3A_211 : i32
      %dma_start3A_213 = arith.constant 0 : i32
      %dma_start3A_214 = tpu.memref_slice %arg7[%add3A_212, %dma_start3A_213] : memref<160x128xi32, #tpu.memory_space<vmem>> -> memref<1x128xi32, #tpu.memory_space<vmem>>
      %dma_start3A_215 = tpu.memref_squeeze %dma_start3A_214 : memref<1x128xi32, #tpu.memory_space<vmem>> -> memref<128xi32, #tpu.memory_space<vmem>>
      %dma_start3A_216 = arith.constant 0 : i32
      %dma_start3A_217 = arith.constant 0 : i32
      %dma_start3A_218 = tpu.memref_slice %arg2[%dma_start3A_216, %dma_start3A_217] : memref<20000x64xf32, #tpu.memory_space<hbm>> -> memref<20000x64xf32, #tpu.memory_space<hbm>>
      tpu.enqueue_indirect_dma source(%dma_start3A_218 : memref<20000x64xf32, #tpu.memory_space<hbm>>) target(%arg10 : memref<128x64xf32, #tpu.memory_space<vmem>>) offsets(%dma_start3A_215 : memref<128xi32, #tpu.memory_space<vmem>>) semaphore(%arg14 : memref<!tpu.dma_semaphore, #tpu.memory_space<semaphore_mem>>)
      %add3A_219 = arith.constant 2 : i32
      %add3A_220 = arith.addi %mul3A_202, %add3A_219 : i32
      %dma_start3A_221 = arith.constant 0 : i32
      %dma_start3A_222 = tpu.memref_slice %arg7[%add3A_220, %dma_start3A_221] : memref<160x128xi32, #tpu.memory_space<vmem>> -> memref<1x128xi32, #tpu.memory_space<vmem>>
      %dma_start3A_223 = tpu.memref_squeeze %dma_start3A_222 : memref<1x128xi32, #tpu.memory_space<vmem>> -> memref<128xi32, #tpu.memory_space<vmem>>
      %dma_start3A_224 = arith.constant 0 : i32
      %dma_start3A_225 = arith.constant 0 : i32
      %dma_start3A_226 = tpu.memref_slice %arg2[%dma_start3A_224, %dma_start3A_225] : memref<20000x64xf32, #tpu.memory_space<hbm>> -> memref<20000x64xf32, #tpu.memory_space<hbm>>
      tpu.enqueue_indirect_dma source(%dma_start3A_226 : memref<20000x64xf32, #tpu.memory_space<hbm>>) target(%arg11 : memref<128x64xf32, #tpu.memory_space<vmem>>) offsets(%dma_start3A_223 : memref<128xi32, #tpu.memory_space<vmem>>) semaphore(%arg15 : memref<!tpu.dma_semaphore, #tpu.memory_space<semaphore_mem>>)
      %add3A_227 = arith.constant 3 : i32
      %add3A_228 = arith.addi %mul3A_202, %add3A_227 : i32
      %dma_start3A_229 = arith.constant 0 : i32
      %dma_start3A_230 = tpu.memref_slice %arg7[%add3A_228, %dma_start3A_229] : memref<160x128xi32, #tpu.memory_space<vmem>> -> memref<1x128xi32, #tpu.memory_space<vmem>>
      %dma_start3A_231 = tpu.memref_squeeze %dma_start3A_230 : memref<1x128xi32, #tpu.memory_space<vmem>> -> memref<128xi32, #tpu.memory_space<vmem>>
      %dma_start3A_232 = arith.constant 0 : i32
      %dma_start3A_233 = arith.constant 0 : i32
      %dma_start3A_234 = tpu.memref_slice %arg2[%dma_start3A_232, %dma_start3A_233] : memref<20000x64xf32, #tpu.memory_space<hbm>> -> memref<20000x64xf32, #tpu.memory_space<hbm>>
      tpu.enqueue_indirect_dma source(%dma_start3A_234 : memref<20000x64xf32, #tpu.memory_space<hbm>>) target(%arg12 : memref<128x64xf32, #tpu.memory_space<vmem>>) offsets(%dma_start3A_231 : memref<128xi32, #tpu.memory_space<vmem>>) semaphore(%arg16 : memref<!tpu.dma_semaphore, #tpu.memory_space<semaphore_mem>>)
      %dma_wait3A_235 = arith.constant 0 : i32
      %dma_wait3A_236 = tpu.memref_slice %arg7[%add3A_204, %dma_wait3A_235] : memref<160x128xi32, #tpu.memory_space<vmem>> -> memref<1x128xi32, #tpu.memory_space<vmem>>
      %dma_wait3A_237 = tpu.memref_squeeze %dma_wait3A_236 : memref<1x128xi32, #tpu.memory_space<vmem>> -> memref<128xi32, #tpu.memory_space<vmem>>
      %dma_wait3A_238 = arith.constant 0 : i32
      %dma_wait3A_239 = arith.constant 0 : i32
      %dma_wait3A_240 = tpu.memref_slice %arg2[%dma_wait3A_238, %dma_wait3A_239] : memref<20000x64xf32, #tpu.memory_space<hbm>> -> memref<20000x64xf32, #tpu.memory_space<hbm>>
      tpu.wait_indirect_dma semaphore(%arg13 : memref<!tpu.dma_semaphore, #tpu.memory_space<semaphore_mem>>) src(%dma_wait3A_240 : memref<20000x64xf32, #tpu.memory_space<hbm>>) dst(%arg9 : memref<128x64xf32, #tpu.memory_space<vmem>>)
      %add3A_241 = arith.constant 0 : i32
      %add3A_242 = arith.addi %mul3A_202, %add3A_241 : i32
      %dma_start3A_243 = arith.constant 0 : i32
      %dma_start3A_244 = tpu.memref_slice %arg8[%add3A_242, %dma_start3A_243] : memref<160x128xi32, #tpu.memory_space<vmem>> -> memref<1x128xi32, #tpu.memory_space<vmem>>
      %dma_start3A_245 = tpu.memref_squeeze %dma_start3A_244 : memref<1x128xi32, #tpu.memory_space<vmem>> -> memref<128xi32, #tpu.memory_space<vmem>>
      %dma_start3A_246 = arith.constant 0 : i32
      %dma_start3A_247 = arith.constant 0 : i32
      %dma_start3A_248 = tpu.memref_slice %arg21[%dma_start3A_246, %dma_start3A_247] : memref<10240x64xf32, #tpu.memory_space<vmem_shared>> -> memref<10240x64xf32, #tpu.memory_space<vmem_shared>>
      tpu.enqueue_indirect_dma source(%arg9 : memref<128x64xf32, #tpu.memory_space<vmem>>) target(%dma_start3A_248 : memref<10240x64xf32, #tpu.memory_space<vmem_shared>>) offsets(%dma_start3A_245 : memref<128xi32, #tpu.memory_space<vmem>>) semaphore(%arg17 : memref<!tpu.dma_semaphore, #tpu.memory_space<semaphore_mem>>) {add = true}
      %dma_wait3A_249 = arith.constant 0 : i32
      %dma_wait3A_250 = tpu.memref_slice %arg7[%add3A_212, %dma_wait3A_249] : memref<160x128xi32, #tpu.memory_space<vmem>> -> memref<1x128xi32, #tpu.memory_space<vmem>>
      %dma_wait3A_251 = tpu.memref_squeeze %dma_wait3A_250 : memref<1x128xi32, #tpu.memory_space<vmem>> -> memref<128xi32, #tpu.memory_space<vmem>>
      %dma_wait3A_252 = arith.constant 0 : i32
      %dma_wait3A_253 = arith.constant 0 : i32
      %dma_wait3A_254 = tpu.memref_slice %arg2[%dma_wait3A_252, %dma_wait3A_253] : memref<20000x64xf32, #tpu.memory_space<hbm>> -> memref<20000x64xf32, #tpu.memory_space<hbm>>
      tpu.wait_indirect_dma semaphore(%arg14 : memref<!tpu.dma_semaphore, #tpu.memory_space<semaphore_mem>>) src(%dma_wait3A_254 : memref<20000x64xf32, #tpu.memory_space<hbm>>) dst(%arg10 : memref<128x64xf32, #tpu.memory_space<vmem>>)
      %add3A_255 = arith.constant 1 : i32
      %add3A_256 = arith.addi %mul3A_202, %add3A_255 : i32
      %dma_start3A_257 = arith.constant 0 : i32
      %dma_start3A_258 = tpu.memref_slice %arg8[%add3A_256, %dma_start3A_257] : memref<160x128xi32, #tpu.memory_space<vmem>> -> memref<1x128xi32, #tpu.memory_space<vmem>>
      %dma_start3A_259 = tpu.memref_squeeze %dma_start3A_258 : memref<1x128xi32, #tpu.memory_space<vmem>> -> memref<128xi32, #tpu.memory_space<vmem>>
      %dma_start3A_260 = arith.constant 0 : i32
      %dma_start3A_261 = arith.constant 0 : i32
      %dma_start3A_262 = tpu.memref_slice %arg21[%dma_start3A_260, %dma_start3A_261] : memref<10240x64xf32, #tpu.memory_space<vmem_shared>> -> memref<10240x64xf32, #tpu.memory_space<vmem_shared>>
      tpu.enqueue_indirect_dma source(%arg10 : memref<128x64xf32, #tpu.memory_space<vmem>>) target(%dma_start3A_262 : memref<10240x64xf32, #tpu.memory_space<vmem_shared>>) offsets(%dma_start3A_259 : memref<128xi32, #tpu.memory_space<vmem>>) semaphore(%arg18 : memref<!tpu.dma_semaphore, #tpu.memory_space<semaphore_mem>>) {add = true}
      %dma_wait3A_263 = arith.constant 0 : i32
      %dma_wait3A_264 = tpu.memref_slice %arg7[%add3A_220, %dma_wait3A_263] : memref<160x128xi32, #tpu.memory_space<vmem>> -> memref<1x128xi32, #tpu.memory_space<vmem>>
      %dma_wait3A_265 = tpu.memref_squeeze %dma_wait3A_264 : memref<1x128xi32, #tpu.memory_space<vmem>> -> memref<128xi32, #tpu.memory_space<vmem>>
      %dma_wait3A_266 = arith.constant 0 : i32
      %dma_wait3A_267 = arith.constant 0 : i32
      %dma_wait3A_268 = tpu.memref_slice %arg2[%dma_wait3A_266, %dma_wait3A_267] : memref<20000x64xf32, #tpu.memory_space<hbm>> -> memref<20000x64xf32, #tpu.memory_space<hbm>>
      tpu.wait_indirect_dma semaphore(%arg15 : memref<!tpu.dma_semaphore, #tpu.memory_space<semaphore_mem>>) src(%dma_wait3A_268 : memref<20000x64xf32, #tpu.memory_space<hbm>>) dst(%arg11 : memref<128x64xf32, #tpu.memory_space<vmem>>)
      %add3A_269 = arith.constant 2 : i32
      %add3A_270 = arith.addi %mul3A_202, %add3A_269 : i32
      %dma_start3A_271 = arith.constant 0 : i32
      %dma_start3A_272 = tpu.memref_slice %arg8[%add3A_270, %dma_start3A_271] : memref<160x128xi32, #tpu.memory_space<vmem>> -> memref<1x128xi32, #tpu.memory_space<vmem>>
      %dma_start3A_273 = tpu.memref_squeeze %dma_start3A_272 : memref<1x128xi32, #tpu.memory_space<vmem>> -> memref<128xi32, #tpu.memory_space<vmem>>
      %dma_start3A_274 = arith.constant 0 : i32
      %dma_start3A_275 = arith.constant 0 : i32
      %dma_start3A_276 = tpu.memref_slice %arg21[%dma_start3A_274, %dma_start3A_275] : memref<10240x64xf32, #tpu.memory_space<vmem_shared>> -> memref<10240x64xf32, #tpu.memory_space<vmem_shared>>
      tpu.enqueue_indirect_dma source(%arg11 : memref<128x64xf32, #tpu.memory_space<vmem>>) target(%dma_start3A_276 : memref<10240x64xf32, #tpu.memory_space<vmem_shared>>) offsets(%dma_start3A_273 : memref<128xi32, #tpu.memory_space<vmem>>) semaphore(%arg19 : memref<!tpu.dma_semaphore, #tpu.memory_space<semaphore_mem>>) {add = true}
      %dma_wait3A_277 = arith.constant 0 : i32
      %dma_wait3A_278 = tpu.memref_slice %arg7[%add3A_228, %dma_wait3A_277] : memref<160x128xi32, #tpu.memory_space<vmem>> -> memref<1x128xi32, #tpu.memory_space<vmem>>
      %dma_wait3A_279 = tpu.memref_squeeze %dma_wait3A_278 : memref<1x128xi32, #tpu.memory_space<vmem>> -> memref<128xi32, #tpu.memory_space<vmem>>
      %dma_wait3A_280 = arith.constant 0 : i32
      %dma_wait3A_281 = arith.constant 0 : i32
      %dma_wait3A_282 = tpu.memref_slice %arg2[%dma_wait3A_280, %dma_wait3A_281] : memref<20000x64xf32, #tpu.memory_space<hbm>> -> memref<20000x64xf32, #tpu.memory_space<hbm>>
      tpu.wait_indirect_dma semaphore(%arg16 : memref<!tpu.dma_semaphore, #tpu.memory_space<semaphore_mem>>) src(%dma_wait3A_282 : memref<20000x64xf32, #tpu.memory_space<hbm>>) dst(%arg12 : memref<128x64xf32, #tpu.memory_space<vmem>>)
      %add3A_283 = arith.constant 3 : i32
      %add3A_284 = arith.addi %mul3A_202, %add3A_283 : i32
      %dma_start3A_285 = arith.constant 0 : i32
      %dma_start3A_286 = tpu.memref_slice %arg8[%add3A_284, %dma_start3A_285] : memref<160x128xi32, #tpu.memory_space<vmem>> -> memref<1x128xi32, #tpu.memory_space<vmem>>
      %dma_start3A_287 = tpu.memref_squeeze %dma_start3A_286 : memref<1x128xi32, #tpu.memory_space<vmem>> -> memref<128xi32, #tpu.memory_space<vmem>>
      %dma_start3A_288 = arith.constant 0 : i32
      %dma_start3A_289 = arith.constant 0 : i32
      %dma_start3A_290 = tpu.memref_slice %arg21[%dma_start3A_288, %dma_start3A_289] : memref<10240x64xf32, #tpu.memory_space<vmem_shared>> -> memref<10240x64xf32, #tpu.memory_space<vmem_shared>>
      tpu.enqueue_indirect_dma source(%arg12 : memref<128x64xf32, #tpu.memory_space<vmem>>) target(%dma_start3A_290 : memref<10240x64xf32, #tpu.memory_space<vmem_shared>>) offsets(%dma_start3A_287 : memref<128xi32, #tpu.memory_space<vmem>>) semaphore(%arg20 : memref<!tpu.dma_semaphore, #tpu.memory_space<semaphore_mem>>) {add = true}
      %dma_wait3A_291 = arith.constant 0 : i32
      %dma_wait3A_292 = tpu.memref_slice %arg8[%add3A_242, %dma_wait3A_291] : memref<160x128xi32, #tpu.memory_space<vmem>> -> memref<1x128xi32, #tpu.memory_space<vmem>>
      %dma_wait3A_293 = tpu.memref_squeeze %dma_wait3A_292 : memref<1x128xi32, #tpu.memory_space<vmem>> -> memref<128xi32, #tpu.memory_space<vmem>>
      %dma_wait3A_294 = arith.constant 0 : i32
      %dma_wait3A_295 = arith.constant 0 : i32
      %dma_wait3A_296 = tpu.memref_slice %arg21[%dma_wait3A_294, %dma_wait3A_295] : memref<10240x64xf32, #tpu.memory_space<vmem_shared>> -> memref<10240x64xf32, #tpu.memory_space<vmem_shared>>
      tpu.wait_indirect_dma semaphore(%arg17 : memref<!tpu.dma_semaphore, #tpu.memory_space<semaphore_mem>>) src(%arg9 : memref<128x64xf32, #tpu.memory_space<vmem>>) dst(%dma_wait3A_296 : memref<10240x64xf32, #tpu.memory_space<vmem_shared>>)
      %dma_wait3A_297 = arith.constant 0 : i32
      %dma_wait3A_298 = tpu.memref_slice %arg8[%add3A_256, %dma_wait3A_297] : memref<160x128xi32, #tpu.memory_space<vmem>> -> memref<1x128xi32, #tpu.memory_space<vmem>>
      %dma_wait3A_299 = tpu.memref_squeeze %dma_wait3A_298 : memref<1x128xi32, #tpu.memory_space<vmem>> -> memref<128xi32, #tpu.memory_space<vmem>>
      %dma_wait3A_300 = arith.constant 0 : i32
      %dma_wait3A_301 = arith.constant 0 : i32
      %dma_wait3A_302 = tpu.memref_slice %arg21[%dma_wait3A_300, %dma_wait3A_301] : memref<10240x64xf32, #tpu.memory_space<vmem_shared>> -> memref<10240x64xf32, #tpu.memory_space<vmem_shared>>
      tpu.wait_indirect_dma semaphore(%arg18 : memref<!tpu.dma_semaphore, #tpu.memory_space<semaphore_mem>>) src(%arg10 : memref<128x64xf32, #tpu.memory_space<vmem>>) dst(%dma_wait3A_302 : memref<10240x64xf32, #tpu.memory_space<vmem_shared>>)
      %dma_wait3A_303 = arith.constant 0 : i32
      %dma_wait3A_304 = tpu.memref_slice %arg8[%add3A_270, %dma_wait3A_303] : memref<160x128xi32, #tpu.memory_space<vmem>> -> memref<1x128xi32, #tpu.memory_space<vmem>>
      %dma_wait3A_305 = tpu.memref_squeeze %dma_wait3A_304 : memref<1x128xi32, #tpu.memory_space<vmem>> -> memref<128xi32, #tpu.memory_space<vmem>>
      %dma_wait3A_306 = arith.constant 0 : i32
      %dma_wait3A_307 = arith.constant 0 : i32
      %dma_wait3A_308 = tpu.memref_slice %arg21[%dma_wait3A_306, %dma_wait3A_307] : memref<10240x64xf32, #tpu.memory_space<vmem_shared>> -> memref<10240x64xf32, #tpu.memory_space<vmem_shared>>
      tpu.wait_indirect_dma semaphore(%arg19 : memref<!tpu.dma_semaphore, #tpu.memory_space<semaphore_mem>>) src(%arg11 : memref<128x64xf32, #tpu.memory_space<vmem>>) dst(%dma_wait3A_308 : memref<10240x64xf32, #tpu.memory_space<vmem_shared>>)
      %dma_wait3A_309 = arith.constant 0 : i32
      %dma_wait3A_310 = tpu.memref_slice %arg8[%add3A_284, %dma_wait3A_309] : memref<160x128xi32, #tpu.memory_space<vmem>> -> memref<1x128xi32, #tpu.memory_space<vmem>>
      %dma_wait3A_311 = tpu.memref_squeeze %dma_wait3A_310 : memref<1x128xi32, #tpu.memory_space<vmem>> -> memref<128xi32, #tpu.memory_space<vmem>>
      %dma_wait3A_312 = arith.constant 0 : i32
      %dma_wait3A_313 = arith.constant 0 : i32
      %dma_wait3A_314 = tpu.memref_slice %arg21[%dma_wait3A_312, %dma_wait3A_313] : memref<10240x64xf32, #tpu.memory_space<vmem_shared>> -> memref<10240x64xf32, #tpu.memory_space<vmem_shared>>
      tpu.wait_indirect_dma semaphore(%arg20 : memref<!tpu.dma_semaphore, #tpu.memory_space<semaphore_mem>>) src(%arg12 : memref<128x64xf32, #tpu.memory_space<vmem>>) dst(%dma_wait3A_314 : memref<10240x64xf32, #tpu.memory_space<vmem_shared>>)
    }
    %scan3A_63 = arith.constant 40 : i32
    %barrier3A_64 = arith.constant 0 : index
    tpu.barrier barrier_id(%barrier3A_64)
    %mul3A_65 = arith.constant 640 : i32
    %mul3A_66 = arith.muli %arg1, %mul3A_65 : i32
    %add3A_67 = arith.constant 0 : i32
    %add3A_68 = arith.addi %mul3A_66, %add3A_67 : i32
    %dma_start3A_69 = arith.constant 0 : i32
    %dma_start3A_70 = tpu.memref_slice %arg21[%add3A_68, %dma_start3A_69] : memref<10240x64xf32, #tpu.memory_space<vmem_shared>> -> memref<128x64xf32, #tpu.memory_space<vmem_shared>>
    %dma_start3A_71 = arith.constant 0 : i32
    %dma_start3A_72 = tpu.memref_slice %arg21[%add3A_68, %dma_start3A_71] : memref<10240x64xf32, #tpu.memory_space<vmem_shared>> -> memref<128x64xf32, #tpu.memory_space<vmem_shared>>
    tpu.enqueue_dma source(%dma_start3A_72 : memref<128x64xf32, #tpu.memory_space<vmem_shared>>) target(%arg9 : memref<128x64xf32, #tpu.memory_space<vmem>>) target_semaphore(%arg13 : memref<!tpu.dma_semaphore, #tpu.memory_space<semaphore_mem>>)
    %mul3A_73 = arith.constant 640 : i32
    %mul3A_74 = arith.muli %arg1, %mul3A_73 : i32
    %add3A_75 = arith.constant 128 : i32
    %add3A_76 = arith.addi %mul3A_74, %add3A_75 : i32
    %dma_start3A_77 = arith.constant 0 : i32
    %dma_start3A_78 = tpu.memref_slice %arg21[%add3A_76, %dma_start3A_77] : memref<10240x64xf32, #tpu.memory_space<vmem_shared>> -> memref<128x64xf32, #tpu.memory_space<vmem_shared>>
    %dma_start3A_79 = arith.constant 0 : i32
    %dma_start3A_80 = tpu.memref_slice %arg21[%add3A_76, %dma_start3A_79] : memref<10240x64xf32, #tpu.memory_space<vmem_shared>> -> memref<128x64xf32, #tpu.memory_space<vmem_shared>>
    tpu.enqueue_dma source(%dma_start3A_80 : memref<128x64xf32, #tpu.memory_space<vmem_shared>>) target(%arg10 : memref<128x64xf32, #tpu.memory_space<vmem>>) target_semaphore(%arg14 : memref<!tpu.dma_semaphore, #tpu.memory_space<semaphore_mem>>)
    %mul3A_81 = arith.constant 640 : i32
    %mul3A_82 = arith.muli %arg1, %mul3A_81 : i32
    %add3A_83 = arith.constant 256 : i32
    %add3A_84 = arith.addi %mul3A_82, %add3A_83 : i32
    %dma_start3A_85 = arith.constant 0 : i32
    %dma_start3A_86 = tpu.memref_slice %arg21[%add3A_84, %dma_start3A_85] : memref<10240x64xf32, #tpu.memory_space<vmem_shared>> -> memref<128x64xf32, #tpu.memory_space<vmem_shared>>
    %dma_start3A_87 = arith.constant 0 : i32
    %dma_start3A_88 = tpu.memref_slice %arg21[%add3A_84, %dma_start3A_87] : memref<10240x64xf32, #tpu.memory_space<vmem_shared>> -> memref<128x64xf32, #tpu.memory_space<vmem_shared>>
    tpu.enqueue_dma source(%dma_start3A_88 : memref<128x64xf32, #tpu.memory_space<vmem_shared>>) target(%arg11 : memref<128x64xf32, #tpu.memory_space<vmem>>) target_semaphore(%arg15 : memref<!tpu.dma_semaphore, #tpu.memory_space<semaphore_mem>>)
    %mul3A_89 = arith.constant 640 : i32
    %mul3A_90 = arith.muli %arg1, %mul3A_89 : i32
    %add3A_91 = arith.constant 384 : i32
    %add3A_92 = arith.addi %mul3A_90, %add3A_91 : i32
    %dma_start3A_93 = arith.constant 0 : i32
    %dma_start3A_94 = tpu.memref_slice %arg21[%add3A_92, %dma_start3A_93] : memref<10240x64xf32, #tpu.memory_space<vmem_shared>> -> memref<128x64xf32, #tpu.memory_space<vmem_shared>>
    %dma_start3A_95 = arith.constant 0 : i32
    %dma_start3A_96 = tpu.memref_slice %arg21[%add3A_92, %dma_start3A_95] : memref<10240x64xf32, #tpu.memory_space<vmem_shared>> -> memref<128x64xf32, #tpu.memory_space<vmem_shared>>
    tpu.enqueue_dma source(%dma_start3A_96 : memref<128x64xf32, #tpu.memory_space<vmem_shared>>) target(%arg12 : memref<128x64xf32, #tpu.memory_space<vmem>>) target_semaphore(%arg16 : memref<!tpu.dma_semaphore, #tpu.memory_space<semaphore_mem>>)
    %dma_wait3A_97 = arith.constant 0 : i32
    %dma_wait3A_98 = tpu.memref_slice %arg21[%add3A_68, %dma_wait3A_97] : memref<10240x64xf32, #tpu.memory_space<vmem_shared>> -> memref<128x64xf32, #tpu.memory_space<vmem_shared>>
    %dma_wait3A_99 = arith.constant 0 : i32
    %dma_wait3A_100 = tpu.memref_slice %arg21[%add3A_68, %dma_wait3A_99] : memref<10240x64xf32, #tpu.memory_space<vmem_shared>> -> memref<128x64xf32, #tpu.memory_space<vmem_shared>>
    tpu.wait_dma2 semaphore(%arg13 : memref<!tpu.dma_semaphore, #tpu.memory_space<semaphore_mem>>) src(%dma_wait3A_100 : memref<128x64xf32, #tpu.memory_space<vmem_shared>>) dst(%arg9 : memref<128x64xf32, #tpu.memory_space<vmem>>)
    %mul3A_101 = arith.constant 10240 : i32
    %mul3A_102 = arith.muli %arg0, %mul3A_101 : i32
    %mul3A_103 = arith.constant 640 : i32
    %mul3A_104 = arith.muli %arg1, %mul3A_103 : i32
    %add3A_105 = arith.addi %mul3A_102, %mul3A_104 : i32
    %add3A_106 = arith.constant 0 : i32
    %add3A_107 = arith.addi %add3A_105, %add3A_106 : i32
    %dma_start3A_108 = arith.constant 0 : i32
    %dma_start3A_109 = tpu.memref_slice %arg6[%add3A_107, %dma_start3A_108] : memref<20480x64xf32, #tpu.memory_space<hbm>> -> memref<128x64xf32, #tpu.memory_space<hbm>>
    %dma_start3A_110 = arith.constant 0 : i32
    %dma_start3A_111 = tpu.memref_slice %arg6[%add3A_107, %dma_start3A_110] : memref<20480x64xf32, #tpu.memory_space<hbm>> -> memref<128x64xf32, #tpu.memory_space<hbm>>
    tpu.enqueue_dma source(%arg9 : memref<128x64xf32, #tpu.memory_space<vmem>>) target(%dma_start3A_111 : memref<128x64xf32, #tpu.memory_space<hbm>>) target_semaphore(%arg17 : memref<!tpu.dma_semaphore, #tpu.memory_space<semaphore_mem>>)
    %dma_wait3A_112 = arith.constant 0 : i32
    %dma_wait3A_113 = tpu.memref_slice %arg21[%add3A_76, %dma_wait3A_112] : memref<10240x64xf32, #tpu.memory_space<vmem_shared>> -> memref<128x64xf32, #tpu.memory_space<vmem_shared>>
    %dma_wait3A_114 = arith.constant 0 : i32
    %dma_wait3A_115 = tpu.memref_slice %arg21[%add3A_76, %dma_wait3A_114] : memref<10240x64xf32, #tpu.memory_space<vmem_shared>> -> memref<128x64xf32, #tpu.memory_space<vmem_shared>>
    tpu.wait_dma2 semaphore(%arg14 : memref<!tpu.dma_semaphore, #tpu.memory_space<semaphore_mem>>) src(%dma_wait3A_115 : memref<128x64xf32, #tpu.memory_space<vmem_shared>>) dst(%arg10 : memref<128x64xf32, #tpu.memory_space<vmem>>)
    %mul3A_116 = arith.constant 10240 : i32
    %mul3A_117 = arith.muli %arg0, %mul3A_116 : i32
    %mul3A_118 = arith.constant 640 : i32
    %mul3A_119 = arith.muli %arg1, %mul3A_118 : i32
    %add3A_120 = arith.addi %mul3A_117, %mul3A_119 : i32
    %add3A_121 = arith.constant 128 : i32
    %add3A_122 = arith.addi %add3A_120, %add3A_121 : i32
    %dma_start3A_123 = arith.constant 0 : i32
    %dma_start3A_124 = tpu.memref_slice %arg6[%add3A_122, %dma_start3A_123] : memref<20480x64xf32, #tpu.memory_space<hbm>> -> memref<128x64xf32, #tpu.memory_space<hbm>>
    %dma_start3A_125 = arith.constant 0 : i32
    %dma_start3A_126 = tpu.memref_slice %arg6[%add3A_122, %dma_start3A_125] : memref<20480x64xf32, #tpu.memory_space<hbm>> -> memref<128x64xf32, #tpu.memory_space<hbm>>
    tpu.enqueue_dma source(%arg10 : memref<128x64xf32, #tpu.memory_space<vmem>>) target(%dma_start3A_126 : memref<128x64xf32, #tpu.memory_space<hbm>>) target_semaphore(%arg18 : memref<!tpu.dma_semaphore, #tpu.memory_space<semaphore_mem>>)
    %dma_wait3A_127 = arith.constant 0 : i32
    %dma_wait3A_128 = tpu.memref_slice %arg21[%add3A_84, %dma_wait3A_127] : memref<10240x64xf32, #tpu.memory_space<vmem_shared>> -> memref<128x64xf32, #tpu.memory_space<vmem_shared>>
    %dma_wait3A_129 = arith.constant 0 : i32
    %dma_wait3A_130 = tpu.memref_slice %arg21[%add3A_84, %dma_wait3A_129] : memref<10240x64xf32, #tpu.memory_space<vmem_shared>> -> memref<128x64xf32, #tpu.memory_space<vmem_shared>>
    tpu.wait_dma2 semaphore(%arg15 : memref<!tpu.dma_semaphore, #tpu.memory_space<semaphore_mem>>) src(%dma_wait3A_130 : memref<128x64xf32, #tpu.memory_space<vmem_shared>>) dst(%arg11 : memref<128x64xf32, #tpu.memory_space<vmem>>)
    %mul3A_131 = arith.constant 10240 : i32
    %mul3A_132 = arith.muli %arg0, %mul3A_131 : i32
    %mul3A_133 = arith.constant 640 : i32
    %mul3A_134 = arith.muli %arg1, %mul3A_133 : i32
    %add3A_135 = arith.addi %mul3A_132, %mul3A_134 : i32
    %add3A_136 = arith.constant 256 : i32
    %add3A_137 = arith.addi %add3A_135, %add3A_136 : i32
    %dma_start3A_138 = arith.constant 0 : i32
    %dma_start3A_139 = tpu.memref_slice %arg6[%add3A_137, %dma_start3A_138] : memref<20480x64xf32, #tpu.memory_space<hbm>> -> memref<128x64xf32, #tpu.memory_space<hbm>>
    %dma_start3A_140 = arith.constant 0 : i32
    %dma_start3A_141 = tpu.memref_slice %arg6[%add3A_137, %dma_start3A_140] : memref<20480x64xf32, #tpu.memory_space<hbm>> -> memref<128x64xf32, #tpu.memory_space<hbm>>
    tpu.enqueue_dma source(%arg11 : memref<128x64xf32, #tpu.memory_space<vmem>>) target(%dma_start3A_141 : memref<128x64xf32, #tpu.memory_space<hbm>>) target_semaphore(%arg19 : memref<!tpu.dma_semaphore, #tpu.memory_space<semaphore_mem>>)
    %dma_wait3A_142 = arith.constant 0 : i32
    %dma_wait3A_143 = tpu.memref_slice %arg21[%add3A_92, %dma_wait3A_142] : memref<10240x64xf32, #tpu.memory_space<vmem_shared>> -> memref<128x64xf32, #tpu.memory_space<vmem_shared>>
    %dma_wait3A_144 = arith.constant 0 : i32
    %dma_wait3A_145 = tpu.memref_slice %arg21[%add3A_92, %dma_wait3A_144] : memref<10240x64xf32, #tpu.memory_space<vmem_shared>> -> memref<128x64xf32, #tpu.memory_space<vmem_shared>>
    tpu.wait_dma2 semaphore(%arg16 : memref<!tpu.dma_semaphore, #tpu.memory_space<semaphore_mem>>) src(%dma_wait3A_145 : memref<128x64xf32, #tpu.memory_space<vmem_shared>>) dst(%arg12 : memref<128x64xf32, #tpu.memory_space<vmem>>)
    %mul3A_146 = arith.constant 10240 : i32
    %mul3A_147 = arith.muli %arg0, %mul3A_146 : i32
    %mul3A_148 = arith.constant 640 : i32
    %mul3A_149 = arith.muli %arg1, %mul3A_148 : i32
    %add3A_150 = arith.addi %mul3A_147, %mul3A_149 : i32
    %add3A_151 = arith.constant 384 : i32
    %add3A_152 = arith.addi %add3A_150, %add3A_151 : i32
    %dma_start3A_153 = arith.constant 0 : i32
    %dma_start3A_154 = tpu.memref_slice %arg6[%add3A_152, %dma_start3A_153] : memref<20480x64xf32, #tpu.memory_space<hbm>> -> memref<128x64xf32, #tpu.memory_space<hbm>>
    %dma_start3A_155 = arith.constant 0 : i32
    %dma_start3A_156 = tpu.memref_slice %arg6[%add3A_152, %dma_start3A_155] : memref<20480x64xf32, #tpu.memory_space<hbm>> -> memref<128x64xf32, #tpu.memory_space<hbm>>
    tpu.enqueue_dma source(%arg12 : memref<128x64xf32, #tpu.memory_space<vmem>>) target(%dma_start3A_156 : memref<128x64xf32, #tpu.memory_space<hbm>>) target_semaphore(%arg20 : memref<!tpu.dma_semaphore, #tpu.memory_space<semaphore_mem>>)
    %dma_wait3A_157 = arith.constant 0 : i32
    %dma_wait3A_158 = tpu.memref_slice %arg6[%add3A_107, %dma_wait3A_157] : memref<20480x64xf32, #tpu.memory_space<hbm>> -> memref<128x64xf32, #tpu.memory_space<hbm>>
    %dma_wait3A_159 = arith.constant 0 : i32
    %dma_wait3A_160 = tpu.memref_slice %arg6[%add3A_107, %dma_wait3A_159] : memref<20480x64xf32, #tpu.memory_space<hbm>> -> memref<128x64xf32, #tpu.memory_space<hbm>>
    tpu.wait_dma2 semaphore(%arg17 : memref<!tpu.dma_semaphore, #tpu.memory_space<semaphore_mem>>) src(%arg9 : memref<128x64xf32, #tpu.memory_space<vmem>>) dst(%dma_wait3A_160 : memref<128x64xf32, #tpu.memory_space<hbm>>)
    %dma_wait3A_161 = arith.constant 0 : i32
    %dma_wait3A_162 = tpu.memref_slice %arg6[%add3A_122, %dma_wait3A_161] : memref<20480x64xf32, #tpu.memory_space<hbm>> -> memref<128x64xf32, #tpu.memory_space<hbm>>
    %dma_wait3A_163 = arith.constant 0 : i32
    %dma_wait3A_164 = tpu.memref_slice %arg6[%add3A_122, %dma_wait3A_163] : memref<20480x64xf32, #tpu.memory_space<hbm>> -> memref<128x64xf32, #tpu.memory_space<hbm>>
    tpu.wait_dma2 semaphore(%arg18 : memref<!tpu.dma_semaphore, #tpu.memory_space<semaphore_mem>>) src(%arg10 : memref<128x64xf32, #tpu.memory_space<vmem>>) dst(%dma_wait3A_164 : memref<128x64xf32, #tpu.memory_space<hbm>>)
    %dma_wait3A_165 = arith.constant 0 : i32
    %dma_wait3A_166 = tpu.memref_slice %arg6[%add3A_137, %dma_wait3A_165] : memref<20480x64xf32, #tpu.memory_space<hbm>> -> memref<128x64xf32, #tpu.memory_space<hbm>>
    %dma_wait3A_167 = arith.constant 0 : i32
    %dma_wait3A_168 = tpu.memref_slice %arg6[%add3A_137, %dma_wait3A_167] : memref<20480x64xf32, #tpu.memory_space<hbm>> -> memref<128x64xf32, #tpu.memory_space<hbm>>
    tpu.wait_dma2 semaphore(%arg19 : memref<!tpu.dma_semaphore, #tpu.memory_space<semaphore_mem>>) src(%arg11 : memref<128x64xf32, #tpu.memory_space<vmem>>) dst(%dma_wait3A_168 : memref<128x64xf32, #tpu.memory_space<hbm>>)
    %dma_wait3A_169 = arith.constant 0 : i32
    %dma_wait3A_170 = tpu.memref_slice %arg6[%add3A_152, %dma_wait3A_169] : memref<20480x64xf32, #tpu.memory_space<hbm>> -> memref<128x64xf32, #tpu.memory_space<hbm>>
    %dma_wait3A_171 = arith.constant 0 : i32
    %dma_wait3A_172 = tpu.memref_slice %arg6[%add3A_152, %dma_wait3A_171] : memref<20480x64xf32, #tpu.memory_space<hbm>> -> memref<128x64xf32, #tpu.memory_space<hbm>>
    tpu.wait_dma2 semaphore(%arg20 : memref<!tpu.dma_semaphore, #tpu.memory_space<semaphore_mem>>) src(%arg12 : memref<128x64xf32, #tpu.memory_space<vmem>>) dst(%dma_wait3A_172 : memref<128x64xf32, #tpu.memory_space<hbm>>)
    %mul3A_173 = arith.constant 640 : i32
    %mul3A_174 = arith.muli %arg1, %mul3A_173 : i32
    %add3A_175 = arith.constant 512 : i32
    %add3A_176 = arith.addi %mul3A_174, %add3A_175 : i32
    %dma_start3A_177 = arith.constant 0 : i32
    %dma_start3A_178 = tpu.memref_slice %arg21[%add3A_176, %dma_start3A_177] : memref<10240x64xf32, #tpu.memory_space<vmem_shared>> -> memref<128x64xf32, #tpu.memory_space<vmem_shared>>
    %dma_start3A_179 = arith.constant 0 : i32
    %dma_start3A_180 = tpu.memref_slice %arg21[%add3A_176, %dma_start3A_179] : memref<10240x64xf32, #tpu.memory_space<vmem_shared>> -> memref<128x64xf32, #tpu.memory_space<vmem_shared>>
    tpu.enqueue_dma source(%dma_start3A_180 : memref<128x64xf32, #tpu.memory_space<vmem_shared>>) target(%arg9 : memref<128x64xf32, #tpu.memory_space<vmem>>) target_semaphore(%arg13 : memref<!tpu.dma_semaphore, #tpu.memory_space<semaphore_mem>>)
    %dma_wait3A_181 = arith.constant 0 : i32
    %dma_wait3A_182 = tpu.memref_slice %arg21[%add3A_176, %dma_wait3A_181] : memref<10240x64xf32, #tpu.memory_space<vmem_shared>> -> memref<128x64xf32, #tpu.memory_space<vmem_shared>>
    %dma_wait3A_183 = arith.constant 0 : i32
    %dma_wait3A_184 = tpu.memref_slice %arg21[%add3A_176, %dma_wait3A_183] : memref<10240x64xf32, #tpu.memory_space<vmem_shared>> -> memref<128x64xf32, #tpu.memory_space<vmem_shared>>
    tpu.wait_dma2 semaphore(%arg13 : memref<!tpu.dma_semaphore, #tpu.memory_space<semaphore_mem>>) src(%dma_wait3A_184 : memref<128x64xf32, #tpu.memory_space<vmem_shared>>) dst(%arg9 : memref<128x64xf32, #tpu.memory_space<vmem>>)
    %mul3A_185 = arith.constant 10240 : i32
    %mul3A_186 = arith.muli %arg0, %mul3A_185 : i32
    %mul3A_187 = arith.constant 640 : i32
    %mul3A_188 = arith.muli %arg1, %mul3A_187 : i32
    %add3A_189 = arith.addi %mul3A_186, %mul3A_188 : i32
    %add3A_190 = arith.constant 512 : i32
    %add3A_191 = arith.addi %add3A_189, %add3A_190 : i32
    %dma_start3A_192 = arith.constant 0 : i32
    %dma_start3A_193 = tpu.memref_slice %arg6[%add3A_191, %dma_start3A_192] : memref<20480x64xf32, #tpu.memory_space<hbm>> -> memref<128x64xf32, #tpu.memory_space<hbm>>
    %dma_start3A_194 = arith.constant 0 : i32
    %dma_start3A_195 = tpu.memref_slice %arg6[%add3A_191, %dma_start3A_194] : memref<20480x64xf32, #tpu.memory_space<hbm>> -> memref<128x64xf32, #tpu.memory_space<hbm>>
    tpu.enqueue_dma source(%arg9 : memref<128x64xf32, #tpu.memory_space<vmem>>) target(%dma_start3A_195 : memref<128x64xf32, #tpu.memory_space<hbm>>) target_semaphore(%arg17 : memref<!tpu.dma_semaphore, #tpu.memory_space<semaphore_mem>>)
    %dma_wait3A_196 = arith.constant 0 : i32
    %dma_wait3A_197 = tpu.memref_slice %arg6[%add3A_191, %dma_wait3A_196] : memref<20480x64xf32, #tpu.memory_space<hbm>> -> memref<128x64xf32, #tpu.memory_space<hbm>>
    %dma_wait3A_198 = arith.constant 0 : i32
    %dma_wait3A_199 = tpu.memref_slice %arg6[%add3A_191, %dma_wait3A_198] : memref<20480x64xf32, #tpu.memory_space<hbm>> -> memref<128x64xf32, #tpu.memory_space<hbm>>
    tpu.wait_dma2 semaphore(%arg17 : memref<!tpu.dma_semaphore, #tpu.memory_space<semaphore_mem>>) src(%arg9 : memref<128x64xf32, #tpu.memory_space<vmem>>) dst(%dma_wait3A_199 : memref<128x64xf32, #tpu.memory_space<hbm>>)
    return
  }
}

module attributes {stable_mosaic.version = 14 : i64} {
  func.func @_m0_body(%arg0: i32, %arg1: memref<400x128xf32, #tpu.memory_space<vmem>>, %arg2: memref<128x128xf32, #tpu.memory_space<vmem>>, %arg3: memref<2x400x16xf32, #tpu.memory_space<vmem>>, %arg4: memref<2x400x64xf32, #tpu.memory_space<vmem>>, %arg5: memref<400x1xf32, #tpu.memory_space<vmem>>) attributes {dimension_semantics = [#tpu.dimension_semantics<arbitrary>], iteration_bounds = array<i64: 25>, scalar_prefetch = 0 : i64, scratch_operands = 0 : i64, tpu.core_type = #tpu.core_type<tc>, window_params = [{transform_indices = @transform_0, window_bounds = array<i64: 400, 128>}, {pipeline_mode = #tpu.pipeline_mode<synchronous>, transform_indices = @transform_1, window_bounds = array<i64: 128, 128>}, {transform_indices = @transform_2, window_bounds = array<i64: 2, 400, 16>}, {transform_indices = @transform_3, window_bounds = array<i64: 2, 400, 64>}, {transform_indices = @transform_4, window_bounds = array<i64: 400, 1>}]} {
    %get3A = arith.constant 0 : index
    %get3A_0 = arith.constant 0 : index
    %get3A_1 = arith.constant 0 : index
    %get3A_2 = vector.load %arg3[%get3A, %get3A_0, %get3A_1] : memref<2x400x16xf32, #tpu.memory_space<vmem>>, vector<1x400x1xf32>
    %get3A_3 = vector.shape_cast %get3A_2 : vector<1x400x1xf32> to vector<400xf32>
    %get3A_4 = arith.constant 1 : index
    %get3A_5 = arith.constant 0 : index
    %get3A_6 = arith.constant 0 : index
    %get3A_7 = vector.load %arg3[%get3A_4, %get3A_5, %get3A_6] : memref<2x400x16xf32, #tpu.memory_space<vmem>>, vector<1x400x1xf32>
    %get3A_8 = vector.shape_cast %get3A_7 : vector<1x400x1xf32> to vector<400xf32>
    %add3A = arith.addf %get3A_3, %get3A_8 : vector<400xf32>
    %add3A_9 = arith.constant 1.000000e+00 : f32
    %add3A_10 = vector.broadcast %add3A_9 : f32 to vector<400xf32>
    %add3A_11 = arith.addf %add3A, %add3A_10 : vector<400xf32>
    %rsqrt3A = math.rsqrt %add3A_11 : vector<400xf32>
    %broadcast_in_dim3A = vector.shape_cast %rsqrt3A : vector<400xf32> to vector<400x1xf32>
    %swap3A = arith.constant 0 : index
    %swap3A_12 = arith.constant 0 : index
    %swap3A_13 = vector.load %arg5[%swap3A, %swap3A_12] : memref<400x1xf32, #tpu.memory_space<vmem>>, vector<400x1xf32>
    tpu.vector_store %arg5[%swap3A, %swap3A_12], %broadcast_in_dim3A {strides = array<i32>} : memref<400x1xf32, #tpu.memory_space<vmem>>, vector<400x1xf32>,
    %get3A_14 = arith.constant 0 : index
    %get3A_15 = arith.constant 0 : index
    %get3A_16 = vector.load %arg1[%get3A_14, %get3A_15] : memref<400x128xf32, #tpu.memory_space<vmem>>, vector<400x128xf32>
    %get3A_17 = arith.constant 0 : index
    %get3A_18 = arith.constant 0 : index
    %get3A_19 = vector.load %arg2[%get3A_17, %get3A_18] : memref<128x128xf32, #tpu.memory_space<vmem>>, vector<128x128xf32>
    %dot_general3A = arith.constant dense<0.000000e+00> : vector<400x128xf32>
    %dot_general3A_20 = tpu.matmul %get3A_16, %get3A_19, %dot_general3A {dimension_numbers = #tpu.dot_dimension_numbers<[1], [0], [0], [1], [0, 0, 1, 1], [], []>, transpose_lhs_hint = false} : vector<400x128xf32>, vector<128x128xf32>, vector<400x128xf32> -> vector<400x128xf32>
    %broadcast_in_dim3A_21 = vector.shape_cast %rsqrt3A : vector<400xf32> to vector<400x1xf32>
    %mul3A = vector.broadcast %broadcast_in_dim3A_21 : vector<400x1xf32> to vector<400x128xf32>
    %mul3A_22 = arith.mulf %dot_general3A_20, %mul3A : vector<400x128xf32>
    %slice3A = vector.extract_strided_slice %mul3A_22 {offsets = [0, 0], sizes = [400, 64], strides = [1, 1]} : vector<400x128xf32> to vector<400x64xf32>
    %swap3A_23 = arith.constant 0 : index
    %swap3A_24 = arith.constant 0 : index
    %swap3A_25 = arith.constant 0 : index
    %swap3A_26 = vector.load %arg4[%swap3A_23, %swap3A_24, %swap3A_25] : memref<2x400x64xf32, #tpu.memory_space<vmem>>, vector<1x400x64xf32>
    %swap3A_27 = vector.shape_cast %swap3A_26 : vector<1x400x64xf32> to vector<400x64xf32>
    %swap3A_28 = vector.shape_cast %slice3A : vector<400x64xf32> to vector<1x400x64xf32>
    tpu.vector_store %arg4[%swap3A_23, %swap3A_24, %swap3A_25], %swap3A_28 {strides = array<i32>} : memref<2x400x64xf32, #tpu.memory_space<vmem>>, vector<1x400x64xf32>,
    %slice3A_29 = vector.extract_strided_slice %mul3A_22 {offsets = [0, 64], sizes = [400, 64], strides = [1, 1]} : vector<400x128xf32> to vector<400x64xf32>
    %swap3A_30 = arith.constant 1 : index
    %swap3A_31 = arith.constant 0 : index
    %swap3A_32 = arith.constant 0 : index
    %swap3A_33 = vector.load %arg4[%swap3A_30, %swap3A_31, %swap3A_32] : memref<2x400x64xf32, #tpu.memory_space<vmem>>, vector<1x400x64xf32>
    %swap3A_34 = vector.shape_cast %swap3A_33 : vector<1x400x64xf32> to vector<400x64xf32>
    %swap3A_35 = vector.shape_cast %slice3A_29 : vector<400x64xf32> to vector<1x400x64xf32>
    tpu.vector_store %arg4[%swap3A_30, %swap3A_31, %swap3A_32], %swap3A_35 {strides = array<i32>} : memref<2x400x64xf32, #tpu.memory_space<vmem>>, vector<1x400x64xf32>,
    return
  }
  func.func @transform_0(%arg0: i32) -> (i32, i32) {
    %c0_i32 = arith.constant 0 : i32
    %c0_i32_0 = arith.constant 0 : i32
    return %arg0, %c0_i32 : i32, i32
  }
  func.func @transform_1(%arg0: i32) -> (i32, i32) {
    %c0_i32 = arith.constant 0 : i32
    %c0_i32_0 = arith.constant 0 : i32
    %c0_i32_1 = arith.constant 0 : i32
    return %c0_i32, %c0_i32_0 : i32, i32
  }
  func.func @transform_2(%arg0: i32) -> (i32, i32, i32) {
    %c0_i32 = arith.constant 0 : i32
    %c0_i32_0 = arith.constant 0 : i32
    %c0_i32_1 = arith.constant 0 : i32
    return %c0_i32, %arg0, %c0_i32_0 : i32, i32, i32
  }
  func.func @transform_3(%arg0: i32) -> (i32, i32, i32) {
    %c0_i32 = arith.constant 0 : i32
    %c0_i32_0 = arith.constant 0 : i32
    %c0_i32_1 = arith.constant 0 : i32
    return %c0_i32, %arg0, %c0_i32_0 : i32, i32, i32
  }
  func.func @transform_4(%arg0: i32) -> (i32, i32) {
    %c0_i32 = arith.constant 0 : i32
    %c0_i32_0 = arith.constant 0 : i32
    return %arg0, %c0_i32 : i32, i32
  }
}

module attributes {stable_mosaic.version = 14 : i64} {
  func.func @_comb_body(%arg0: i32, %arg1: memref<2x400x64xf32, #tpu.memory_space<vmem>>, %arg2: memref<2x400x64xf32, #tpu.memory_space<vmem>>, %arg3: memref<400x1xf32, #tpu.memory_space<vmem>>, %arg4: memref<1x128xf32, #tpu.memory_space<vmem>>, %arg5: memref<400x128xf32, #tpu.memory_space<vmem>>, %arg6: memref<2x128xf32, #tpu.memory_space<vmem>>) attributes {dimension_semantics = [#tpu.dimension_semantics<arbitrary>], iteration_bounds = array<i64: 25>, scalar_prefetch = 0 : i64, scratch_operands = 0 : i64, tpu.core_type = #tpu.core_type<tc>, window_params = [{transform_indices = @transform_0, window_bounds = array<i64: 2, 400, 64>}, {transform_indices = @transform_1, window_bounds = array<i64: 2, 400, 64>}, {transform_indices = @transform_2, window_bounds = array<i64: 400, 1>}, {pipeline_mode = #tpu.pipeline_mode<synchronous>, transform_indices = @transform_3, window_bounds = array<i64: 1, 128>}, {transform_indices = @transform_4, window_bounds = array<i64: 400, 128>}, {pipeline_mode = #tpu.pipeline_mode<synchronous>, transform_indices = @transform_5, window_bounds = array<i64: 2, 128>}]} {
    %get3A = arith.constant 0 : index
    %get3A_0 = arith.constant 0 : index
    %get3A_1 = arith.constant 0 : index
    %get3A_2 = vector.load %arg1[%get3A, %get3A_0, %get3A_1] : memref<2x400x64xf32, #tpu.memory_space<vmem>>, vector<1x400x64xf32>
    %get3A_3 = vector.shape_cast %get3A_2 : vector<1x400x64xf32> to vector<400x64xf32>
    %get3A_4 = arith.constant 1 : index
    %get3A_5 = arith.constant 0 : index
    %get3A_6 = arith.constant 0 : index
    %get3A_7 = vector.load %arg1[%get3A_4, %get3A_5, %get3A_6] : memref<2x400x64xf32, #tpu.memory_space<vmem>>, vector<1x400x64xf32>
    %get3A_8 = vector.shape_cast %get3A_7 : vector<1x400x64xf32> to vector<400x64xf32>
    %concatenate3A = tpu.concatenate %get3A_3, %get3A_8 in 1 : vector<400x64xf32>, vector<400x64xf32> -> vector<400x128xf32>
    %get3A_9 = arith.constant 0 : index
    %get3A_10 = arith.constant 0 : index
    %get3A_11 = arith.constant 0 : index
    %get3A_12 = vector.load %arg2[%get3A_9, %get3A_10, %get3A_11] : memref<2x400x64xf32, #tpu.memory_space<vmem>>, vector<1x400x64xf32>
    %get3A_13 = vector.shape_cast %get3A_12 : vector<1x400x64xf32> to vector<400x64xf32>
    %get3A_14 = arith.constant 1 : index
    %get3A_15 = arith.constant 0 : index
    %get3A_16 = arith.constant 0 : index
    %get3A_17 = vector.load %arg2[%get3A_14, %get3A_15, %get3A_16] : memref<2x400x64xf32, #tpu.memory_space<vmem>>, vector<1x400x64xf32>
    %get3A_18 = vector.shape_cast %get3A_17 : vector<1x400x64xf32> to vector<400x64xf32>
    %concatenate3A_19 = tpu.concatenate %get3A_13, %get3A_18 in 1 : vector<400x64xf32>, vector<400x64xf32> -> vector<400x128xf32>
    %get3A_20 = arith.constant 0 : index
    %get3A_21 = arith.constant 0 : index
    %get3A_22 = vector.load %arg3[%get3A_20, %get3A_21] : memref<400x1xf32, #tpu.memory_space<vmem>>, vector<400x1xf32>
    %add3A = arith.addf %concatenate3A, %concatenate3A_19 : vector<400x128xf32>
    %mul3A = vector.broadcast %get3A_22 : vector<400x1xf32> to vector<400x128xf32>
    %mul3A_23 = arith.mulf %mul3A, %add3A : vector<400x128xf32>
    %get3A_24 = arith.constant 0 : index
    %get3A_25 = arith.constant 0 : index
    %get3A_26 = vector.load %arg4[%get3A_24, %get3A_25] : memref<1x128xf32, #tpu.memory_space<vmem>>, vector<1x128xf32>
    %add3A_27 = vector.broadcast %get3A_26 : vector<1x128xf32> to vector<400x128xf32>
    %add3A_28 = arith.addf %mul3A_23, %add3A_27 : vector<400x128xf32>
    %swap3A = arith.constant 0 : index
    %swap3A_29 = arith.constant 0 : index
    %swap3A_30 = vector.load %arg5[%swap3A, %swap3A_29] : memref<400x128xf32, #tpu.memory_space<vmem>>, vector<400x128xf32>
    tpu.vector_store %arg5[%swap3A, %swap3A_29], %add3A_28 {strides = array<i32>} : memref<400x128xf32, #tpu.memory_space<vmem>>, vector<400x128xf32>,
    %reduce_sum3A = arith.constant dense<0.000000e+00> : vector<128xf32>
    %reduce_sum3A_31 = vector.multi_reduction <add>, %add3A_28, %reduce_sum3A [0] : vector<400x128xf32> to vector<128xf32>
    %broadcast_in_dim3A = vector.shape_cast %reduce_sum3A_31 : vector<128xf32> to vector<1x128xf32>
    %mul3A_32 = arith.mulf %add3A_28, %add3A_28 : vector<400x128xf32>
    %reduce_sum3A_33 = arith.constant dense<0.000000e+00> : vector<128xf32>
    %reduce_sum3A_34 = vector.multi_reduction <add>, %mul3A_32, %reduce_sum3A_33 [0] : vector<400x128xf32> to vector<128xf32>
    %broadcast_in_dim3A_35 = vector.shape_cast %reduce_sum3A_34 : vector<128xf32> to vector<1x128xf32>
    %concatenate3A_36 = tpu.concatenate %broadcast_in_dim3A, %broadcast_in_dim3A_35 in 0 : vector<1x128xf32>, vector<1x128xf32> -> vector<2x128xf32>
    %eq3A = arith.constant 0 : i32
    %eq3A_37 = arith.cmpi eq, %arg0, %eq3A : i32
    %convert_element_type3A = arith.extui %eq3A_37 : i1 to i32
    %cond3A = arith.constant 0 : i32
    %cond3A_38 = arith.cmpi ne, %convert_element_type3A, %cond3A : i32
    scf.if %cond3A_38 {
      %swap3A_43 = arith.constant 0 : index
      %swap3A_44 = arith.constant 0 : index
      %swap3A_45 = vector.load %arg6[%swap3A_43, %swap3A_44] : memref<2x128xf32, #tpu.memory_space<vmem>>, vector<2x128xf32>
      tpu.vector_store %arg6[%swap3A_43, %swap3A_44], %concatenate3A_36 {strides = array<i32>} : memref<2x128xf32, #tpu.memory_space<vmem>>, vector<2x128xf32>,
    } else {
    }
    %gt3A = arith.constant 0 : i32
    %gt3A_39 = arith.cmpi sgt, %arg0, %gt3A : i32
    %convert_element_type3A_40 = arith.extui %gt3A_39 : i1 to i32
    %cond3A_41 = arith.constant 0 : i32
    %cond3A_42 = arith.cmpi ne, %convert_element_type3A_40, %cond3A_41 : i32
    scf.if %cond3A_42 {
      %get3A_43 = arith.constant 0 : index
      %get3A_44 = arith.constant 0 : index
      %get3A_45 = vector.load %arg6[%get3A_43, %get3A_44] : memref<2x128xf32, #tpu.memory_space<vmem>>, vector<2x128xf32>
      %add3A_46 = arith.addf %get3A_45, %concatenate3A_36 : vector<2x128xf32>
      %swap3A_47 = arith.constant 0 : index
      %swap3A_48 = arith.constant 0 : index
      %swap3A_49 = vector.load %arg6[%swap3A_47, %swap3A_48] : memref<2x128xf32, #tpu.memory_space<vmem>>, vector<2x128xf32>
      tpu.vector_store %arg6[%swap3A_47, %swap3A_48], %add3A_46 {strides = array<i32>} : memref<2x128xf32, #tpu.memory_space<vmem>>, vector<2x128xf32>,
    } else {
    }
    return
  }
  func.func @transform_0(%arg0: i32) -> (i32, i32, i32) {
    %c0_i32 = arith.constant 0 : i32
    %c0_i32_0 = arith.constant 0 : i32
    %c0_i32_1 = arith.constant 0 : i32
    return %c0_i32, %arg0, %c0_i32_0 : i32, i32, i32
  }
  func.func @transform_1(%arg0: i32) -> (i32, i32, i32) {
    %c0_i32 = arith.constant 0 : i32
    %c0_i32_0 = arith.constant 0 : i32
    %c0_i32_1 = arith.constant 0 : i32
    return %c0_i32, %arg0, %c0_i32_0 : i32, i32, i32
  }
  func.func @transform_2(%arg0: i32) -> (i32, i32) {
    %c0_i32 = arith.constant 0 : i32
    %c0_i32_0 = arith.constant 0 : i32
    return %arg0, %c0_i32 : i32, i32
  }
  func.func @transform_3(%arg0: i32) -> (i32, i32) {
    %c0_i32 = arith.constant 0 : i32
    %c0_i32_0 = arith.constant 0 : i32
    %c0_i32_1 = arith.constant 0 : i32
    return %c0_i32, %c0_i32_0 : i32, i32
  }
  func.func @transform_4(%arg0: i32) -> (i32, i32) {
    %c0_i32 = arith.constant 0 : i32
    %c0_i32_0 = arith.constant 0 : i32
    return %arg0, %c0_i32 : i32, i32
  }
  func.func @transform_5(%arg0: i32) -> (i32, i32) {
    %c0_i32 = arith.constant 0 : i32
    %c0_i32_0 = arith.constant 0 : i32
    %c0_i32_1 = arith.constant 0 : i32
    return %c0_i32, %c0_i32_0 : i32, i32
  }
}

module attributes {stable_mosaic.version = 14 : i64} {
  func.func @_m_body(%arg0: i32, %arg1: memref<400x128xf32, #tpu.memory_space<vmem>>, %arg2: memref<2x128xf32, #tpu.memory_space<vmem>>, %arg3: memref<1x128xf32, #tpu.memory_space<vmem>>, %arg4: memref<1x128xf32, #tpu.memory_space<vmem>>, %arg5: memref<128x128xf32, #tpu.memory_space<vmem>>, %arg6: memref<400x1xf32, #tpu.memory_space<vmem>>, %arg7: memref<2x400x64xf32, #tpu.memory_space<vmem>>) attributes {dimension_semantics = [#tpu.dimension_semantics<arbitrary>], iteration_bounds = array<i64: 25>, scalar_prefetch = 0 : i64, scratch_operands = 0 : i64, tpu.core_type = #tpu.core_type<tc>, window_params = [{transform_indices = @transform_0, window_bounds = array<i64: 400, 128>}, {pipeline_mode = #tpu.pipeline_mode<synchronous>, transform_indices = @transform_1, window_bounds = array<i64: 2, 128>}, {pipeline_mode = #tpu.pipeline_mode<synchronous>, transform_indices = @transform_2, window_bounds = array<i64: 1, 128>}, {pipeline_mode = #tpu.pipeline_mode<synchronous>, transform_indices = @transform_3, window_bounds = array<i64: 1, 128>}, {pipeline_mode = #tpu.pipeline_mode<synchronous>, transform_indices = @transform_4, window_bounds = array<i64: 128, 128>}, {transform_indices = @transform_5, window_bounds = array<i64: 400, 1>}, {transform_indices = @transform_6, window_bounds = array<i64: 2, 400, 64>}]} {
    %get3A = arith.constant 0 : index
    %get3A_0 = arith.constant 0 : index
    %get3A_1 = vector.load %arg2[%get3A, %get3A_0] : memref<2x128xf32, #tpu.memory_space<vmem>>, vector<1x128xf32>
    %mul3A = arith.constant 9.99999974E-5 : f32
    %mul3A_2 = vector.broadcast %mul3A : f32 to vector<1x128xf32>
    %mul3A_3 = arith.mulf %get3A_1, %mul3A_2 : vector<1x128xf32>
    %get3A_4 = arith.constant 1 : index
    %get3A_5 = arith.constant 0 : index
    %get3A_6 = vector.load %arg2[%get3A_4, %get3A_5] : memref<2x128xf32, #tpu.memory_space<vmem>>, vector<1x128xf32>
    %mul3A_7 = arith.constant 9.99999974E-5 : f32
    %mul3A_8 = vector.broadcast %mul3A_7 : f32 to vector<1x128xf32>
    %mul3A_9 = arith.mulf %get3A_6, %mul3A_8 : vector<1x128xf32>
    %mul3A_10 = arith.mulf %mul3A_3, %mul3A_3 : vector<1x128xf32>
    %sub3A = arith.subf %mul3A_9, %mul3A_10 : vector<1x128xf32>
    %get3A_11 = arith.constant 0 : index
    %get3A_12 = arith.constant 0 : index
    %get3A_13 = vector.load %arg3[%get3A_11, %get3A_12] : memref<1x128xf32, #tpu.memory_space<vmem>>, vector<1x128xf32>
    %add3A = arith.constant 9.99999974E-6 : f32
    %add3A_14 = vector.broadcast %add3A : f32 to vector<1x128xf32>
    %add3A_15 = arith.addf %sub3A, %add3A_14 : vector<1x128xf32>
    %rsqrt3A = math.rsqrt %add3A_15 : vector<1x128xf32>
    %mul3A_16 = arith.mulf %get3A_13, %rsqrt3A : vector<1x128xf32>
    %get3A_17 = arith.constant 0 : index
    %get3A_18 = arith.constant 0 : index
    %get3A_19 = vector.load %arg4[%get3A_17, %get3A_18] : memref<1x128xf32, #tpu.memory_space<vmem>>, vector<1x128xf32>
    %mul3A_20 = arith.mulf %mul3A_3, %mul3A_16 : vector<1x128xf32>
    %sub3A_21 = arith.subf %get3A_19, %mul3A_20 : vector<1x128xf32>
    %get3A_22 = arith.constant 0 : index
    %get3A_23 = arith.constant 0 : index
    %get3A_24 = vector.load %arg1[%get3A_22, %get3A_23] : memref<400x128xf32, #tpu.memory_space<vmem>>, vector<400x128xf32>
    %mul3A_25 = vector.broadcast %mul3A_16 : vector<1x128xf32> to vector<400x128xf32>
    %mul3A_26 = arith.mulf %get3A_24, %mul3A_25 : vector<400x128xf32>
    %add3A_27 = vector.broadcast %sub3A_21 : vector<1x128xf32> to vector<400x128xf32>
    %add3A_28 = arith.addf %mul3A_26, %add3A_27 : vector<400x128xf32>
    %max3A = arith.constant 0.000000e+00 : f32
    %max3A_29 = vector.broadcast %max3A : f32 to vector<400x128xf32>
    %max3A_30 = arith.maximumf %add3A_28, %max3A_29 : vector<400x128xf32>
    %get3A_31 = arith.constant 0 : index
    %get3A_32 = arith.constant 0 : index
    %get3A_33 = vector.load %arg5[%get3A_31, %get3A_32] : memref<128x128xf32, #tpu.memory_space<vmem>>, vector<128x128xf32>
    %dot_general3A = arith.constant dense<0.000000e+00> : vector<400x128xf32>
    %dot_general3A_34 = tpu.matmul %max3A_30, %get3A_33, %dot_general3A {dimension_numbers = #tpu.dot_dimension_numbers<[1], [0], [0], [1], [0, 0, 1, 1], [], []>, transpose_lhs_hint = false} : vector<400x128xf32>, vector<128x128xf32>, vector<400x128xf32> -> vector<400x128xf32>
    %get3A_35 = arith.constant 0 : index
    %get3A_36 = arith.constant 0 : index
    %get3A_37 = vector.load %arg6[%get3A_35, %get3A_36] : memref<400x1xf32, #tpu.memory_space<vmem>>, vector<400x1xf32>
    %mul3A_38 = vector.broadcast %get3A_37 : vector<400x1xf32> to vector<400x128xf32>
    %mul3A_39 = arith.mulf %dot_general3A_34, %mul3A_38 : vector<400x128xf32>
    %slice3A = vector.extract_strided_slice %mul3A_39 {offsets = [0, 0], sizes = [400, 64], strides = [1, 1]} : vector<400x128xf32> to vector<400x64xf32>
    %swap3A = arith.constant 0 : index
    %swap3A_40 = arith.constant 0 : index
    %swap3A_41 = arith.constant 0 : index
    %swap3A_42 = vector.load %arg7[%swap3A, %swap3A_40, %swap3A_41] : memref<2x400x64xf32, #tpu.memory_space<vmem>>, vector<1x400x64xf32>
    %swap3A_43 = vector.shape_cast %swap3A_42 : vector<1x400x64xf32> to vector<400x64xf32>
    %swap3A_44 = vector.shape_cast %slice3A : vector<400x64xf32> to vector<1x400x64xf32>
    tpu.vector_store %arg7[%swap3A, %swap3A_40, %swap3A_41], %swap3A_44 {strides = array<i32>} : memref<2x400x64xf32, #tpu.memory_space<vmem>>, vector<1x400x64xf32>,
    %slice3A_45 = vector.extract_strided_slice %mul3A_39 {offsets = [0, 64], sizes = [400, 64], strides = [1, 1]} : vector<400x128xf32> to vector<400x64xf32>
    %swap3A_46 = arith.constant 1 : index
    %swap3A_47 = arith.constant 0 : index
    %swap3A_48 = arith.constant 0 : index
    %swap3A_49 = vector.load %arg7[%swap3A_46, %swap3A_47, %swap3A_48] : memref<2x400x64xf32, #tpu.memory_space<vmem>>, vector<1x400x64xf32>
    %swap3A_50 = vector.shape_cast %swap3A_49 : vector<1x400x64xf32> to vector<400x64xf32>
    %swap3A_51 = vector.shape_cast %slice3A_45 : vector<400x64xf32> to vector<1x400x64xf32>
    tpu.vector_store %arg7[%swap3A_46, %swap3A_47, %swap3A_48], %swap3A_51 {strides = array<i32>} : memref<2x400x64xf32, #tpu.memory_space<vmem>>, vector<1x400x64xf32>,
    return
  }
  func.func @transform_0(%arg0: i32) -> (i32, i32) {
    %c0_i32 = arith.constant 0 : i32
    %c0_i32_0 = arith.constant 0 : i32
    return %arg0, %c0_i32 : i32, i32
  }
  func.func @transform_1(%arg0: i32) -> (i32, i32) {
    %c0_i32 = arith.constant 0 : i32
    %c0_i32_0 = arith.constant 0 : i32
    %c0_i32_1 = arith.constant 0 : i32
    return %c0_i32, %c0_i32_0 : i32, i32
  }
  func.func @transform_2(%arg0: i32) -> (i32, i32) {
    %c0_i32 = arith.constant 0 : i32
    %c0_i32_0 = arith.constant 0 : i32
    %c0_i32_1 = arith.constant 0 : i32
    return %c0_i32, %c0_i32_0 : i32, i32
  }
  func.func @transform_3(%arg0: i32) -> (i32, i32) {
    %c0_i32 = arith.constant 0 : i32
    %c0_i32_0 = arith.constant 0 : i32
    %c0_i32_1 = arith.constant 0 : i32
    return %c0_i32, %c0_i32_0 : i32, i32
  }
  func.func @transform_4(%arg0: i32) -> (i32, i32) {
    %c0_i32 = arith.constant 0 : i32
    %c0_i32_0 = arith.constant 0 : i32
    %c0_i32_1 = arith.constant 0 : i32
    return %c0_i32, %c0_i32_0 : i32, i32
  }
  func.func @transform_5(%arg0: i32) -> (i32, i32) {
    %c0_i32 = arith.constant 0 : i32
    %c0_i32_0 = arith.constant 0 : i32
    return %arg0, %c0_i32 : i32, i32
  }
  func.func @transform_6(%arg0: i32) -> (i32, i32, i32) {
    %c0_i32 = arith.constant 0 : i32
    %c0_i32_0 = arith.constant 0 : i32
    %c0_i32_1 = arith.constant 0 : i32
    return %c0_i32, %arg0, %c0_i32_0 : i32, i32, i32
  }
}

module attributes {stable_mosaic.version = 14 : i64} {
  func.func @_p_body(%arg0: i32, %arg1: memref<400x128xf32, #tpu.memory_space<vmem>>, %arg2: memref<2x128xf32, #tpu.memory_space<vmem>>, %arg3: memref<1x128xf32, #tpu.memory_space<vmem>>, %arg4: memref<1x128xf32, #tpu.memory_space<vmem>>, %arg5: memref<1x1x400xi32, #tpu.memory_space<vmem>>, %arg6: memref<128x128xf32, #tpu.memory_space<vmem>>, %arg7: memref<1x128xf32, #tpu.memory_space<vmem>>, %arg8: memref<64x128xf32, #tpu.memory_space<vmem>>, %arg9: memref<64x128xf32, #tpu.memory_space<vmem>>, %arg10: memref<64x1xf32, #tpu.memory_space<vmem>>) attributes {dimension_semantics = [#tpu.dimension_semantics<arbitrary>], iteration_bounds = array<i64: 25>, scalar_prefetch = 0 : i64, scratch_operands = 2 : i64, tpu.core_type = #tpu.core_type<tc>, window_params = [{transform_indices = @transform_0, window_bounds = array<i64: 400, 128>}, {pipeline_mode = #tpu.pipeline_mode<synchronous>, transform_indices = @transform_1, window_bounds = array<i64: 2, 128>}, {pipeline_mode = #tpu.pipeline_mode<synchronous>, transform_indices = @transform_2, window_bounds = array<i64: 1, 128>}, {pipeline_mode = #tpu.pipeline_mode<synchronous>, transform_indices = @transform_3, window_bounds = array<i64: 1, 128>}, {transform_indices = @transform_4, window_bounds = array<i64: 1, 1, 400>}, {pipeline_mode = #tpu.pipeline_mode<synchronous>, transform_indices = @transform_5, window_bounds = array<i64: 128, 128>}, {pipeline_mode = #tpu.pipeline_mode<synchronous>, transform_indices = @transform_6, window_bounds = array<i64: 1, 128>}, {pipeline_mode = #tpu.pipeline_mode<synchronous>, transform_indices = @transform_7, window_bounds = array<i64: 64, 128>}]} {
    %get3A = arith.constant 0 : index
    %get3A_0 = arith.constant 0 : index
    %get3A_1 = vector.load %arg2[%get3A, %get3A_0] : memref<2x128xf32, #tpu.memory_space<vmem>>, vector<1x128xf32>
    %mul3A = arith.constant 9.99999974E-5 : f32
    %mul3A_2 = vector.broadcast %mul3A : f32 to vector<1x128xf32>
    %mul3A_3 = arith.mulf %get3A_1, %mul3A_2 : vector<1x128xf32>
    %get3A_4 = arith.constant 1 : index
    %get3A_5 = arith.constant 0 : index
    %get3A_6 = vector.load %arg2[%get3A_4, %get3A_5] : memref<2x128xf32, #tpu.memory_space<vmem>>, vector<1x128xf32>
    %mul3A_7 = arith.constant 9.99999974E-5 : f32
    %mul3A_8 = vector.broadcast %mul3A_7 : f32 to vector<1x128xf32>
    %mul3A_9 = arith.mulf %get3A_6, %mul3A_8 : vector<1x128xf32>
    %mul3A_10 = arith.mulf %mul3A_3, %mul3A_3 : vector<1x128xf32>
    %sub3A = arith.subf %mul3A_9, %mul3A_10 : vector<1x128xf32>
    %get3A_11 = arith.constant 0 : index
    %get3A_12 = arith.constant 0 : index
    %get3A_13 = vector.load %arg3[%get3A_11, %get3A_12] : memref<1x128xf32, #tpu.memory_space<vmem>>, vector<1x128xf32>
    %add3A = arith.constant 9.99999974E-6 : f32
    %add3A_14 = vector.broadcast %add3A : f32 to vector<1x128xf32>
    %add3A_15 = arith.addf %sub3A, %add3A_14 : vector<1x128xf32>
    %rsqrt3A = math.rsqrt %add3A_15 : vector<1x128xf32>
    %mul3A_16 = arith.mulf %get3A_13, %rsqrt3A : vector<1x128xf32>
    %get3A_17 = arith.constant 0 : index
    %get3A_18 = arith.constant 0 : index
    %get3A_19 = vector.load %arg4[%get3A_17, %get3A_18] : memref<1x128xf32, #tpu.memory_space<vmem>>, vector<1x128xf32>
    %mul3A_20 = arith.mulf %mul3A_3, %mul3A_16 : vector<1x128xf32>
    %sub3A_21 = arith.subf %get3A_19, %mul3A_20 : vector<1x128xf32>
    %get3A_22 = arith.constant 0 : index
    %get3A_23 = arith.constant 0 : index
    %get3A_24 = vector.load %arg1[%get3A_22, %get3A_23] : memref<400x128xf32, #tpu.memory_space<vmem>>, vector<400x128xf32>
    %mul3A_25 = vector.broadcast %mul3A_16 : vector<1x128xf32> to vector<400x128xf32>
    %mul3A_26 = arith.mulf %get3A_24, %mul3A_25 : vector<400x128xf32>
    %add3A_27 = vector.broadcast %sub3A_21 : vector<1x128xf32> to vector<400x128xf32>
    %add3A_28 = arith.addf %mul3A_26, %add3A_27 : vector<400x128xf32>
    %max3A = arith.constant 0.000000e+00 : f32
    %max3A_29 = vector.broadcast %max3A : f32 to vector<400x128xf32>
    %max3A_30 = arith.maximumf %add3A_28, %max3A_29 : vector<400x128xf32>
    %get3A_31 = arith.constant 0 : index
    %get3A_32 = arith.constant 0 : index
    %get3A_33 = arith.constant 0 : index
    %get3A_34 = vector.load %arg5[%get3A_31, %get3A_32, %get3A_33] : memref<1x1x400xi32, #tpu.memory_space<vmem>>, vector<1x1x400xi32>
    %get3A_35 = vector.shape_cast %get3A_34 : vector<1x1x400xi32> to vector<1x400xi32>
    %iota3A = tpu.iota {dimensions = array<i32: 0>} : vector<64x400xi32>
    %eq3A = vector.broadcast %get3A_35 : vector<1x400xi32> to vector<64x400xi32>
    %eq3A_36 = arith.cmpi eq, %iota3A, %eq3A : vector<64x400xi32>
    %jit3A = arith.constant 1.000000e+00 : f32
    %jit3A_37 = arith.constant 0.000000e+00 : f32
    %broadcast_in_dim3A = vector.broadcast %jit3A : f32 to vector<64x400xf32>
    %broadcast_in_dim3A_38 = vector.broadcast %jit3A_37 : f32 to vector<64x400xf32>
    %select_n3A = arith.select %eq3A_36, %broadcast_in_dim3A, %broadcast_in_dim3A_38 : vector<64x400xi1>, vector<64x400xf32>
    %eq3A_39 = arith.constant 0 : i32
    %eq3A_40 = arith.cmpi eq, %arg0, %eq3A_39 : i32
    %convert_element_type3A = arith.extui %eq3A_40 : i1 to i32
    %cond3A = arith.constant 0 : i32
    %cond3A_41 = arith.cmpi ne, %convert_element_type3A, %cond3A : i32
    scf.if %cond3A_41 {
      %broadcast_in_dim3A_63 = arith.constant 0.000000e+00 : f32
      %broadcast_in_dim3A_64 = vector.broadcast %broadcast_in_dim3A_63 : f32 to vector<64x128xf32>
      %swap3A_65 = arith.constant 0 : index
      %swap3A_66 = arith.constant 0 : index
      %swap3A_67 = vector.load %arg9[%swap3A_65, %swap3A_66] : memref<64x128xf32, #tpu.memory_space<vmem>>, vector<64x128xf32>
      tpu.vector_store %arg9[%swap3A_65, %swap3A_66], %broadcast_in_dim3A_64 {strides = array<i32>} : memref<64x128xf32, #tpu.memory_space<vmem>>, vector<64x128xf32>,
      %broadcast_in_dim3A_68 = arith.constant 0.000000e+00 : f32
      %broadcast_in_dim3A_69 = vector.broadcast %broadcast_in_dim3A_68 : f32 to vector<64x1xf32>
      %swap3A_70 = arith.constant 0 : index
      %swap3A_71 = arith.constant 0 : index
      %swap3A_72 = vector.load %arg10[%swap3A_70, %swap3A_71] : memref<64x1xf32, #tpu.memory_space<vmem>>, vector<64x1xf32>
      tpu.vector_store %arg10[%swap3A_70, %swap3A_71], %broadcast_in_dim3A_69 {strides = array<i32>} : memref<64x1xf32, #tpu.memory_space<vmem>>, vector<64x1xf32>,
    } else {
    }
    %get3A_42 = arith.constant 0 : index
    %get3A_43 = arith.constant 0 : index
    %get3A_44 = vector.load %arg9[%get3A_42, %get3A_43] : memref<64x128xf32, #tpu.memory_space<vmem>>, vector<64x128xf32>
    %dot_general3A = arith.constant dense<0.000000e+00> : vector<64x128xf32>
    %dot_general3A_45 = tpu.matmul %select_n3A, %max3A_30, %dot_general3A {dimension_numbers = #tpu.dot_dimension_numbers<[1], [0], [0], [1], [0, 0, 1, 1], [], []>, transpose_lhs_hint = false} : vector<64x400xf32>, vector<400x128xf32>, vector<64x128xf32> -> vector<64x128xf32>
    %add3A_46 = arith.addf %get3A_44, %dot_general3A_45 : vector<64x128xf32>
    %swap3A = arith.constant 0 : index
    %swap3A_47 = arith.constant 0 : index
    %swap3A_48 = vector.load %arg9[%swap3A, %swap3A_47] : memref<64x128xf32, #tpu.memory_space<vmem>>, vector<64x128xf32>
    tpu.vector_store %arg9[%swap3A, %swap3A_47], %add3A_46 {strides = array<i32>} : memref<64x128xf32, #tpu.memory_space<vmem>>, vector<64x128xf32>,
    %get3A_49 = arith.constant 0 : index
    %get3A_50 = arith.constant 0 : index
    %get3A_51 = vector.load %arg10[%get3A_49, %get3A_50] : memref<64x1xf32, #tpu.memory_space<vmem>>, vector<64x1xf32>
    %reduce_sum3A = arith.constant dense<0.000000e+00> : vector<64xf32>
    %reduce_sum3A_52 = vector.multi_reduction <add>, %select_n3A, %reduce_sum3A [1] : vector<64x400xf32> to vector<64xf32>
    %broadcast_in_dim3A_53 = vector.shape_cast %reduce_sum3A_52 : vector<64xf32> to vector<64x1xf32>
    %add3A_54 = arith.addf %get3A_51, %broadcast_in_dim3A_53 : vector<64x1xf32>
    %swap3A_55 = arith.constant 0 : index
    %swap3A_56 = arith.constant 0 : index
    %swap3A_57 = vector.load %arg10[%swap3A_55, %swap3A_56] : memref<64x1xf32, #tpu.memory_space<vmem>>, vector<64x1xf32>
    tpu.vector_store %arg10[%swap3A_55, %swap3A_56], %add3A_54 {strides = array<i32>} : memref<64x1xf32, #tpu.memory_space<vmem>>, vector<64x1xf32>,
    %eq3A_58 = arith.constant 24 : i32
    %eq3A_59 = arith.cmpi eq, %arg0, %eq3A_58 : i32
    %convert_element_type3A_60 = arith.extui %eq3A_59 : i1 to i32
    %cond3A_61 = arith.constant 0 : i32
    %cond3A_62 = arith.cmpi ne, %convert_element_type3A_60, %cond3A_61 : i32
    scf.if %cond3A_62 {
      %get3A_63 = arith.constant 0 : index
      %get3A_64 = arith.constant 0 : index
      %get3A_65 = vector.load %arg9[%get3A_63, %get3A_64] : memref<64x128xf32, #tpu.memory_space<vmem>>, vector<64x128xf32>
      %get3A_66 = arith.constant 0 : index
      %get3A_67 = arith.constant 0 : index
      %get3A_68 = vector.load %arg10[%get3A_66, %get3A_67] : memref<64x1xf32, #tpu.memory_space<vmem>>, vector<64x1xf32>
      %max3A_69 = arith.constant 1.000000e+00 : f32
      %max3A_70 = vector.broadcast %max3A_69 : f32 to vector<64x1xf32>
      %max3A_71 = arith.maximumf %get3A_68, %max3A_70 : vector<64x1xf32>
      %div3A = vector.broadcast %max3A_71 : vector<64x1xf32> to vector<64x128xf32>
      %div3A_72 = arith.divf %get3A_65, %div3A : vector<64x128xf32>
      %get3A_73 = arith.constant 0 : index
      %get3A_74 = arith.constant 0 : index
      %get3A_75 = vector.load %arg6[%get3A_73, %get3A_74] : memref<128x128xf32, #tpu.memory_space<vmem>>, vector<128x128xf32>
      %dot_general3A_76 = arith.constant dense<0.000000e+00> : vector<64x128xf32>
      %dot_general3A_77 = tpu.matmul %div3A_72, %get3A_75, %dot_general3A_76 {dimension_numbers = #tpu.dot_dimension_numbers<[1], [0], [0], [1], [0, 0, 1, 1], [], []>, transpose_lhs_hint = false} : vector<64x128xf32>, vector<128x128xf32>, vector<64x128xf32> -> vector<64x128xf32>
      %get3A_78 = arith.constant 0 : index
      %get3A_79 = arith.constant 0 : index
      %get3A_80 = vector.load %arg7[%get3A_78, %get3A_79] : memref<1x128xf32, #tpu.memory_space<vmem>>, vector<1x128xf32>
      %add3A_81 = vector.broadcast %get3A_80 : vector<1x128xf32> to vector<64x128xf32>
      %add3A_82 = arith.addf %dot_general3A_77, %add3A_81 : vector<64x128xf32>
      %swap3A_83 = arith.constant 0 : index
      %swap3A_84 = arith.constant 0 : index
      %swap3A_85 = vector.load %arg8[%swap3A_83, %swap3A_84] : memref<64x128xf32, #tpu.memory_space<vmem>>, vector<64x128xf32>
      tpu.vector_store %arg8[%swap3A_83, %swap3A_84], %add3A_82 {strides = array<i32>} : memref<64x128xf32, #tpu.memory_space<vmem>>, vector<64x128xf32>,
    } else {
    }
    return
  }
  func.func @transform_0(%arg0: i32) -> (i32, i32) {
    %c0_i32 = arith.constant 0 : i32
    %c0_i32_0 = arith.constant 0 : i32
    return %arg0, %c0_i32 : i32, i32
  }
  func.func @transform_1(%arg0: i32) -> (i32, i32) {
    %c0_i32 = arith.constant 0 : i32
    %c0_i32_0 = arith.constant 0 : i32
    %c0_i32_1 = arith.constant 0 : i32
    return %c0_i32, %c0_i32_0 : i32, i32
  }
  func.func @transform_2(%arg0: i32) -> (i32, i32) {
    %c0_i32 = arith.constant 0 : i32
    %c0_i32_0 = arith.constant 0 : i32
    %c0_i32_1 = arith.constant 0 : i32
    return %c0_i32, %c0_i32_0 : i32, i32
  }
  func.func @transform_3(%arg0: i32) -> (i32, i32) {
    %c0_i32 = arith.constant 0 : i32
    %c0_i32_0 = arith.constant 0 : i32
    %c0_i32_1 = arith.constant 0 : i32
    return %c0_i32, %c0_i32_0 : i32, i32
  }
  func.func @transform_4(%arg0: i32) -> (i32, i32, i32) {
    %c0_i32 = arith.constant 0 : i32
    %c0_i32_0 = arith.constant 0 : i32
    %c0_i32_1 = arith.constant 0 : i32
    return %arg0, %c0_i32, %c0_i32_0 : i32, i32, i32
  }
  func.func @transform_5(%arg0: i32) -> (i32, i32) {
    %c0_i32 = arith.constant 0 : i32
    %c0_i32_0 = arith.constant 0 : i32
    %c0_i32_1 = arith.constant 0 : i32
    return %c0_i32, %c0_i32_0 : i32, i32
  }
  func.func @transform_6(%arg0: i32) -> (i32, i32) {
    %c0_i32 = arith.constant 0 : i32
    %c0_i32_0 = arith.constant 0 : i32
    %c0_i32_1 = arith.constant 0 : i32
    return %c0_i32, %c0_i32_0 : i32, i32
  }
  func.func @transform_7(%arg0: i32) -> (i32, i32) {
    %c0_i32 = arith.constant 0 : i32
    %c0_i32_0 = arith.constant 0 : i32
    %c0_i32_1 = arith.constant 0 : i32
    return %c0_i32, %c0_i32_0 : i32, i32
  }
}

</mosaic_0001>

<sc_bundles>
// kernel: kernel.13.cloned.1.call-start
scs
__scs_entry_jumppad:
0x0: {  	(pc) =	sbr.rel $0x88, $3  }
0x1: {  	(tag) =	ssettag $0x0;
	lr =	simm.s32 $0x1  }
0x2: {  	[smem:$0x3F90] =	sst lr;
	_ =	strace $0xD0000000  }
0x3: {  	_ = 	snop  }
0x4: {  	_ = 	snop  }
0x5: {  	_ = 	snop  }
0x6: {  	_ = 	snop  }
0x7: {  	_ = 	snop  }
__scs_overlays_trampoline_lowered:
0x8: {  	[smem:$0x3F9F] =	sst s0  }
0x9: {  	[smem:$0x3FA0] =	sst s1  }
0xa: {  	[smem:$0x3FA1] =	sst s2  }
0xb: {  	[smem:$0x3FA2] =	sst s3  }
0xc: {  	[smem:$0x3FA3] =	sst s4  }
0xd: {  	[smem:$0x3FA4] =	sst s5  }
0xe: {  	[smem:$0x3FA5] =	sst s6  }
0xf: {  	[smem:$0x3FA6] =	sst s7  }
0x10: {  	[smem:$0x3FA7] =	sst s8  }
0x11: {  	[smem:$0x3FA8] =	sst s9;
	s0 =	simm.s32 @!p0 $0x0  }
0x12: {  	s1 =	sld [smem:$0x3F8E];
	s0 =	simm.s32 @p0 $0x1  }
0x13: {  	[smem:$0x3FA9] =	sst s0;
	s0 =	simm.s32 @!p1 $0x0  }
0x14: {  	s2 =	sld [smem:$0x3F8D];
	s0 =	simm.s32 @p1 $0x1  }
0x15: {  	[smem:$0x3FAA] =	sst s0;
	s0 =	simm.s32 @!p2 $0x0  }
0x16: {  	s3 =	sld [smem:$0x3FDB];
	s0 =	simm.s32 @p2 $0x1  }
0x17: {  	s4 =	simm.s32 $0x1BF5;
	[smem:$0x3FAC] =	sst s0  }
0x18: {  	s0 =	sld [smem:$0x3F8F];
	_ =	swait.ge [sflag:s4], $0x0  }
0x19: {  	s7 =	sld [smem:$0x3F90]  }
0x1a: {  	s8 =	sadd.s32 $0xFFFFE003, lr  }
0x1b: {  	s9 =	sadd.s32 $0xFFFFFEF7, lr;
	s5 =	simm.s32 $0xFFFFFFFF;
	p2 =	slt.u32 s8, $0xFFFFF086  }
0x1c: {  	p1 =	slt.u32 s9, $0xF7A;
	s5 =	simm.s32 @!p2 $0x0  }
0x1d: {  	s5 =	simm.s32 @p1 $0x1;
	p0 =	seq.s32 s7, s2  }
0x1e: {  	s7 =	smul.u32 @!p0 $0xF7A, s2;
	p2 =	seq.s32 @!p0 s5, $0x0  }
0x1f: {  	s9 =	smul.u32 $0xF7A, s1;
	s8 =	simm.s32 @!p0 $0x1BF5;
	p2 =	por !p2, p0  }
0x20: {  	[sflag:s8] =	ssyncset.s32 @!p0 $0xFFFFF086;
	s6 =	sadd.s32 @!p0 s3, s7;
	s7 =	simm.s32 @!p0 $0x108  }
0x21: {  	s3 =	sadd.s32 s3, s9;
	s6 =	sadd.s32 @!p0 $0x88, s6;
	s7 =	simm.s32 @p2 $0x1082  }
0x22: {  	[simem:s7], [sflag:s8] =	dma.local @!p0 [hbm:s6], $0xF7A  }
0x23: {  	s9 =	sor.u32 $0xD0000000, s2;
	s6 =	simm.s32 $0x108;
	_ =	swait.ge @!p0 [sflag:s8], $0x0  }
0x24: {  	s3 =	sadd.s32 $0x88, s3;
	s6 =	simm.s32 @!p1 $0x1082;
	[sflag:s4] =	ssyncset.s32 $0xFFFFF086  }
0x25: {  	[simem:s6], [sflag:s4] =	dma.local [hbm:s3], $0xF7A  }
0x26: {  	[smem:$0x3F90] =	sst s1;
	(tag) =	ssettag s2;
	_ =	strace s9  }
0x27: {  	s1 =	sld [smem:$0x3FA0]  }
0x28: {  	s2 =	sld [smem:$0x3FA1]  }
0x29: {  	s4 =	sld [smem:$0x3FA3]  }
0x2a: {  	p0 =	seq.s32 s5, $0x0;
	s5 =	sld [smem:$0x3FA4]  }
0x2b: {  	s6 =	sld [smem:$0x3FA5]  }
0x2c: {  	s7 =	sld [smem:$0x3FA6]  }
0x2d: {  	s3 =	simm.s32 $0x108;
	s8 =	sld [smem:$0x3FA7]  }
0x2e: {  	s3 =	simm.s32 @!p0 $0x1082;
	s9 =	sld [smem:$0x3FA8]  }
0x2f: {  	lr =	sadd.s32 s0, s3;
	s0 =	sld [smem:$0x3F9F]  }
0x30: {  	s3 =	sld [smem:$0x3FA2]  }
0x31: {  	[smem:$0x3FAB] =	sst s10  }
0x32: {  	s10 =	sld [smem:$0x3FA9];
	_ =	sdelay $0x3  }
0x33: {  	p0 =	seq.s32 s10, $0x1;
	s10 =	sld [smem:$0x3FAB];
	_ =	sdelay $0x3  }
0x34: {  	[smem:$0x3FAB] =	sst s10  }
0x35: {  	s10 =	sld [smem:$0x3FAA];
	_ =	sdelay $0x3  }
0x36: {  	p1 =	seq.s32 s10, $0x1;
	s10 =	sld [smem:$0x3FAB];
	_ =	sdelay $0x3  }
0x37: {  	[smem:$0x3FAB] =	sst s10  }
0x38: {  	s10 =	sld [smem:$0x3FAC]  }
0x39: {  	_ = 	snop;
	(pc) =	sbr.ind lr, $3  }
0x3a: {  	_ = 	snop  }
0x3b: {  	_ = 	snop  }
0x3c: {  	p2 =	seq.s32 s10, $0x1;
	s10 =	sld [smem:$0x3FAB]  }
0x3d: {  	_ =	shalt  }
0x3e: {  	_ =	shalt  }
0x3f: {  	_ =	shalt  }
0x40: {  	_ =	shalt  }
0x41: {  	_ =	shalt  }
0x42: {  	_ =	shalt  }
0x43: {  	_ =	shalt  }
0x44: {  	_ =	shalt  }
0x45: {  	_ =	shalt  }
0x46: {  	_ =	shalt  }
0x47: {  	_ =	shalt  }
0x48: {  	_ =	shalt  }
0x49: {  	_ =	shalt  }
0x4a: {  	_ =	shalt  }
0x4b: {  	_ =	shalt  }
0x4c: {  	_ =	shalt  }
0x4d: {  	_ =	shalt  }
0x4e: {  	_ =	shalt  }
0x4f: {  	_ =	shalt  }
0x50: {  	_ =	shalt  }
0x51: {  	_ =	shalt  }
0x52: {  	_ =	shalt  }
0x53: {  	_ =	shalt  }
0x54: {  	_ =	shalt  }
0x55: {  	_ =	shalt  }
0x56: {  	_ =	shalt  }
0x57: {  	_ =	shalt  }
0x58: {  	_ =	shalt  }
0x59: {  	_ =	shalt  }
0x5a: {  	_ =	shalt  }
0x5b: {  	_ =	shalt  }
0x5c: {  	_ =	shalt  }
0x5d: {  	_ =	shalt  }
0x5e: {  	_ =	shalt  }
0x5f: {  	_ =	shalt  }
0x60: {  	_ =	shalt  }
0x61: {  	_ =	shalt  }
0x62: {  	_ =	shalt  }
0x63: {  	_ =	shalt  }
0x64: {  	_ =	shalt  }
0x65: {  	_ =	shalt  }
0x66: {  	_ =	shalt  }
0x67: {  	_ =	shalt  }
0x68: {  	_ =	shalt  }
0x69: {  	_ =	shalt  }
0x6a: {  	_ =	shalt  }
0x6b: {  	_ =	shalt  }
0x6c: {  	_ =	shalt  }
0x6d: {  	_ =	shalt  }
0x6e: {  	_ =	shalt  }
0x6f: {  	_ =	shalt  }
0x70: {  	_ =	shalt  }
0x71: {  	_ =	shalt  }
0x72: {  	_ =	shalt  }
0x73: {  	_ =	shalt  }
0x74: {  	_ =	shalt  }
0x75: {  	_ =	shalt  }
0x76: {  	_ =	shalt  }
0x77: {  	_ =	shalt  }
0x78: {  	_ =	shalt  }
0x79: {  	_ =	shalt  }
0x7a: {  	_ =	shalt  }
0x7b: {  	_ =	shalt  }
0x7c: {  	_ =	shalt  }
0x7d: {  	_ =	shalt  }
0x7e: {  	_ =	shalt  }
0x7f: {  	_ =	shalt  }
0x80: {  	_ =	shalt  }
0x81: {  	_ =	shalt  }
0x82: {  	_ =	shalt  }
0x83: {  	_ =	shalt  }
0x84: {  	_ =	shalt  }
0x85: {  	_ =	shalt  }
0x86: {  	_ =	shalt  }
0x87: {  	_ =	shalt  }
.Lfunc_end0:
.L_simem_size_0:
called_computation_lowered:
.L_overlay_start_0:
0x88: {  	s2 =	sld [smem:$0x3FD9]  }
0x89: {  	s3 =	sld [smem:$0x3FFE];
	_ =	sdelay $0x1  }
0x8a: {  	s1 =	srdreg.scid  }
0x8b: {  	s0 =	sand.u32 $0x1, s1  }
0x8c: {  	s17 =	sshll.u32 s0, $0xA;
	s2 =	sadd.s32 s3, s2  }
0x8d: {  	s2 =	sadd.s32 s2, s17  }
0x8e: {  	[smem:$0x3FB7] =	sst s2  }
0x8f: {  	_ = 	snop  }
0x90: {  	s2 =	sld [smem:$0x3FD0];
	(tm) =	ssettm $0x1  }
0x91: {  	s18 =	sld [smem:$0x3FFB];
	_ =	sdelay $0x3  }
0x92: {  	_ =	strace s18  }
0x93: {  	s3 =	sld [smem:$0x3FFC];
	_ =	sdelay $0x3  }
0x94: {  	_ =	strace s3  }
0x95: {  	s3 =	sld [smem:$0x3FFD];
	_ =	sdelay $0x3  }
0x96: {  	_ =	strace s3  }
0x97: {  	_ =	strace $0x8FFFFFFF  }
0x98: {  	s19 =	sld [smem:$0x3FDB];
	_ =	sdelay $0x1  }
0x99: {  	s4 =	simm.s32 $_scs_section_size  }
0x9a: {  	s5 =	simm.s32 $_size__tile_overlayer_lowered;
	s6 =	simm.s32 $_tile_overlayer_lowered  }
0x9b: {  	s22 =	simm.s32 $0x1BFF;
	s21 =	sshll.u32 s6, $0x1;
	s3 =	sadd.s32 s4, s19  }
0x9c: {  	s7 =	simm.s32 $0x0;
	s20 =	sshll.u32 s5, $0x1;
	s5 =	sadd.s32 s21, s3  }
0x9d: {  	[timem:s7], [sflag:s22] =	dma.local [hbm:s5], s20  }
0x9e: {  	_ =	swait.ge [sflag:s22], s20  }
0x9f: {  	s4 =	ssub.s32 $0x0, s20;
	[sflag:s22] =	ssyncset.done $0x0  }
0xa0: {  	[sflag:s22] =	ssyncadd.s32 s4;
	_ =	sdelay $0x1  }
0xa1: {  	s23 =	simm.s32 $0x1B8B  }
0xa2: {  	_ =	swait.ge [sflag:s23], $0x1  }
0xa3: {  	[sflag:s23] =	ssyncset.done $0x0  }
0xa4: {  	s25 =	simm.s32 $0x1B8E;
	s24 =	sld [smem:$0x3FFE];
	[sflag:s23] =	ssyncadd.s32 $0xFFFFFFFF  }
0xa5: {  	s26 =	simm.s32 $execute0_lowered;
	[smem:$0x3FD2] =	sst s25  }
0xa6: {  	s5 =	sshll.u32 s26, $0x1;
	_ =	strace $0x80000046;
	[dreg:$0x1] =	wrdreg $0xFFFFFFFF  }
0xa7: {  	s28 =	simm.s32 $_size_execute0_lowered;
	s3 =	sadd.s32 s3, s5;
	[dreg:$0x0] =	wrdreg $0x0  }
0xa8: {  	s5 =	sshll.u32 s28, $0x1;
	[dreg:$0x2] =	wrdreg s3  }
0xa9: {  	[dreg:$0x3] =	wrdreg s5  }
0xaa: {  	[dreg:$0x4] =	wrdreg $0xC0  }
0xab: {  	_ =	task [dreg:s7], $0x5FFFF  }
0xac: {  	[dreg:$0x1] =	wrdreg $0xFFFFFFFF  }
0xad: {  	[dreg:$0x0] =	wrdreg $0x60  }
0xae: {  	[dreg:$0x2] =	wrdreg s24  }
0xaf: {  	[dreg:$0x3] =	wrdreg s2  }
0xb0: {  	[dreg:$0x4] =	wrdreg $0x80000  }
0xb1: {  	[dreg:$0x5] =	wrdreg $0x9  }
0xb2: {  	_ =	task.clear_ibuf [dreg:s7], $0x6FFFF;
	_ =	strace $0x90000046  }
0xb3: {  	s29 =	simm.s32 $0x9;
	_ =	strace $0x80000048  }
0xb4: {  	_ =	swait.ge [sflag:s29], $0x1  }
0xb5: {  	[sflag:s29] =	ssyncadd.s32 $0xFFFFFFFF  }
0xb6: {  	_ =	strace $0x90000048  }
0xb7: {  	_ =	sfence  }
0xb8: {  	s30 =	sld [smem:$0x0];
	_ =	sdelay $0x2  }
0xb9: {  	s31 =	sshll.u32 s1, $0xD;
	s1 =	sshrl.u32 s1, $0x2  }
0xba: {  	s3 =	sand.u32 $0x4000, s31;
	s1 =	sadd.s32 s1, s30  }
0xbb: {  	s0 =	sor.u32 s3, s0;
	s1 =	sshll.u32 s1, $0x11  }
0xbc: {  	s0 =	sor.u32 s1, s0  }
0xbd: {  	s0 =	sadd.s32 $0x8F2B, s0  }
0xbe: {  	[sflag:s0] =	ssyncadd.remote.s32 $0x1  }
0xbf: {  	_ =	sfence.sel $0xFFFF  }
0xc0: {  	[dreg:$0x0] =	wrdreg $0xFFFFFFFF;
	(pc) =	sbr.abs _section_cstart, $3  }
0xc1: {  	[dreg:$0x1] =	wrdreg $0xFFFFFFFF  }
0xc2: {  	_ =	task.clear_ibuf [dreg:s7], $0x2FFFF;
	_ =	strace $0x9FFFFFFF  }
0xc3: {  	(tm) =	ssettm $0x7FFFFFFF  }
tec
execute0_lowered:
.L_overlay_start_1:
0x0: {  	(tag) =	ssettag $0x1  }
0x1: {  	s6 =	rddreg [dreg:$0x0]  }
0x2: {  	s2 =	rddreg [dreg:$0x1]  }
0x3: {  	s3 =	rddreg [dreg:$0x2]  }
0x4: {  	s0 =	rddreg [dreg:$0x3]  }
0x5: {  	s1 =	stileid.u32;
	s7 =	srdreg.scid  }
0x6: {  	s4 =	simm.s32 $0x0;
	s13 =	simm.s32 $0x5800;
	s5 =	smul.u32 $0xA00, s1  }
0x7: {  	s14 =	simm.s32 $0x80;
	s15 =	simm.s32 $0x0;
	s8 =	smul.u32 $0x500, s1  }
0x8: {  	s7 =	sand.u32 $0x1, s7;
	[smem:$0x7FF] =	sst s4;
	s12 =	smul.u32 $0xA000, s1  }
0x9: {  	s9 =	smul.u32 $0x5000, s7;
	_ =	strace $0x80000047;
	s11 =	ssub.s32 $0x2, s7  }
0xa: {  	s31 =	smul.u32 $0xA000, s7;
	s10 =	sadd.s32 s5, s6;
	s29 =	sshrl.u32 s11, $0x1  }
0xb: {  	s5 =	sadd.s32 $0xE200, s6;
	s30 =	sshrl.u32 s12, $0x2;
	s12 =	simm.s32 $0x5000  }
0xc: {  	s8 =	sadd.s32 s8, s9;
	s9 =	ssub.s32 s11, s29;
	s7 =	sadd.s32 s30, s3  }
0xd: {  	s11 =	simm.s32 $0x1;
	s8 =	sadd.s32 s8, s6;
	s6 =	sadd.s32 $0x4200, s10  }
0xe: {  	s9 =	smax.u32 s9, $0x1;
	s10 =	sshrl.u32 s31, $0x2;
	s8 =	sadd.s32 $0xE800, s8  }
.LBB2_1:
0xf: {  	[tilespmem:s4], [sflag:$0x1] =	stream.linear.gather [hbm4b:s6+s4], $0x5000, $0x38;
	[tilespmem:$0xA800] =	vst v63  }
0x10: {  	_ =	swait.ge [sflag:s11], $0x5000  }
0x11: {  	[sflag:s11] =	ssyncset.done $0x0  }
0x12: {  	[sflag:s11] =	ssyncadd.s32 $0xFFFFB000  }
0x13: {  	[tilespmem:s12], [sflag:$0x1] =	stream.linear.gather [hbm4b:s2+s4], $0x800, $0x38;
	[tilespmem:$0xA800] =	vst v63  }
0x14: {  	_ =	swait.ge [sflag:s11], $0x800  }
0x15: {  	[sflag:s11] =	ssyncset.done $0x0  }
0x16: {  	[sflag:s11] =	ssyncadd.s32 $0xFFFFF800  }
0x17: {  	[tilespmem:s13], [sflag:$0x1] =	stream.linear.gather [hbm4b:s5+s4], $0x2800, $0x38;
	[tilespmem:$0xA800] =	vst v63  }
0x18: {  	_ =	swait.ge [sflag:s11], $0x2800  }
0x19: {  	[sflag:s11] =	ssyncset.done $0x0  }
0x1a: {  	[sflag:s11] =	ssyncadd.s32 $0xFFFFD800  }
0x1b: {  	[spmem:s7] =	stream.linear.scatter [tilespmem:s13], [sflag:$0x1], $0x2800, $0x38;
	[tilespmem:$0xA800] =	vst v63  }
0x1c: {  	_ =	swait.ge [sflag:s11], $0x2800  }
0x1d: {  	[sflag:s11] =	ssyncset.done $0x0  }
0x1e: {  	[sflag:s11] =	ssyncadd.s32 $0xFFFFD800  }
0x1f: {  	s16 =	sadd.s32 $0x0, s10;
	[bflag:$0x0] =	sbarrier.arrive $0xFFFF  }
0x20: {  	[spmem:s3] =	stream.indirect.scatter.add.f32 [tilespmem:s12], [sflag:$0x1], $0x10, s16, s14, $0xb8;
	[tilespmem:$0xA800] =	vst v63  }
0x21: {  	s16 =	simm.s32 $0x200;
	_ =	swait.ge [sflag:s11], $0x800  }
.LBB2_2:
0x22: {  	s17 =	sshra.s32 s16, $0x2;
	[sflag:s11] =	ssyncset.done $0x0;
	p0 =	sne.s32 s16, $0x9E00  }
.Ltmp0:
0x23: {  	s17 =	sadd.s32 s17, s10;
	[sflag:s11] =	ssyncadd.s32 $0xFFFFF800;
	(pc) =	sbr.rel @p0 .LBB2_2-.Ltmp0, $3  }
0x24: {  	[spmem:s3] =	stream.indirect.scatter.add.f32 [tilespmem:s12], [sflag:$0x1], $0x10, s17, s14, $0xb8;
	[tilespmem:$0xA800] =	vst v63  }
0x25: {  	s16 =	sadd.s32 $0x200, s16;
	_ =	sdelay $0x1  }
0x26: {  	_ =	swait.ge [sflag:s11], $0x800  }
0x27: {  	[sflag:s11] =	ssyncset.done $0x0  }
0x28: {  	[sflag:s11] =	ssyncadd.s32 $0xFFFFF800  }
0x29: {  	[bflag:$0x0] =	sbarrier.arrive $0xFFFF  }
0x2a: {  	[tilespmem:s13], [sflag:$0x1] =	stream.linear.gather [spmem:s7], $0x2800, $0x38;
	[tilespmem:$0xA800] =	vst v63  }
0x2b: {  	s15 =	sadd.s32 $0x1, s15;
	_ =	swait.ge [sflag:s11], $0x2800  }
0x2c: {  	p0 =	sne.s32 s15, s9;
	[sflag:s11] =	ssyncset.done $0x0  }
.Ltmp1:
0x2d: {  	[sflag:s11] =	ssyncadd.s32 $0xFFFFD800;
	(pc) =	sbr.rel @p0 .LBB2_1-.Ltmp1, $4  }
0x2e: {  	[hbm4b:s8+s4] =	stream.linear.scatter [tilespmem:s13], [sflag:$0x1], $0x2800, $0x38;
	[tilespmem:$0xA800] =	vst v63  }
0x2f: {  	_ =	swait.ge [sflag:s11], $0x2800  }
0x30: {  	[sflag:s11] =	ssyncset.done $0x0  }
0x31: {  	[sflag:s11] =	ssyncadd.s32 $0xFFFFD800  }
0x32: {  	_ =	sfence.sel $0x180000  }
0x33: {  	[bflag:$0x0] =	sbarrier.arrive $0xFFFF  }
0x34: {  	p0 =	sne.s32 s1, $0x0;
	_ =	strace $0x90000047  }
0x35: {  	s0 =	sadd.s32 @!p0 $0x100000, s0;
	[bflag:$0x2] =	sbarrier.arrive $0xFFFF  }
0x36: {  	[sflag:s0] =	ssyncadd.tile.s32 @!p0 $0x1;
	_ =	shalt  }
.Lfunc_end2:
_tile_overlayer_lowered:
.L_overlay_start_2:
0x37: {  	(tag) =	ssettag $0x2  }
0x38: {  	s0 =	rddreg [dreg:$0x0];
	s2 =	stileid.u32  }
0x39: {  	s1 =	rddreg [dreg:$0x1];
	p0 =	sne.s32 s2, $0x0  }
0x3a: {  	s3 =	rddreg [dreg:$0x2];
	[bflag:$0x3] =	sbarrier.arrive $0xFFFF;
	s2 =	simm.s32 @!p0 $0x1C01  }
0x3b: {  	[timem:s3], [sflag:s2] =	dma.local @!p0 [hbm:s0], s1  }
0x3c: {  	s0 =	simm.s32 @!p0 $0x1  }
0x3d: {  	_ =	swait.ge @!p0 [sflag:s0], s1  }
0x3e: {  	s1 =	ssub.s32 @!p0 $0x0, s1;
	[sflag:s0] =	ssyncset.done @!p0 $0x0  }
0x3f: {  	[sflag:s0] =	ssyncadd.s32 @!p0 s1  }
0x40: {  	[bflag:$0x3] =	sbarrier.arrive $0xFFFF  }
0x41: {  	_ =	shalt  }

// kernel: kernel.16.cloned.1.call-start
scs
__scs_entry_jumppad:
0x0: {  	(pc) =	sbr.rel $0x88, $3  }
0x1: {  	(tag) =	ssettag $0x0;
	lr =	simm.s32 $0x1  }
0x2: {  	[smem:$0x3F90] =	sst lr;
	_ =	strace $0xD0000000  }
0x3: {  	_ = 	snop  }
0x4: {  	_ = 	snop  }
0x5: {  	_ = 	snop  }
0x6: {  	_ = 	snop  }
0x7: {  	_ = 	snop  }
__scs_overlays_trampoline_lowered:
0x8: {  	[smem:$0x3F9F] =	sst s0  }
0x9: {  	[smem:$0x3FA0] =	sst s1  }
0xa: {  	[smem:$0x3FA1] =	sst s2  }
0xb: {  	[smem:$0x3FA2] =	sst s3  }
0xc: {  	[smem:$0x3FA3] =	sst s4  }
0xd: {  	[smem:$0x3FA4] =	sst s5  }
0xe: {  	[smem:$0x3FA5] =	sst s6  }
0xf: {  	[smem:$0x3FA6] =	sst s7  }
0x10: {  	[smem:$0x3FA7] =	sst s8  }
0x11: {  	[smem:$0x3FA8] =	sst s9;
	s0 =	simm.s32 @!p0 $0x0  }
0x12: {  	s1 =	sld [smem:$0x3F8E];
	s0 =	simm.s32 @p0 $0x1  }
0x13: {  	[smem:$0x3FA9] =	sst s0;
	s0 =	simm.s32 @!p1 $0x0  }
0x14: {  	s2 =	sld [smem:$0x3F8D];
	s0 =	simm.s32 @p1 $0x1  }
0x15: {  	[smem:$0x3FAA] =	sst s0;
	s0 =	simm.s32 @!p2 $0x0  }
0x16: {  	s3 =	sld [smem:$0x3FDB];
	s0 =	simm.s32 @p2 $0x1  }
0x17: {  	s4 =	simm.s32 $0x1BF5;
	[smem:$0x3FAC] =	sst s0  }
0x18: {  	s0 =	sld [smem:$0x3F8F];
	_ =	swait.ge [sflag:s4], $0x0  }
0x19: {  	s7 =	sld [smem:$0x3F90]  }
0x1a: {  	s8 =	sadd.s32 $0xFFFFE003, lr  }
0x1b: {  	s9 =	sadd.s32 $0xFFFFFEF7, lr;
	s5 =	simm.s32 $0xFFFFFFFF;
	p2 =	slt.u32 s8, $0xFFFFF086  }
0x1c: {  	p1 =	slt.u32 s9, $0xF7A;
	s5 =	simm.s32 @!p2 $0x0  }
0x1d: {  	s5 =	simm.s32 @p1 $0x1;
	p0 =	seq.s32 s7, s2  }
0x1e: {  	s7 =	smul.u32 @!p0 $0xF7A, s2;
	p2 =	seq.s32 @!p0 s5, $0x0  }
0x1f: {  	s9 =	smul.u32 $0xF7A, s1;
	s8 =	simm.s32 @!p0 $0x1BF5;
	p2 =	por !p2, p0  }
0x20: {  	[sflag:s8] =	ssyncset.s32 @!p0 $0xFFFFF086;
	s6 =	sadd.s32 @!p0 s3, s7;
	s7 =	simm.s32 @!p0 $0x108  }
0x21: {  	s3 =	sadd.s32 s3, s9;
	s6 =	sadd.s32 @!p0 $0x88, s6;
	s7 =	simm.s32 @p2 $0x1082  }
0x22: {  	[simem:s7], [sflag:s8] =	dma.local @!p0 [hbm:s6], $0xF7A  }
0x23: {  	s9 =	sor.u32 $0xD0000000, s2;
	s6 =	simm.s32 $0x108;
	_ =	swait.ge @!p0 [sflag:s8], $0x0  }
0x24: {  	s3 =	sadd.s32 $0x88, s3;
	s6 =	simm.s32 @!p1 $0x1082;
	[sflag:s4] =	ssyncset.s32 $0xFFFFF086  }
0x25: {  	[simem:s6], [sflag:s4] =	dma.local [hbm:s3], $0xF7A  }
0x26: {  	[smem:$0x3F90] =	sst s1;
	(tag) =	ssettag s2;
	_ =	strace s9  }
0x27: {  	s1 =	sld [smem:$0x3FA0]  }
0x28: {  	s2 =	sld [smem:$0x3FA1]  }
0x29: {  	s4 =	sld [smem:$0x3FA3]  }
0x2a: {  	p0 =	seq.s32 s5, $0x0;
	s5 =	sld [smem:$0x3FA4]  }
0x2b: {  	s6 =	sld [smem:$0x3FA5]  }
0x2c: {  	s7 =	sld [smem:$0x3FA6]  }
0x2d: {  	s3 =	simm.s32 $0x108;
	s8 =	sld [smem:$0x3FA7]  }
0x2e: {  	s3 =	simm.s32 @!p0 $0x1082;
	s9 =	sld [smem:$0x3FA8]  }
0x2f: {  	lr =	sadd.s32 s0, s3;
	s0 =	sld [smem:$0x3F9F]  }
0x30: {  	s3 =	sld [smem:$0x3FA2]  }
0x31: {  	[smem:$0x3FAB] =	sst s10  }
0x32: {  	s10 =	sld [smem:$0x3FA9];
	_ =	sdelay $0x3  }
0x33: {  	p0 =	seq.s32 s10, $0x1;
	s10 =	sld [smem:$0x3FAB];
	_ =	sdelay $0x3  }
0x34: {  	[smem:$0x3FAB] =	sst s10  }
0x35: {  	s10 =	sld [smem:$0x3FAA];
	_ =	sdelay $0x3  }
0x36: {  	p1 =	seq.s32 s10, $0x1;
	s10 =	sld [smem:$0x3FAB];
	_ =	sdelay $0x3  }
0x37: {  	[smem:$0x3FAB] =	sst s10  }
0x38: {  	s10 =	sld [smem:$0x3FAC]  }
0x39: {  	_ = 	snop;
	(pc) =	sbr.ind lr, $3  }
0x3a: {  	_ = 	snop  }
0x3b: {  	_ = 	snop  }
0x3c: {  	p2 =	seq.s32 s10, $0x1;
	s10 =	sld [smem:$0x3FAB]  }
0x3d: {  	_ =	shalt  }
0x3e: {  	_ =	shalt  }
0x3f: {  	_ =	shalt  }
0x40: {  	_ =	shalt  }
0x41: {  	_ =	shalt  }
0x42: {  	_ =	shalt  }
0x43: {  	_ =	shalt  }
0x44: {  	_ =	shalt  }
0x45: {  	_ =	shalt  }
0x46: {  	_ =	shalt  }
0x47: {  	_ =	shalt  }
0x48: {  	_ =	shalt  }
0x49: {  	_ =	shalt  }
0x4a: {  	_ =	shalt  }
0x4b: {  	_ =	shalt  }
0x4c: {  	_ =	shalt  }
0x4d: {  	_ =	shalt  }
0x4e: {  	_ =	shalt  }
0x4f: {  	_ =	shalt  }
0x50: {  	_ =	shalt  }
0x51: {  	_ =	shalt  }
0x52: {  	_ =	shalt  }
0x53: {  	_ =	shalt  }
0x54: {  	_ =	shalt  }
0x55: {  	_ =	shalt  }
0x56: {  	_ =	shalt  }
0x57: {  	_ =	shalt  }
0x58: {  	_ =	shalt  }
0x59: {  	_ =	shalt  }
0x5a: {  	_ =	shalt  }
0x5b: {  	_ =	shalt  }
0x5c: {  	_ =	shalt  }
0x5d: {  	_ =	shalt  }
0x5e: {  	_ =	shalt  }
0x5f: {  	_ =	shalt  }
0x60: {  	_ =	shalt  }
0x61: {  	_ =	shalt  }
0x62: {  	_ =	shalt  }
0x63: {  	_ =	shalt  }
0x64: {  	_ =	shalt  }
0x65: {  	_ =	shalt  }
0x66: {  	_ =	shalt  }
0x67: {  	_ =	shalt  }
0x68: {  	_ =	shalt  }
0x69: {  	_ =	shalt  }
0x6a: {  	_ =	shalt  }
0x6b: {  	_ =	shalt  }
0x6c: {  	_ =	shalt  }
0x6d: {  	_ =	shalt  }
0x6e: {  	_ =	shalt  }
0x6f: {  	_ =	shalt  }
0x70: {  	_ =	shalt  }
0x71: {  	_ =	shalt  }
0x72: {  	_ =	shalt  }
0x73: {  	_ =	shalt  }
0x74: {  	_ =	shalt  }
0x75: {  	_ =	shalt  }
0x76: {  	_ =	shalt  }
0x77: {  	_ =	shalt  }
0x78: {  	_ =	shalt  }
0x79: {  	_ =	shalt  }
0x7a: {  	_ =	shalt  }
0x7b: {  	_ =	shalt  }
0x7c: {  	_ =	shalt  }
0x7d: {  	_ =	shalt  }
0x7e: {  	_ =	shalt  }
0x7f: {  	_ =	shalt  }
0x80: {  	_ =	shalt  }
0x81: {  	_ =	shalt  }
0x82: {  	_ =	shalt  }
0x83: {  	_ =	shalt  }
0x84: {  	_ =	shalt  }
0x85: {  	_ =	shalt  }
0x86: {  	_ =	shalt  }
0x87: {  	_ =	shalt  }
.Lfunc_end0:
.L_simem_size_0:
called_computation.1_lowered:
.L_overlay_start_0:
0x88: {  	s2 =	sld [smem:$0x3FD9]  }
0x89: {  	s3 =	sld [smem:$0x3FFE];
	_ =	sdelay $0x1  }
0x8a: {  	s1 =	srdreg.scid  }
0x8b: {  	s0 =	sand.u32 $0x1, s1  }
0x8c: {  	s17 =	sshll.u32 s0, $0xA;
	s2 =	sadd.s32 s3, s2  }
0x8d: {  	s2 =	sadd.s32 s2, s17  }
0x8e: {  	[smem:$0x3FB7] =	sst s2  }
0x8f: {  	_ = 	snop  }
0x90: {  	s2 =	sld [smem:$0x3FD0];
	(tm) =	ssettm $0x1  }
0x91: {  	s18 =	sld [smem:$0x3FFB];
	_ =	sdelay $0x3  }
0x92: {  	_ =	strace s18  }
0x93: {  	s3 =	sld [smem:$0x3FFC];
	_ =	sdelay $0x3  }
0x94: {  	_ =	strace s3  }
0x95: {  	s3 =	sld [smem:$0x3FFD];
	_ =	sdelay $0x3  }
0x96: {  	_ =	strace s3  }
0x97: {  	_ =	strace $0x8FFFFFFF  }
0x98: {  	s19 =	sld [smem:$0x3FDB];
	_ =	sdelay $0x1  }
0x99: {  	s4 =	simm.s32 $_scs_section_size  }
0x9a: {  	s5 =	simm.s32 $_size__tile_overlayer_lowered;
	s6 =	simm.s32 $_tile_overlayer_lowered  }
0x9b: {  	s22 =	simm.s32 $0x1BFF;
	s21 =	sshll.u32 s6, $0x1;
	s3 =	sadd.s32 s4, s19  }
0x9c: {  	s7 =	simm.s32 $0x0;
	s20 =	sshll.u32 s5, $0x1;
	s5 =	sadd.s32 s21, s3  }
0x9d: {  	[timem:s7], [sflag:s22] =	dma.local [hbm:s5], s20  }
0x9e: {  	_ =	swait.ge [sflag:s22], s20  }
0x9f: {  	s4 =	ssub.s32 $0x0, s20;
	[sflag:s22] =	ssyncset.done $0x0  }
0xa0: {  	[sflag:s22] =	ssyncadd.s32 s4;
	_ =	sdelay $0x1  }
0xa1: {  	s23 =	simm.s32 $0x1B8B  }
0xa2: {  	_ =	swait.ge [sflag:s23], $0x1  }
0xa3: {  	[sflag:s23] =	ssyncset.done $0x0  }
0xa4: {  	s25 =	simm.s32 $0x1B8E;
	s24 =	sld [smem:$0x3FFE];
	[sflag:s23] =	ssyncadd.s32 $0xFFFFFFFF  }
0xa5: {  	s26 =	simm.s32 $execute0_lowered;
	[smem:$0x3FD2] =	sst s25  }
0xa6: {  	s5 =	sshll.u32 s26, $0x1;
	_ =	strace $0x80000049;
	[dreg:$0x1] =	wrdreg $0xFFFFFFFF  }
0xa7: {  	s28 =	simm.s32 $_size_execute0_lowered;
	s3 =	sadd.s32 s3, s5;
	[dreg:$0x0] =	wrdreg $0x0  }
0xa8: {  	s5 =	sshll.u32 s28, $0x1;
	[dreg:$0x2] =	wrdreg s3  }
0xa9: {  	[dreg:$0x3] =	wrdreg s5  }
0xaa: {  	[dreg:$0x4] =	wrdreg $0xC0  }
0xab: {  	_ =	task [dreg:s7], $0x5FFFF  }
0xac: {  	[dreg:$0x1] =	wrdreg $0xFFFFFFFF  }
0xad: {  	[dreg:$0x0] =	wrdreg $0x60  }
0xae: {  	[dreg:$0x2] =	wrdreg s24  }
0xaf: {  	[dreg:$0x3] =	wrdreg s2  }
0xb0: {  	[dreg:$0x4] =	wrdreg $0x120000  }
0xb1: {  	[dreg:$0x5] =	wrdreg $0x9  }
0xb2: {  	_ =	task.clear_ibuf [dreg:s7], $0x6FFFF;
	_ =	strace $0x90000049  }
0xb3: {  	s29 =	simm.s32 $0x9;
	_ =	strace $0x8000004B  }
0xb4: {  	_ =	swait.ge [sflag:s29], $0x1  }
0xb5: {  	[sflag:s29] =	ssyncadd.s32 $0xFFFFFFFF  }
0xb6: {  	_ =	strace $0x9000004B  }
0xb7: {  	_ =	sfence  }
0xb8: {  	s30 =	sld [smem:$0x0];
	_ =	sdelay $0x2  }
0xb9: {  	s31 =	sshll.u32 s1, $0xD;
	s1 =	sshrl.u32 s1, $0x2  }
0xba: {  	s3 =	sand.u32 $0x4000, s31;
	s1 =	sadd.s32 s1, s30  }
0xbb: {  	s0 =	sor.u32 s3, s0;
	s1 =	sshll.u32 s1, $0x11  }
0xbc: {  	s0 =	sor.u32 s1, s0  }
0xbd: {  	s0 =	sadd.s32 $0x8F2B, s0  }
0xbe: {  	[sflag:s0] =	ssyncadd.remote.s32 $0x1  }
0xbf: {  	_ =	sfence.sel $0xFFFF  }
0xc0: {  	[dreg:$0x0] =	wrdreg $0xFFFFFFFF;
	(pc) =	sbr.abs _section_cstart, $3  }
0xc1: {  	[dreg:$0x1] =	wrdreg $0xFFFFFFFF  }
0xc2: {  	_ =	task.clear_ibuf [dreg:s7], $0x2FFFF;
	_ =	strace $0x9FFFFFFF  }
0xc3: {  	(tm) =	ssettm $0x7FFFFFFF  }
tec
execute0_lowered:
.L_overlay_start_1:
0x0: {  	(tag) =	ssettag $0x1  }
0x1: {  	s0 =	srdreg.scid  }
0x2: {  	s1 =	rddreg [dreg:$0x0];
	s9 =	stileid.u32  }
0x3: {  	s3 =	rddreg [dreg:$0x2];
	s4 =	simm.s32 $0x0;
	s19 =	simm.s32 $0x9  }
0x4: {  	s21 =	simm.s32 $0xA000;
	s28 =	simm.s32 $0xC000;
	s29 =	simm.s32 $0xE000  }
0x5: {  	s30 =	simm.s32 $0x10000;
	s31 =	simm.s32 $0x5;
	s6 =	smul.u32 $0x280, s9  }
0x6: {  	s20 =	simm.s32 $0x0;
	s0 =	sand.u32 $0x1, s0;
	s8 =	smul.u32 $0xA00, s9  }
0x7: {  	[smem:$0x7FF] =	sst s4;
	s5 =	sadd.s32 $0x7AA00, s1;
	s22 =	smul.u32 $0x28000, s9  }
0x8: {  	s2 =	sshll.u32 s0, $0x4;
	s7 =	smul.u32 $0x2800, s0;
	_ =	strace $0x8000004A  }
0x9: {  	s0 =	ssub.s32 $0x2, s0;
	s2 =	sor.u32 s9, s2;
	s8 =	sadd.s32 s8, s1  }
0xa: {  	s23 =	sshrl.u32 s0, $0x1;
	s2 =	smul.u32 $0xA00, s2;
	s6 =	sadd.s32 s6, s7  }
0xb: {  	s7 =	sshrl.u32 s22, $0x2;
	s0 =	ssub.s32 s0, s23;
	s24 =	sadd.s32 $0x4200, s8  }
0xc: {  	s22 =	simm.s32 $0x1;
	s23 =	simm.s32 $0x2;
	s6 =	sshll.u32 s6, $0x3  }
0xd: {  	s7 =	sadd.s32 s7, s3;
	[dreg:$0x5] =	wrdreg s24;
	s18 =	smax.u32 s0, $0x1  }
0xe: {  	s24 =	simm.s32 $0x3;
	s0 =	simm.s32 $0x7;
	s2 =	sadd.s32 s2, s1  }
0xf: {  	s1 =	sadd.s32 s6, s1;
	s9 =	sadd.s32 $0x2000, s7;
	s10 =	sadd.s32 $0x4000, s7  }
0x10: {  	s11 =	sadd.s32 $0x6000, s7;
	s12 =	sadd.s32 $0x8000, s7;
	s2 =	sadd.s32 $0x18800, s2  }
0x11: {  	s25 =	sadd.s32 $0xA1C00, s1;
	s26 =	sadd.s32 $0xA2000, s1;
	[dreg:$0x4] =	wrdreg s2  }
0x12: {  	s15 =	sadd.s32 $0xA2400, s1;
	s16 =	sadd.s32 $0xA2800, s1;
	[dreg:$0x6] =	wrdreg s25  }
0x13: {  	s17 =	sadd.s32 $0xA2C00, s1;
	s1 =	simm.s32 $0x6;
	[dreg:$0x7] =	wrdreg s26  }
0x14: {  	s25 =	simm.s32 $0x4;
	s26 =	simm.s32 $0x80;
	s2 =	simm.s32 $0x8  }
.LBB2_1:
0x15: {  	s6 =	rddreg [dreg:$0x4]  }
0x16: {  	[tilespmem:s4], [sflag:$0x9] =	stream.linear.gather [hbm4b:s6+s4], $0x5000, $0x38;
	[tilespmem:$0x1C000] =	vst v63  }
0x17: {  	_ =	swait.ge [sflag:s19], $0x5000  }
0x18: {  	[sflag:s19] =	ssyncset.done $0x0  }
0x19: {  	s8 =	simm.s32 $0x5000;
	s14 =	rddreg [dreg:$0x5];
	[sflag:s19] =	ssyncadd.s32 $0xFFFFB000  }
0x1a: {  	[tilespmem:s8], [sflag:$0x9] =	stream.linear.gather [hbm4b:s14+s4], $0x5000, $0x38;
	[tilespmem:$0x1C000] =	vst v63  }
0x1b: {  	_ =	swait.ge [sflag:s19], $0x5000  }
0x1c: {  	[sflag:s19] =	ssyncset.done $0x0  }
0x1d: {  	[sflag:s19] =	ssyncadd.s32 $0xFFFFB000  }
0x1e: {  	s8 =	rddreg [dreg:$0x1]  }
0x1f: {  	[tilespmem:s21], [sflag:$0x9] =	stream.linear.gather [hbm4b:s8+s4], $0x2000, $0x38;
	[tilespmem:$0x1C000] =	vst v63  }
0x20: {  	_ =	swait.ge [sflag:s19], $0x2000  }
0x21: {  	[sflag:s19] =	ssyncset.done $0x0  }
0x22: {  	[sflag:s19] =	ssyncadd.s32 $0xFFFFE000  }
0x23: {  	[spmem:s7] =	stream.linear.scatter [tilespmem:s21], [sflag:$0x1], $0x2000, $0x38;
	[tilespmem:$0x1C000] =	vst v63  }
0x24: {  	_ = 	snop  }
0x25: {  	[spmem:s9] =	stream.linear.scatter [tilespmem:s21], [sflag:$0x2], $0x2000, $0x38;
	[tilespmem:$0x1C000] =	vst v63  }
0x26: {  	_ = 	snop  }
0x27: {  	[spmem:s10] =	stream.linear.scatter [tilespmem:s21], [sflag:$0x3], $0x2000, $0x38;
	[tilespmem:$0x1C000] =	vst v63  }
0x28: {  	_ = 	snop  }
0x29: {  	[spmem:s11] =	stream.linear.scatter [tilespmem:s21], [sflag:$0x4], $0x2000, $0x38;
	[tilespmem:$0x1C000] =	vst v63  }
0x2a: {  	_ = 	snop  }
0x2b: {  	[spmem:s12] =	stream.linear.scatter [tilespmem:s21], [sflag:$0x1], $0x2000, $0x38;
	[tilespmem:$0x1C000] =	vst v63  }
0x2c: {  	_ =	swait.ge [sflag:s22], $0x2000  }
0x2d: {  	[sflag:s22] =	ssyncset.done $0x0  }
0x2e: {  	[sflag:s22] =	ssyncadd.s32 $0xFFFFE000  }
0x2f: {  	_ =	swait.ge [sflag:s23], $0x2000  }
0x30: {  	[sflag:s23] =	ssyncset.done $0x0  }
0x31: {  	[sflag:s23] =	ssyncadd.s32 $0xFFFFE000  }
0x32: {  	_ =	swait.ge [sflag:s24], $0x2000  }
0x33: {  	[sflag:s24] =	ssyncset.done $0x0  }
0x34: {  	[sflag:s24] =	ssyncadd.s32 $0xFFFFE000  }
0x35: {  	_ =	swait.ge [sflag:s25], $0x2000  }
0x36: {  	[sflag:s25] =	ssyncset.done $0x0  }
0x37: {  	[sflag:s25] =	ssyncadd.s32 $0xFFFFE000  }
0x38: {  	_ =	swait.ge [sflag:s22], $0x2000  }
0x39: {  	[sflag:s22] =	ssyncset.done $0x0  }
0x3a: {  	[sflag:s22] =	ssyncadd.s32 $0xFFFFE000  }
0x3b: {  	s13 =	simm.s32 $0x0;
	[bflag:$0x0] =	sbarrier.arrive $0xFFFF  }
0x3c: {  	[tilespmem:s21], [sflag:$0x1] =	stream.indirect.gather [hbm4b:s5+s26], $0x40, s13, s26, $0xb8;
	[tilespmem:$0x1C000] =	vst v63  }
0x3d: {  	s14 =	simm.s32 $0x80  }
0x3e: {  	[tilespmem:s28], [sflag:$0x2] =	stream.indirect.gather [hbm4b:s5+s26], $0x40, s14, s26, $0xb8;
	[tilespmem:$0x1C000] =	vst v63  }
0x3f: {  	s8 =	simm.s32 $0x100  }
0x40: {  	[tilespmem:s29], [sflag:$0x3] =	stream.indirect.gather [hbm4b:s5+s26], $0x40, s8, s26, $0xb8;
	[tilespmem:$0x1C000] =	vst v63  }
0x41: {  	s13 =	simm.s32 $0x180  }
0x42: {  	[tilespmem:s30], [sflag:$0x4] =	stream.indirect.gather [hbm4b:s5+s26], $0x40, s13, s26, $0xb8;
	[tilespmem:$0x1C000] =	vst v63  }
0x43: {  	_ =	swait.ge [sflag:s22], $0x2000  }
0x44: {  	[sflag:s22] =	ssyncset.done $0x0  }
0x45: {  	s14 =	simm.s32 $0x5000;
	[sflag:s22] =	ssyncadd.s32 $0xFFFFE000  }
0x46: {  	[spmem:s3] =	stream.indirect.scatter.add.f32 [tilespmem:s21], [sflag:$0x5], $0x40, s14, s26, $0xb8;
	[tilespmem:$0x1C000] =	vst v63  }
0x47: {  	_ =	swait.ge [sflag:s23], $0x2000  }
0x48: {  	[sflag:s23] =	ssyncset.done $0x0  }
0x49: {  	s8 =	simm.s32 $0x5080;
	[sflag:s23] =	ssyncadd.s32 $0xFFFFE000  }
0x4a: {  	[spmem:s3] =	stream.indirect.scatter.add.f32 [tilespmem:s28], [sflag:$0x6], $0x40, s8, s26, $0xb8;
	[tilespmem:$0x1C000] =	vst v63  }
0x4b: {  	_ =	swait.ge [sflag:s24], $0x2000  }
0x4c: {  	[sflag:s24] =	ssyncset.done $0x0  }
0x4d: {  	s13 =	simm.s32 $0x5100;
	[sflag:s24] =	ssyncadd.s32 $0xFFFFE000  }
0x4e: {  	[spmem:s3] =	stream.indirect.scatter.add.f32 [tilespmem:s29], [sflag:$0x7], $0x40, s13, s26, $0xb8;
	[tilespmem:$0x1C000] =	vst v63  }
0x4f: {  	_ =	swait.ge [sflag:s25], $0x2000  }
0x50: {  	[sflag:s25] =	ssyncset.done $0x0  }
0x51: {  	s14 =	simm.s32 $0x5180;
	[sflag:s25] =	ssyncadd.s32 $0xFFFFE000  }
0x52: {  	[spmem:s3] =	stream.indirect.scatter.add.f32 [tilespmem:s30], [sflag:$0x8], $0x40, s14, s26, $0xb8;
	[tilespmem:$0x1C000] =	vst v63  }
0x53: {  	_ =	swait.ge [sflag:s31], $0x2000  }
0x54: {  	[sflag:s31] =	ssyncset.done $0x0  }
0x55: {  	[sflag:s31] =	ssyncadd.s32 $0xFFFFE000  }
0x56: {  	_ =	swait.ge [sflag:s1], $0x2000  }
0x57: {  	[sflag:s1] =	ssyncset.done $0x0  }
0x58: {  	[sflag:s1] =	ssyncadd.s32 $0xFFFFE000  }
0x59: {  	_ =	swait.ge [sflag:s0], $0x2000  }
0x5a: {  	[sflag:s0] =	ssyncset.done $0x0  }
0x5b: {  	[sflag:s0] =	ssyncadd.s32 $0xFFFFE000  }
0x5c: {  	_ =	swait.ge [sflag:s2], $0x2000  }
0x5d: {  	s6 =	simm.s32 $0x800;
	s8 =	simm.s32 $0x1000;
	[sflag:s2] =	ssyncset.done $0x0  }
.LBB2_2:
0x5e: {  	s14 =	sshra.s32 s6, $0x2  }
0x5f: {  	[sflag:s2] =	ssyncadd.s32 $0xFFFFE000;
	s6 =	smov.u32 s8;
	s13 =	sadd.s32 $0x800, s8  }
0x60: {  	[tilespmem:s21], [sflag:$0x1] =	stream.indirect.gather [hbm4b:s5+s26], $0x40, s14, s26, $0xb8;
	[tilespmem:$0x1C000] =	vst v63  }
0x61: {  	p0 =	sne.s32 s8, $0x13800;
	s8 =	sadd.s32 $0x80, s14  }
0x62: {  	[tilespmem:s28], [sflag:$0x2] =	stream.indirect.gather [hbm4b:s5+s26], $0x40, s8, s26, $0xb8;
	[tilespmem:$0x1C000] =	vst v63  }
0x63: {  	s8 =	sadd.s32 $0x100, s14  }
0x64: {  	[tilespmem:s29], [sflag:$0x3] =	stream.indirect.gather [hbm4b:s5+s26], $0x40, s8, s26, $0xb8;
	[tilespmem:$0x1C000] =	vst v63  }
0x65: {  	s8 =	sadd.s32 $0x180, s14  }
0x66: {  	[tilespmem:s30], [sflag:$0x4] =	stream.indirect.gather [hbm4b:s5+s26], $0x40, s8, s26, $0xb8;
	[tilespmem:$0x1C000] =	vst v63  }
0x67: {  	_ =	swait.ge [sflag:s22], $0x2000  }
0x68: {  	[sflag:s22] =	ssyncset.done $0x0  }
0x69: {  	s8 =	sadd.s32 $0x5000, s14;
	[sflag:s22] =	ssyncadd.s32 $0xFFFFE000  }
0x6a: {  	[spmem:s3] =	stream.indirect.scatter.add.f32 [tilespmem:s21], [sflag:$0x5], $0x40, s8, s26, $0xb8;
	[tilespmem:$0x1C000] =	vst v63  }
0x6b: {  	_ =	swait.ge [sflag:s23], $0x2000  }
0x6c: {  	[sflag:s23] =	ssyncset.done $0x0  }
0x6d: {  	s8 =	sadd.s32 $0x5080, s14;
	[sflag:s23] =	ssyncadd.s32 $0xFFFFE000  }
0x6e: {  	[spmem:s3] =	stream.indirect.scatter.add.f32 [tilespmem:s28], [sflag:$0x6], $0x40, s8, s26, $0xb8;
	[tilespmem:$0x1C000] =	vst v63  }
0x6f: {  	_ =	swait.ge [sflag:s24], $0x2000  }
0x70: {  	[sflag:s24] =	ssyncset.done $0x0  }
0x71: {  	s8 =	sadd.s32 $0x5100, s14;
	[sflag:s24] =	ssyncadd.s32 $0xFFFFE000  }
0x72: {  	[spmem:s3] =	stream.indirect.scatter.add.f32 [tilespmem:s29], [sflag:$0x7], $0x40, s8, s26, $0xb8;
	[tilespmem:$0x1C000] =	vst v63  }
0x73: {  	_ =	swait.ge [sflag:s25], $0x2000  }
0x74: {  	[sflag:s25] =	ssyncset.done $0x0  }
0x75: {  	s8 =	sadd.s32 $0x5180, s14;
	[sflag:s25] =	ssyncadd.s32 $0xFFFFE000  }
0x76: {  	[spmem:s3] =	stream.indirect.scatter.add.f32 [tilespmem:s30], [sflag:$0x8], $0x40, s8, s26, $0xb8;
	[tilespmem:$0x1C000] =	vst v63  }
0x77: {  	_ =	swait.ge [sflag:s31], $0x2000  }
0x78: {  	[sflag:s31] =	ssyncset.done $0x0  }
0x79: {  	[sflag:s31] =	ssyncadd.s32 $0xFFFFE000  }
0x7a: {  	_ =	swait.ge [sflag:s1], $0x2000  }
0x7b: {  	[sflag:s1] =	ssyncset.done $0x0  }
0x7c: {  	[sflag:s1] =	ssyncadd.s32 $0xFFFFE000  }
.Ltmp0:
0x7d: {  	_ =	swait.ge [sflag:s0], $0x2000;
	(pc) =	sbr.rel @p0 .LBB2_2-.Ltmp0, $4  }
0x7e: {  	[sflag:s0] =	ssyncset.done $0x0  }
0x7f: {  	[sflag:s0] =	ssyncadd.s32 $0xFFFFE000  }
0x80: {  	_ =	swait.ge [sflag:s2], $0x2000  }
0x81: {  	s8 =	smov.u32 s13;
	[sflag:s2] =	ssyncset.done $0x0  }
0x82: {  	s6 =	sshra.s32 s6, $0x2;
	[sflag:s2] =	ssyncadd.s32 $0xFFFFE000  }
0x83: {  	[tilespmem:s21], [sflag:$0x1] =	stream.indirect.gather [hbm4b:s5+s26], $0x40, s6, s26, $0xb8;
	[tilespmem:$0x1C000] =	vst v63  }
0x84: {  	s8 =	sadd.s32 $0x80, s6  }
0x85: {  	[tilespmem:s28], [sflag:$0x2] =	stream.indirect.gather [hbm4b:s5+s26], $0x40, s8, s26, $0xb8;
	[tilespmem:$0x1C000] =	vst v63  }
0x86: {  	s14 =	sadd.s32 $0x100, s6  }
0x87: {  	[tilespmem:s29], [sflag:$0x3] =	stream.indirect.gather [hbm4b:s5+s26], $0x40, s14, s26, $0xb8;
	[tilespmem:$0x1C000] =	vst v63  }
0x88: {  	s13 =	sadd.s32 $0x180, s6  }
0x89: {  	[tilespmem:s30], [sflag:$0x4] =	stream.indirect.gather [hbm4b:s5+s26], $0x40, s13, s26, $0xb8;
	[tilespmem:$0x1C000] =	vst v63  }
0x8a: {  	_ =	swait.ge [sflag:s22], $0x2000  }
0x8b: {  	[sflag:s22] =	ssyncset.done $0x0  }
0x8c: {  	s14 =	sadd.s32 $0x5000, s6;
	[sflag:s22] =	ssyncadd.s32 $0xFFFFE000  }
0x8d: {  	[spmem:s3] =	stream.indirect.scatter.add.f32 [tilespmem:s21], [sflag:$0x5], $0x40, s14, s26, $0xb8;
	[tilespmem:$0x1C000] =	vst v63  }
0x8e: {  	_ =	swait.ge [sflag:s23], $0x2000  }
0x8f: {  	[sflag:s23] =	ssyncset.done $0x0  }
0x90: {  	s13 =	sadd.s32 $0x5080, s6;
	[sflag:s23] =	ssyncadd.s32 $0xFFFFE000  }
0x91: {  	[spmem:s3] =	stream.indirect.scatter.add.f32 [tilespmem:s28], [sflag:$0x6], $0x40, s13, s26, $0xb8;
	[tilespmem:$0x1C000] =	vst v63  }
0x92: {  	_ =	swait.ge [sflag:s24], $0x2000  }
0x93: {  	[sflag:s24] =	ssyncset.done $0x0  }
0x94: {  	s14 =	sadd.s32 $0x5100, s6;
	[sflag:s24] =	ssyncadd.s32 $0xFFFFE000  }
0x95: {  	[spmem:s3] =	stream.indirect.scatter.add.f32 [tilespmem:s29], [sflag:$0x7], $0x40, s14, s26, $0xb8;
	[tilespmem:$0x1C000] =	vst v63  }
0x96: {  	_ =	swait.ge [sflag:s25], $0x2000  }
0x97: {  	[sflag:s25] =	ssyncset.done $0x0  }
0x98: {  	s6 =	sadd.s32 $0x5180, s6;
	[sflag:s25] =	ssyncadd.s32 $0xFFFFE000  }
0x99: {  	[spmem:s3] =	stream.indirect.scatter.add.f32 [tilespmem:s30], [sflag:$0x8], $0x40, s6, s26, $0xb8;
	[tilespmem:$0x1C000] =	vst v63  }
0x9a: {  	_ =	swait.ge [sflag:s31], $0x2000  }
0x9b: {  	[sflag:s31] =	ssyncset.done $0x0  }
0x9c: {  	[sflag:s31] =	ssyncadd.s32 $0xFFFFE000  }
0x9d: {  	_ =	swait.ge [sflag:s1], $0x2000  }
0x9e: {  	[sflag:s1] =	ssyncset.done $0x0  }
0x9f: {  	[sflag:s1] =	ssyncadd.s32 $0xFFFFE000  }
0xa0: {  	_ =	swait.ge [sflag:s0], $0x2000  }
0xa1: {  	[sflag:s0] =	ssyncset.done $0x0  }
0xa2: {  	[sflag:s0] =	ssyncadd.s32 $0xFFFFE000  }
0xa3: {  	_ =	swait.ge [sflag:s2], $0x2000  }
0xa4: {  	[sflag:s2] =	ssyncset.done $0x0  }
0xa5: {  	[sflag:s2] =	ssyncadd.s32 $0xFFFFE000  }
0xa6: {  	[bflag:$0x0] =	sbarrier.arrive $0xFFFF  }
0xa7: {  	[tilespmem:s21], [sflag:$0x1] =	stream.linear.gather [spmem:s7], $0x2000, $0x38;
	[tilespmem:$0x1C000] =	vst v63  }
0xa8: {  	_ = 	snop  }
0xa9: {  	[tilespmem:s28], [sflag:$0x2] =	stream.linear.gather [spmem:s9], $0x2000, $0x38;
	[tilespmem:$0x1C000] =	vst v63  }
0xaa: {  	_ = 	snop  }
0xab: {  	[tilespmem:s29], [sflag:$0x3] =	stream.linear.gather [spmem:s10], $0x2000, $0x38;
	[tilespmem:$0x1C000] =	vst v63  }
0xac: {  	_ = 	snop  }
0xad: {  	[tilespmem:s30], [sflag:$0x4] =	stream.linear.gather [spmem:s11], $0x2000, $0x38;
	[tilespmem:$0x1C000] =	vst v63  }
0xae: {  	_ =	swait.ge [sflag:s22], $0x2000  }
0xaf: {  	[sflag:s22] =	ssyncset.done $0x0  }
0xb0: {  	s13 =	rddreg [dreg:$0x6];
	[sflag:s22] =	ssyncadd.s32 $0xFFFFE000  }
0xb1: {  	[hbm4b:s13+s4] =	stream.linear.scatter [tilespmem:s21], [sflag:$0x5], $0x2000, $0x38;
	[tilespmem:$0x1C000] =	vst v63  }
0xb2: {  	_ =	swait.ge [sflag:s23], $0x2000  }
0xb3: {  	[sflag:s23] =	ssyncset.done $0x0  }
0xb4: {  	s14 =	rddreg [dreg:$0x7];
	[sflag:s23] =	ssyncadd.s32 $0xFFFFE000  }
0xb5: {  	[hbm4b:s14+s4] =	stream.linear.scatter [tilespmem:s28], [sflag:$0x6], $0x2000, $0x38;
	[tilespmem:$0x1C000] =	vst v63  }
0xb6: {  	_ =	swait.ge [sflag:s24], $0x2000  }
0xb7: {  	[sflag:s24] =	ssyncset.done $0x0  }
0xb8: {  	[sflag:s24] =	ssyncadd.s32 $0xFFFFE000  }
0xb9: {  	[hbm4b:s15+s4] =	stream.linear.scatter [tilespmem:s29], [sflag:$0x7], $0x2000, $0x38;
	[tilespmem:$0x1C000] =	vst v63  }
0xba: {  	_ =	swait.ge [sflag:s25], $0x2000  }
0xbb: {  	[sflag:s25] =	ssyncset.done $0x0  }
0xbc: {  	[sflag:s25] =	ssyncadd.s32 $0xFFFFE000  }
0xbd: {  	[hbm4b:s16+s4] =	stream.linear.scatter [tilespmem:s30], [sflag:$0x8], $0x2000, $0x38;
	[tilespmem:$0x1C000] =	vst v63  }
0xbe: {  	_ =	swait.ge [sflag:s31], $0x2000  }
0xbf: {  	[sflag:s31] =	ssyncset.done $0x0  }
0xc0: {  	[sflag:s31] =	ssyncadd.s32 $0xFFFFE000  }
0xc1: {  	_ =	swait.ge [sflag:s1], $0x2000  }
0xc2: {  	[sflag:s1] =	ssyncset.done $0x0  }
0xc3: {  	[sflag:s1] =	ssyncadd.s32 $0xFFFFE000  }
0xc4: {  	_ =	swait.ge [sflag:s0], $0x2000  }
0xc5: {  	[sflag:s0] =	ssyncset.done $0x0  }
0xc6: {  	[sflag:s0] =	ssyncadd.s32 $0xFFFFE000  }
0xc7: {  	_ =	swait.ge [sflag:s2], $0x2000  }
0xc8: {  	[sflag:s2] =	ssyncset.done $0x0  }
0xc9: {  	[sflag:s2] =	ssyncadd.s32 $0xFFFFE000  }
0xca: {  	[tilespmem:s21], [sflag:$0x1] =	stream.linear.gather [spmem:s12], $0x2000, $0x38;
	[tilespmem:$0x1C000] =	vst v63  }
0xcb: {  	s20 =	sadd.s32 $0x1, s20;
	_ =	swait.ge [sflag:s22], $0x2000  }
0xcc: {  	p0 =	sne.s32 s20, s18;
	[sflag:s22] =	ssyncset.done $0x0  }
.Ltmp1:
0xcd: {  	[sflag:s22] =	ssyncadd.s32 $0xFFFFE000;
	(pc) =	sbr.rel @p0 .LBB2_1-.Ltmp1, $4  }
0xce: {  	[hbm4b:s17+s4] =	stream.linear.scatter [tilespmem:s21], [sflag:$0x5], $0x2000, $0x38;
	[tilespmem:$0x1C000] =	vst v63  }
0xcf: {  	_ =	swait.ge [sflag:s31], $0x2000  }
0xd0: {  	[sflag:s31] =	ssyncset.done $0x0  }
0xd1: {  	[sflag:s31] =	ssyncadd.s32 $0xFFFFE000  }
0xd2: {  	_ =	sfence.sel $0x180000  }
0xd3: {  	[bflag:$0x0] =	sbarrier.arrive $0xFFFF  }
0xd4: {  	_ =	strace $0x9000004A  }
0xd5: {  	s0 =	stileid.u32;
	[bflag:$0x2] =	sbarrier.arrive $0xFFFF  }
0xd6: {  	p0 =	sne.s32 s0, $0x0;
	s0 =	rddreg [dreg:$0x3]  }
0xd7: {  	s0 =	sadd.s32 @!p0 $0x100000, s0  }
0xd8: {  	[sflag:s0] =	ssyncadd.tile.s32 @!p0 $0x1;
	_ =	shalt  }
.Lfunc_end2:
_tile_overlayer_lowered:
.L_overlay_start_2:
0xd9: {  	(tag) =	ssettag $0x2  }
0xda: {  	s0 =	rddreg [dreg:$0x0];
	s2 =	stileid.u32  }
0xdb: {  	s1 =	rddreg [dreg:$0x1];
	p0 =	sne.s32 s2, $0x0  }
0xdc: {  	s3 =	rddreg [dreg:$0x2];
	[bflag:$0x3] =	sbarrier.arrive $0xFFFF;
	s2 =	simm.s32 @!p0 $0x1C09  }
0xdd: {  	[timem:s3], [sflag:s2] =	dma.local @!p0 [hbm:s0], s1  }
0xde: {  	s0 =	simm.s32 @!p0 $0x9  }
0xdf: {  	_ =	swait.ge @!p0 [sflag:s0], s1  }
0xe0: {  	s1 =	ssub.s32 @!p0 $0x0, s1;
	[sflag:s0] =	ssyncset.done @!p0 $0x0  }
0xe1: {  	[sflag:s0] =	ssyncadd.s32 @!p0 s1  }
0xe2: {  	[bflag:$0x3] =	sbarrier.arrive $0xFFFF  }
0xe3: {  	_ =	shalt  }

// kernel: kernel.19.cloned.1.call-start
scs
__scs_entry_jumppad:
0x0: {  	(pc) =	sbr.rel $0x88, $3  }
0x1: {  	(tag) =	ssettag $0x0;
	lr =	simm.s32 $0x1  }
0x2: {  	[smem:$0x3F90] =	sst lr;
	_ =	strace $0xD0000000  }
0x3: {  	_ = 	snop  }
0x4: {  	_ = 	snop  }
0x5: {  	_ = 	snop  }
0x6: {  	_ = 	snop  }
0x7: {  	_ = 	snop  }
__scs_overlays_trampoline_lowered:
0x8: {  	[smem:$0x3F9F] =	sst s0  }
0x9: {  	[smem:$0x3FA0] =	sst s1  }
0xa: {  	[smem:$0x3FA1] =	sst s2  }
0xb: {  	[smem:$0x3FA2] =	sst s3  }
0xc: {  	[smem:$0x3FA3] =	sst s4  }
0xd: {  	[smem:$0x3FA4] =	sst s5  }
0xe: {  	[smem:$0x3FA5] =	sst s6  }
0xf: {  	[smem:$0x3FA6] =	sst s7  }
0x10: {  	[smem:$0x3FA7] =	sst s8  }
0x11: {  	[smem:$0x3FA8] =	sst s9;
	s0 =	simm.s32 @!p0 $0x0  }
0x12: {  	s1 =	sld [smem:$0x3F8E];
	s0 =	simm.s32 @p0 $0x1  }
0x13: {  	[smem:$0x3FA9] =	sst s0;
	s0 =	simm.s32 @!p1 $0x0  }
0x14: {  	s2 =	sld [smem:$0x3F8D];
	s0 =	simm.s32 @p1 $0x1  }
0x15: {  	[smem:$0x3FAA] =	sst s0;
	s0 =	simm.s32 @!p2 $0x0  }
0x16: {  	s3 =	sld [smem:$0x3FDB];
	s0 =	simm.s32 @p2 $0x1  }
0x17: {  	s4 =	simm.s32 $0x1BF5;
	[smem:$0x3FAC] =	sst s0  }
0x18: {  	s0 =	sld [smem:$0x3F8F];
	_ =	swait.ge [sflag:s4], $0x0  }
0x19: {  	s7 =	sld [smem:$0x3F90]  }
0x1a: {  	s8 =	sadd.s32 $0xFFFFE003, lr  }
0x1b: {  	s9 =	sadd.s32 $0xFFFFFEF7, lr;
	s5 =	simm.s32 $0xFFFFFFFF;
	p2 =	slt.u32 s8, $0xFFFFF086  }
0x1c: {  	p1 =	slt.u32 s9, $0xF7A;
	s5 =	simm.s32 @!p2 $0x0  }
0x1d: {  	s5 =	simm.s32 @p1 $0x1;
	p0 =	seq.s32 s7, s2  }
0x1e: {  	s7 =	smul.u32 @!p0 $0xF7A, s2;
	p2 =	seq.s32 @!p0 s5, $0x0  }
0x1f: {  	s9 =	smul.u32 $0xF7A, s1;
	s8 =	simm.s32 @!p0 $0x1BF5;
	p2 =	por !p2, p0  }
0x20: {  	[sflag:s8] =	ssyncset.s32 @!p0 $0xFFFFF086;
	s6 =	sadd.s32 @!p0 s3, s7;
	s7 =	simm.s32 @!p0 $0x108  }
0x21: {  	s3 =	sadd.s32 s3, s9;
	s6 =	sadd.s32 @!p0 $0x88, s6;
	s7 =	simm.s32 @p2 $0x1082  }
0x22: {  	[simem:s7], [sflag:s8] =	dma.local @!p0 [hbm:s6], $0xF7A  }
0x23: {  	s9 =	sor.u32 $0xD0000000, s2;
	s6 =	simm.s32 $0x108;
	_ =	swait.ge @!p0 [sflag:s8], $0x0  }
0x24: {  	s3 =	sadd.s32 $0x88, s3;
	s6 =	simm.s32 @!p1 $0x1082;
	[sflag:s4] =	ssyncset.s32 $0xFFFFF086  }
0x25: {  	[simem:s6], [sflag:s4] =	dma.local [hbm:s3], $0xF7A  }
0x26: {  	[smem:$0x3F90] =	sst s1;
	(tag) =	ssettag s2;
	_ =	strace s9  }
0x27: {  	s1 =	sld [smem:$0x3FA0]  }
0x28: {  	s2 =	sld [smem:$0x3FA1]  }
0x29: {  	s4 =	sld [smem:$0x3FA3]  }
0x2a: {  	p0 =	seq.s32 s5, $0x0;
	s5 =	sld [smem:$0x3FA4]  }
0x2b: {  	s6 =	sld [smem:$0x3FA5]  }
0x2c: {  	s7 =	sld [smem:$0x3FA6]  }
0x2d: {  	s3 =	simm.s32 $0x108;
	s8 =	sld [smem:$0x3FA7]  }
0x2e: {  	s3 =	simm.s32 @!p0 $0x1082;
	s9 =	sld [smem:$0x3FA8]  }
0x2f: {  	lr =	sadd.s32 s0, s3;
	s0 =	sld [smem:$0x3F9F]  }
0x30: {  	s3 =	sld [smem:$0x3FA2]  }
0x31: {  	[smem:$0x3FAB] =	sst s10  }
0x32: {  	s10 =	sld [smem:$0x3FA9];
	_ =	sdelay $0x3  }
0x33: {  	p0 =	seq.s32 s10, $0x1;
	s10 =	sld [smem:$0x3FAB];
	_ =	sdelay $0x3  }
0x34: {  	[smem:$0x3FAB] =	sst s10  }
0x35: {  	s10 =	sld [smem:$0x3FAA];
	_ =	sdelay $0x3  }
0x36: {  	p1 =	seq.s32 s10, $0x1;
	s10 =	sld [smem:$0x3FAB];
	_ =	sdelay $0x3  }
0x37: {  	[smem:$0x3FAB] =	sst s10  }
0x38: {  	s10 =	sld [smem:$0x3FAC]  }
0x39: {  	_ = 	snop;
	(pc) =	sbr.ind lr, $3  }
0x3a: {  	_ = 	snop  }
0x3b: {  	_ = 	snop  }
0x3c: {  	p2 =	seq.s32 s10, $0x1;
	s10 =	sld [smem:$0x3FAB]  }
0x3d: {  	_ =	shalt  }
0x3e: {  	_ =	shalt  }
0x3f: {  	_ =	shalt  }
0x40: {  	_ =	shalt  }
0x41: {  	_ =	shalt  }
0x42: {  	_ =	shalt  }
0x43: {  	_ =	shalt  }
0x44: {  	_ =	shalt  }
0x45: {  	_ =	shalt  }
0x46: {  	_ =	shalt  }
0x47: {  	_ =	shalt  }
0x48: {  	_ =	shalt  }
0x49: {  	_ =	shalt  }
0x4a: {  	_ =	shalt  }
0x4b: {  	_ =	shalt  }
0x4c: {  	_ =	shalt  }
0x4d: {  	_ =	shalt  }
0x4e: {  	_ =	shalt  }
0x4f: {  	_ =	shalt  }
0x50: {  	_ =	shalt  }
0x51: {  	_ =	shalt  }
0x52: {  	_ =	shalt  }
0x53: {  	_ =	shalt  }
0x54: {  	_ =	shalt  }
0x55: {  	_ =	shalt  }
0x56: {  	_ =	shalt  }
0x57: {  	_ =	shalt  }
0x58: {  	_ =	shalt  }
0x59: {  	_ =	shalt  }
0x5a: {  	_ =	shalt  }
0x5b: {  	_ =	shalt  }
0x5c: {  	_ =	shalt  }
0x5d: {  	_ =	shalt  }
0x5e: {  	_ =	shalt  }
0x5f: {  	_ =	shalt  }
0x60: {  	_ =	shalt  }
0x61: {  	_ =	shalt  }
0x62: {  	_ =	shalt  }
0x63: {  	_ =	shalt  }
0x64: {  	_ =	shalt  }
0x65: {  	_ =	shalt  }
0x66: {  	_ =	shalt  }
0x67: {  	_ =	shalt  }
0x68: {  	_ =	shalt  }
0x69: {  	_ =	shalt  }
0x6a: {  	_ =	shalt  }
0x6b: {  	_ =	shalt  }
0x6c: {  	_ =	shalt  }
0x6d: {  	_ =	shalt  }
0x6e: {  	_ =	shalt  }
0x6f: {  	_ =	shalt  }
0x70: {  	_ =	shalt  }
0x71: {  	_ =	shalt  }
0x72: {  	_ =	shalt  }
0x73: {  	_ =	shalt  }
0x74: {  	_ =	shalt  }
0x75: {  	_ =	shalt  }
0x76: {  	_ =	shalt  }
0x77: {  	_ =	shalt  }
0x78: {  	_ =	shalt  }
0x79: {  	_ =	shalt  }
0x7a: {  	_ =	shalt  }
0x7b: {  	_ =	shalt  }
0x7c: {  	_ =	shalt  }
0x7d: {  	_ =	shalt  }
0x7e: {  	_ =	shalt  }
0x7f: {  	_ =	shalt  }
0x80: {  	_ =	shalt  }
0x81: {  	_ =	shalt  }
0x82: {  	_ =	shalt  }
0x83: {  	_ =	shalt  }
0x84: {  	_ =	shalt  }
0x85: {  	_ =	shalt  }
0x86: {  	_ =	shalt  }
0x87: {  	_ =	shalt  }
.Lfunc_end0:
.L_simem_size_0:
called_computation.2_lowered:
.L_overlay_start_0:
0x88: {  	s2 =	sld [smem:$0x3FD9]  }
0x89: {  	s3 =	sld [smem:$0x3FFE];
	_ =	sdelay $0x1  }
0x8a: {  	s1 =	srdreg.scid  }
0x8b: {  	s0 =	sand.u32 $0x1, s1  }
0x8c: {  	s17 =	sshll.u32 s0, $0xA;
	s2 =	sadd.s32 s3, s2  }
0x8d: {  	s2 =	sadd.s32 s2, s17  }
0x8e: {  	[smem:$0x3FB7] =	sst s2  }
0x8f: {  	_ = 	snop  }
0x90: {  	s2 =	sld [smem:$0x3FD0];
	(tm) =	ssettm $0x1  }
0x91: {  	s18 =	sld [smem:$0x3FFB];
	_ =	sdelay $0x3  }
0x92: {  	_ =	strace s18  }
0x93: {  	s3 =	sld [smem:$0x3FFC];
	_ =	sdelay $0x3  }
0x94: {  	_ =	strace s3  }
0x95: {  	s3 =	sld [smem:$0x3FFD];
	_ =	sdelay $0x3  }
0x96: {  	_ =	strace s3  }
0x97: {  	_ =	strace $0x8FFFFFFF  }
0x98: {  	s19 =	sld [smem:$0x3FDB];
	_ =	sdelay $0x1  }
0x99: {  	s4 =	simm.s32 $_scs_section_size  }
0x9a: {  	s5 =	simm.s32 $_size__tile_overlayer_lowered;
	s6 =	simm.s32 $_tile_overlayer_lowered  }
0x9b: {  	s22 =	simm.s32 $0x1BFF;
	s21 =	sshll.u32 s6, $0x1;
	s3 =	sadd.s32 s4, s19  }
0x9c: {  	s7 =	simm.s32 $0x0;
	s20 =	sshll.u32 s5, $0x1;
	s5 =	sadd.s32 s21, s3  }
0x9d: {  	[timem:s7], [sflag:s22] =	dma.local [hbm:s5], s20  }
0x9e: {  	_ =	swait.ge [sflag:s22], s20  }
0x9f: {  	s4 =	ssub.s32 $0x0, s20;
	[sflag:s22] =	ssyncset.done $0x0  }
0xa0: {  	[sflag:s22] =	ssyncadd.s32 s4;
	_ =	sdelay $0x1  }
0xa1: {  	s23 =	simm.s32 $0x1B8B  }
0xa2: {  	_ =	swait.ge [sflag:s23], $0x1  }
0xa3: {  	[sflag:s23] =	ssyncset.done $0x0  }
0xa4: {  	s25 =	simm.s32 $0x1B8E;
	s24 =	sld [smem:$0x3FFE];
	[sflag:s23] =	ssyncadd.s32 $0xFFFFFFFF  }
0xa5: {  	s26 =	simm.s32 $execute0_lowered;
	[smem:$0x3FD2] =	sst s25  }
0xa6: {  	s5 =	sshll.u32 s26, $0x1;
	_ =	strace $0x8000004C;
	[dreg:$0x1] =	wrdreg $0xFFFFFFFF  }
0xa7: {  	s28 =	simm.s32 $_size_execute0_lowered;
	s3 =	sadd.s32 s3, s5;
	[dreg:$0x0] =	wrdreg $0x0  }
0xa8: {  	s5 =	sshll.u32 s28, $0x1;
	[dreg:$0x2] =	wrdreg s3  }
0xa9: {  	[dreg:$0x3] =	wrdreg s5  }
0xaa: {  	[dreg:$0x4] =	wrdreg $0xC0  }
0xab: {  	_ =	task [dreg:s7], $0x5FFFF  }
0xac: {  	[dreg:$0x1] =	wrdreg $0xFFFFFFFF  }
0xad: {  	[dreg:$0x0] =	wrdreg $0x60  }
0xae: {  	[dreg:$0x2] =	wrdreg s24  }
0xaf: {  	[dreg:$0x3] =	wrdreg s2  }
0xb0: {  	[dreg:$0x4] =	wrdreg $0x120000  }
0xb1: {  	[dreg:$0x5] =	wrdreg $0x9  }
0xb2: {  	_ =	task.clear_ibuf [dreg:s7], $0x6FFFF;
	_ =	strace $0x9000004C  }
0xb3: {  	s29 =	simm.s32 $0x9;
	_ =	strace $0x8000004E  }
0xb4: {  	_ =	swait.ge [sflag:s29], $0x1  }
0xb5: {  	[sflag:s29] =	ssyncadd.s32 $0xFFFFFFFF  }
0xb6: {  	_ =	strace $0x9000004E  }
0xb7: {  	_ =	sfence  }
0xb8: {  	s30 =	sld [smem:$0x0];
	_ =	sdelay $0x2  }
0xb9: {  	s31 =	sshll.u32 s1, $0xD;
	s1 =	sshrl.u32 s1, $0x2  }
0xba: {  	s3 =	sand.u32 $0x4000, s31;
	s1 =	sadd.s32 s1, s30  }
0xbb: {  	s0 =	sor.u32 s3, s0;
	s1 =	sshll.u32 s1, $0x11  }
0xbc: {  	s0 =	sor.u32 s1, s0  }
0xbd: {  	s0 =	sadd.s32 $0x8F2B, s0  }
0xbe: {  	[sflag:s0] =	ssyncadd.remote.s32 $0x1  }
0xbf: {  	_ =	sfence.sel $0xFFFF  }
0xc0: {  	[dreg:$0x0] =	wrdreg $0xFFFFFFFF;
	(pc) =	sbr.abs _section_cstart, $3  }
0xc1: {  	[dreg:$0x1] =	wrdreg $0xFFFFFFFF  }
0xc2: {  	_ =	task.clear_ibuf [dreg:s7], $0x2FFFF;
	_ =	strace $0x9FFFFFFF  }
0xc3: {  	(tm) =	ssettm $0x7FFFFFFF  }
tec
execute0_lowered:
.L_overlay_start_1:
0x0: {  	(tag) =	ssettag $0x1  }
0x1: {  	s0 =	srdreg.scid  }
0x2: {  	s1 =	rddreg [dreg:$0x0];
	s9 =	stileid.u32  }
0x3: {  	s3 =	rddreg [dreg:$0x2];
	s4 =	simm.s32 $0x0;
	s19 =	simm.s32 $0x9  }
0x4: {  	s21 =	simm.s32 $0xA000;
	s28 =	simm.s32 $0xC000;
	s29 =	simm.s32 $0xE000  }
0x5: {  	s30 =	simm.s32 $0x10000;
	s31 =	simm.s32 $0x5;
	s6 =	smul.u32 $0x280, s9  }
0x6: {  	s20 =	simm.s32 $0x0;
	s0 =	sand.u32 $0x1, s0;
	s8 =	smul.u32 $0xA00, s9  }
0x7: {  	[smem:$0x7FF] =	sst s4;
	s5 =	sadd.s32 $0x7AA00, s1;
	s22 =	smul.u32 $0x28000, s9  }
0x8: {  	s2 =	sshll.u32 s0, $0x4;
	s7 =	smul.u32 $0x2800, s0;
	_ =	strace $0x8000004D  }
0x9: {  	s0 =	ssub.s32 $0x2, s0;
	s2 =	sor.u32 s9, s2;
	s8 =	sadd.s32 s8, s1  }
0xa: {  	s23 =	sshrl.u32 s0, $0x1;
	s2 =	smul.u32 $0xA00, s2;
	s6 =	sadd.s32 s6, s7  }
0xb: {  	s7 =	sshrl.u32 s22, $0x2;
	s0 =	ssub.s32 s0, s23;
	s24 =	sadd.s32 $0x4200, s8  }
0xc: {  	s22 =	simm.s32 $0x1;
	s23 =	simm.s32 $0x2;
	s6 =	sshll.u32 s6, $0x3  }
0xd: {  	s7 =	sadd.s32 s7, s3;
	[dreg:$0x5] =	wrdreg s24;
	s18 =	smax.u32 s0, $0x1  }
0xe: {  	s24 =	simm.s32 $0x3;
	s0 =	simm.s32 $0x7;
	s2 =	sadd.s32 s2, s1  }
0xf: {  	s1 =	sadd.s32 s6, s1;
	s9 =	sadd.s32 $0x2000, s7;
	s10 =	sadd.s32 $0x4000, s7  }
0x10: {  	s11 =	sadd.s32 $0x6000, s7;
	s12 =	sadd.s32 $0x8000, s7;
	s2 =	sadd.s32 $0x18800, s2  }
0x11: {  	s25 =	sadd.s32 $0xA1C00, s1;
	s26 =	sadd.s32 $0xA2000, s1;
	[dreg:$0x4] =	wrdreg s2  }
0x12: {  	s15 =	sadd.s32 $0xA2400, s1;
	s16 =	sadd.s32 $0xA2800, s1;
	[dreg:$0x6] =	wrdreg s25  }
0x13: {  	s17 =	sadd.s32 $0xA2C00, s1;
	s1 =	simm.s32 $0x6;
	[dreg:$0x7] =	wrdreg s26  }
0x14: {  	s25 =	simm.s32 $0x4;
	s26 =	simm.s32 $0x80;
	s2 =	simm.s32 $0x8  }
.LBB2_1:
0x15: {  	s6 =	rddreg [dreg:$0x4]  }
0x16: {  	[tilespmem:s4], [sflag:$0x9] =	stream.linear.gather [hbm4b:s6+s4], $0x5000, $0x38;
	[tilespmem:$0x1C000] =	vst v63  }
0x17: {  	_ =	swait.ge [sflag:s19], $0x5000  }
0x18: {  	[sflag:s19] =	ssyncset.done $0x0  }
0x19: {  	s8 =	simm.s32 $0x5000;
	s14 =	rddreg [dreg:$0x5];
	[sflag:s19] =	ssyncadd.s32 $0xFFFFB000  }
0x1a: {  	[tilespmem:s8], [sflag:$0x9] =	stream.linear.gather [hbm4b:s14+s4], $0x5000, $0x38;
	[tilespmem:$0x1C000] =	vst v63  }
0x1b: {  	_ =	swait.ge [sflag:s19], $0x5000  }
0x1c: {  	[sflag:s19] =	ssyncset.done $0x0  }
0x1d: {  	[sflag:s19] =	ssyncadd.s32 $0xFFFFB000  }
0x1e: {  	s8 =	rddreg [dreg:$0x1]  }
0x1f: {  	[tilespmem:s21], [sflag:$0x9] =	stream.linear.gather [hbm4b:s8+s4], $0x2000, $0x38;
	[tilespmem:$0x1C000] =	vst v63  }
0x20: {  	_ =	swait.ge [sflag:s19], $0x2000  }
0x21: {  	[sflag:s19] =	ssyncset.done $0x0  }
0x22: {  	[sflag:s19] =	ssyncadd.s32 $0xFFFFE000  }
0x23: {  	[spmem:s7] =	stream.linear.scatter [tilespmem:s21], [sflag:$0x1], $0x2000, $0x38;
	[tilespmem:$0x1C000] =	vst v63  }
0x24: {  	_ = 	snop  }
0x25: {  	[spmem:s9] =	stream.linear.scatter [tilespmem:s21], [sflag:$0x2], $0x2000, $0x38;
	[tilespmem:$0x1C000] =	vst v63  }
0x26: {  	_ = 	snop  }
0x27: {  	[spmem:s10] =	stream.linear.scatter [tilespmem:s21], [sflag:$0x3], $0x2000, $0x38;
	[tilespmem:$0x1C000] =	vst v63  }
0x28: {  	_ = 	snop  }
0x29: {  	[spmem:s11] =	stream.linear.scatter [tilespmem:s21], [sflag:$0x4], $0x2000, $0x38;
	[tilespmem:$0x1C000] =	vst v63  }
0x2a: {  	_ = 	snop  }
0x2b: {  	[spmem:s12] =	stream.linear.scatter [tilespmem:s21], [sflag:$0x1], $0x2000, $0x38;
	[tilespmem:$0x1C000] =	vst v63  }
0x2c: {  	_ =	swait.ge [sflag:s22], $0x2000  }
0x2d: {  	[sflag:s22] =	ssyncset.done $0x0  }
0x2e: {  	[sflag:s22] =	ssyncadd.s32 $0xFFFFE000  }
0x2f: {  	_ =	swait.ge [sflag:s23], $0x2000  }
0x30: {  	[sflag:s23] =	ssyncset.done $0x0  }
0x31: {  	[sflag:s23] =	ssyncadd.s32 $0xFFFFE000  }
0x32: {  	_ =	swait.ge [sflag:s24], $0x2000  }
0x33: {  	[sflag:s24] =	ssyncset.done $0x0  }
0x34: {  	[sflag:s24] =	ssyncadd.s32 $0xFFFFE000  }
0x35: {  	_ =	swait.ge [sflag:s25], $0x2000  }
0x36: {  	[sflag:s25] =	ssyncset.done $0x0  }
0x37: {  	[sflag:s25] =	ssyncadd.s32 $0xFFFFE000  }
0x38: {  	_ =	swait.ge [sflag:s22], $0x2000  }
0x39: {  	[sflag:s22] =	ssyncset.done $0x0  }
0x3a: {  	[sflag:s22] =	ssyncadd.s32 $0xFFFFE000  }
0x3b: {  	s13 =	simm.s32 $0x0;
	[bflag:$0x0] =	sbarrier.arrive $0xFFFF  }
0x3c: {  	[tilespmem:s21], [sflag:$0x1] =	stream.indirect.gather [hbm4b:s5+s26], $0x40, s13, s26, $0xb8;
	[tilespmem:$0x1C000] =	vst v63  }
0x3d: {  	s14 =	simm.s32 $0x80  }
0x3e: {  	[tilespmem:s28], [sflag:$0x2] =	stream.indirect.gather [hbm4b:s5+s26], $0x40, s14, s26, $0xb8;
	[tilespmem:$0x1C000] =	vst v63  }
0x3f: {  	s8 =	simm.s32 $0x100  }
0x40: {  	[tilespmem:s29], [sflag:$0x3] =	stream.indirect.gather [hbm4b:s5+s26], $0x40, s8, s26, $0xb8;
	[tilespmem:$0x1C000] =	vst v63  }
0x41: {  	s13 =	simm.s32 $0x180  }
0x42: {  	[tilespmem:s30], [sflag:$0x4] =	stream.indirect.gather [hbm4b:s5+s26], $0x40, s13, s26, $0xb8;
	[tilespmem:$0x1C000] =	vst v63  }
0x43: {  	_ =	swait.ge [sflag:s22], $0x2000  }
0x44: {  	[sflag:s22] =	ssyncset.done $0x0  }
0x45: {  	s14 =	simm.s32 $0x5000;
	[sflag:s22] =	ssyncadd.s32 $0xFFFFE000  }
0x46: {  	[spmem:s3] =	stream.indirect.scatter.add.f32 [tilespmem:s21], [sflag:$0x5], $0x40, s14, s26, $0xb8;
	[tilespmem:$0x1C000] =	vst v63  }
0x47: {  	_ =	swait.ge [sflag:s23], $0x2000  }
0x48: {  	[sflag:s23] =	ssyncset.done $0x0  }
0x49: {  	s8 =	simm.s32 $0x5080;
	[sflag:s23] =	ssyncadd.s32 $0xFFFFE000  }
0x4a: {  	[spmem:s3] =	stream.indirect.scatter.add.f32 [tilespmem:s28], [sflag:$0x6], $0x40, s8, s26, $0xb8;
	[tilespmem:$0x1C000] =	vst v63  }
0x4b: {  	_ =	swait.ge [sflag:s24], $0x2000  }
0x4c: {  	[sflag:s24] =	ssyncset.done $0x0  }
0x4d: {  	s13 =	simm.s32 $0x5100;
	[sflag:s24] =	ssyncadd.s32 $0xFFFFE000  }
0x4e: {  	[spmem:s3] =	stream.indirect.scatter.add.f32 [tilespmem:s29], [sflag:$0x7], $0x40, s13, s26, $0xb8;
	[tilespmem:$0x1C000] =	vst v63  }
0x4f: {  	_ =	swait.ge [sflag:s25], $0x2000  }
0x50: {  	[sflag:s25] =	ssyncset.done $0x0  }
0x51: {  	s14 =	simm.s32 $0x5180;
	[sflag:s25] =	ssyncadd.s32 $0xFFFFE000  }
0x52: {  	[spmem:s3] =	stream.indirect.scatter.add.f32 [tilespmem:s30], [sflag:$0x8], $0x40, s14, s26, $0xb8;
	[tilespmem:$0x1C000] =	vst v63  }
0x53: {  	_ =	swait.ge [sflag:s31], $0x2000  }
0x54: {  	[sflag:s31] =	ssyncset.done $0x0  }
0x55: {  	[sflag:s31] =	ssyncadd.s32 $0xFFFFE000  }
0x56: {  	_ =	swait.ge [sflag:s1], $0x2000  }
0x57: {  	[sflag:s1] =	ssyncset.done $0x0  }
0x58: {  	[sflag:s1] =	ssyncadd.s32 $0xFFFFE000  }
0x59: {  	_ =	swait.ge [sflag:s0], $0x2000  }
0x5a: {  	[sflag:s0] =	ssyncset.done $0x0  }
0x5b: {  	[sflag:s0] =	ssyncadd.s32 $0xFFFFE000  }
0x5c: {  	_ =	swait.ge [sflag:s2], $0x2000  }
0x5d: {  	s6 =	simm.s32 $0x800;
	s8 =	simm.s32 $0x1000;
	[sflag:s2] =	ssyncset.done $0x0  }
.LBB2_2:
0x5e: {  	s14 =	sshra.s32 s6, $0x2  }
0x5f: {  	[sflag:s2] =	ssyncadd.s32 $0xFFFFE000;
	s6 =	smov.u32 s8;
	s13 =	sadd.s32 $0x800, s8  }
0x60: {  	[tilespmem:s21], [sflag:$0x1] =	stream.indirect.gather [hbm4b:s5+s26], $0x40, s14, s26, $0xb8;
	[tilespmem:$0x1C000] =	vst v63  }
0x61: {  	p0 =	sne.s32 s8, $0x13800;
	s8 =	sadd.s32 $0x80, s14  }
0x62: {  	[tilespmem:s28], [sflag:$0x2] =	stream.indirect.gather [hbm4b:s5+s26], $0x40, s8, s26, $0xb8;
	[tilespmem:$0x1C000] =	vst v63  }
0x63: {  	s8 =	sadd.s32 $0x100, s14  }
0x64: {  	[tilespmem:s29], [sflag:$0x3] =	stream.indirect.gather [hbm4b:s5+s26], $0x40, s8, s26, $0xb8;
	[tilespmem:$0x1C000] =	vst v63  }
0x65: {  	s8 =	sadd.s32 $0x180, s14  }
0x66: {  	[tilespmem:s30], [sflag:$0x4] =	stream.indirect.gather [hbm4b:s5+s26], $0x40, s8, s26, $0xb8;
	[tilespmem:$0x1C000] =	vst v63  }
0x67: {  	_ =	swait.ge [sflag:s22], $0x2000  }
0x68: {  	[sflag:s22] =	ssyncset.done $0x0  }
0x69: {  	s8 =	sadd.s32 $0x5000, s14;
	[sflag:s22] =	ssyncadd.s32 $0xFFFFE000  }
0x6a: {  	[spmem:s3] =	stream.indirect.scatter.add.f32 [tilespmem:s21], [sflag:$0x5], $0x40, s8, s26, $0xb8;
	[tilespmem:$0x1C000] =	vst v63  }
0x6b: {  	_ =	swait.ge [sflag:s23], $0x2000  }
0x6c: {  	[sflag:s23] =	ssyncset.done $0x0  }
0x6d: {  	s8 =	sadd.s32 $0x5080, s14;
	[sflag:s23] =	ssyncadd.s32 $0xFFFFE000  }
0x6e: {  	[spmem:s3] =	stream.indirect.scatter.add.f32 [tilespmem:s28], [sflag:$0x6], $0x40, s8, s26, $0xb8;
	[tilespmem:$0x1C000] =	vst v63  }
0x6f: {  	_ =	swait.ge [sflag:s24], $0x2000  }
0x70: {  	[sflag:s24] =	ssyncset.done $0x0  }
0x71: {  	s8 =	sadd.s32 $0x5100, s14;
	[sflag:s24] =	ssyncadd.s32 $0xFFFFE000  }
0x72: {  	[spmem:s3] =	stream.indirect.scatter.add.f32 [tilespmem:s29], [sflag:$0x7], $0x40, s8, s26, $0xb8;
	[tilespmem:$0x1C000] =	vst v63  }
0x73: {  	_ =	swait.ge [sflag:s25], $0x2000  }
0x74: {  	[sflag:s25] =	ssyncset.done $0x0  }
0x75: {  	s8 =	sadd.s32 $0x5180, s14;
	[sflag:s25] =	ssyncadd.s32 $0xFFFFE000  }
0x76: {  	[spmem:s3] =	stream.indirect.scatter.add.f32 [tilespmem:s30], [sflag:$0x8], $0x40, s8, s26, $0xb8;
	[tilespmem:$0x1C000] =	vst v63  }
0x77: {  	_ =	swait.ge [sflag:s31], $0x2000  }
0x78: {  	[sflag:s31] =	ssyncset.done $0x0  }
0x79: {  	[sflag:s31] =	ssyncadd.s32 $0xFFFFE000  }
0x7a: {  	_ =	swait.ge [sflag:s1], $0x2000  }
0x7b: {  	[sflag:s1] =	ssyncset.done $0x0  }
0x7c: {  	[sflag:s1] =	ssyncadd.s32 $0xFFFFE000  }
.Ltmp0:
0x7d: {  	_ =	swait.ge [sflag:s0], $0x2000;
	(pc) =	sbr.rel @p0 .LBB2_2-.Ltmp0, $4  }
0x7e: {  	[sflag:s0] =	ssyncset.done $0x0  }
0x7f: {  	[sflag:s0] =	ssyncadd.s32 $0xFFFFE000  }
0x80: {  	_ =	swait.ge [sflag:s2], $0x2000  }
0x81: {  	s8 =	smov.u32 s13;
	[sflag:s2] =	ssyncset.done $0x0  }
0x82: {  	s6 =	sshra.s32 s6, $0x2;
	[sflag:s2] =	ssyncadd.s32 $0xFFFFE000  }
0x83: {  	[tilespmem:s21], [sflag:$0x1] =	stream.indirect.gather [hbm4b:s5+s26], $0x40, s6, s26, $0xb8;
	[tilespmem:$0x1C000] =	vst v63  }
0x84: {  	s8 =	sadd.s32 $0x80, s6  }
0x85: {  	[tilespmem:s28], [sflag:$0x2] =	stream.indirect.gather [hbm4b:s5+s26], $0x40, s8, s26, $0xb8;
	[tilespmem:$0x1C000] =	vst v63  }
0x86: {  	s14 =	sadd.s32 $0x100, s6  }
0x87: {  	[tilespmem:s29], [sflag:$0x3] =	stream.indirect.gather [hbm4b:s5+s26], $0x40, s14, s26, $0xb8;
	[tilespmem:$0x1C000] =	vst v63  }
0x88: {  	s13 =	sadd.s32 $0x180, s6  }
0x89: {  	[tilespmem:s30], [sflag:$0x4] =	stream.indirect.gather [hbm4b:s5+s26], $0x40, s13, s26, $0xb8;
	[tilespmem:$0x1C000] =	vst v63  }
0x8a: {  	_ =	swait.ge [sflag:s22], $0x2000  }
0x8b: {  	[sflag:s22] =	ssyncset.done $0x0  }
0x8c: {  	s14 =	sadd.s32 $0x5000, s6;
	[sflag:s22] =	ssyncadd.s32 $0xFFFFE000  }
0x8d: {  	[spmem:s3] =	stream.indirect.scatter.add.f32 [tilespmem:s21], [sflag:$0x5], $0x40, s14, s26, $0xb8;
	[tilespmem:$0x1C000] =	vst v63  }
0x8e: {  	_ =	swait.ge [sflag:s23], $0x2000  }
0x8f: {  	[sflag:s23] =	ssyncset.done $0x0  }
0x90: {  	s13 =	sadd.s32 $0x5080, s6;
	[sflag:s23] =	ssyncadd.s32 $0xFFFFE000  }
0x91: {  	[spmem:s3] =	stream.indirect.scatter.add.f32 [tilespmem:s28], [sflag:$0x6], $0x40, s13, s26, $0xb8;
	[tilespmem:$0x1C000] =	vst v63  }
0x92: {  	_ =	swait.ge [sflag:s24], $0x2000  }
0x93: {  	[sflag:s24] =	ssyncset.done $0x0  }
0x94: {  	s14 =	sadd.s32 $0x5100, s6;
	[sflag:s24] =	ssyncadd.s32 $0xFFFFE000  }
0x95: {  	[spmem:s3] =	stream.indirect.scatter.add.f32 [tilespmem:s29], [sflag:$0x7], $0x40, s14, s26, $0xb8;
	[tilespmem:$0x1C000] =	vst v63  }
0x96: {  	_ =	swait.ge [sflag:s25], $0x2000  }
0x97: {  	[sflag:s25] =	ssyncset.done $0x0  }
0x98: {  	s6 =	sadd.s32 $0x5180, s6;
	[sflag:s25] =	ssyncadd.s32 $0xFFFFE000  }
0x99: {  	[spmem:s3] =	stream.indirect.scatter.add.f32 [tilespmem:s30], [sflag:$0x8], $0x40, s6, s26, $0xb8;
	[tilespmem:$0x1C000] =	vst v63  }
0x9a: {  	_ =	swait.ge [sflag:s31], $0x2000  }
0x9b: {  	[sflag:s31] =	ssyncset.done $0x0  }
0x9c: {  	[sflag:s31] =	ssyncadd.s32 $0xFFFFE000  }
0x9d: {  	_ =	swait.ge [sflag:s1], $0x2000  }
0x9e: {  	[sflag:s1] =	ssyncset.done $0x0  }
0x9f: {  	[sflag:s1] =	ssyncadd.s32 $0xFFFFE000  }
0xa0: {  	_ =	swait.ge [sflag:s0], $0x2000  }
0xa1: {  	[sflag:s0] =	ssyncset.done $0x0  }
0xa2: {  	[sflag:s0] =	ssyncadd.s32 $0xFFFFE000  }
0xa3: {  	_ =	swait.ge [sflag:s2], $0x2000  }
0xa4: {  	[sflag:s2] =	ssyncset.done $0x0  }
0xa5: {  	[sflag:s2] =	ssyncadd.s32 $0xFFFFE000  }
0xa6: {  	[bflag:$0x0] =	sbarrier.arrive $0xFFFF  }
0xa7: {  	[tilespmem:s21], [sflag:$0x1] =	stream.linear.gather [spmem:s7], $0x2000, $0x38;
	[tilespmem:$0x1C000] =	vst v63  }
0xa8: {  	_ = 	snop  }
0xa9: {  	[tilespmem:s28], [sflag:$0x2] =	stream.linear.gather [spmem:s9], $0x2000, $0x38;
	[tilespmem:$0x1C000] =	vst v63  }
0xaa: {  	_ = 	snop  }
0xab: {  	[tilespmem:s29], [sflag:$0x3] =	stream.linear.gather [spmem:s10], $0x2000, $0x38;
	[tilespmem:$0x1C000] =	vst v63  }
0xac: {  	_ = 	snop  }
0xad: {  	[tilespmem:s30], [sflag:$0x4] =	stream.linear.gather [spmem:s11], $0x2000, $0x38;
	[tilespmem:$0x1C000] =	vst v63  }
0xae: {  	_ =	swait.ge [sflag:s22], $0x2000  }
0xaf: {  	[sflag:s22] =	ssyncset.done $0x0  }
0xb0: {  	s13 =	rddreg [dreg:$0x6];
	[sflag:s22] =	ssyncadd.s32 $0xFFFFE000  }
0xb1: {  	[hbm4b:s13+s4] =	stream.linear.scatter [tilespmem:s21], [sflag:$0x5], $0x2000, $0x38;
	[tilespmem:$0x1C000] =	vst v63  }
0xb2: {  	_ =	swait.ge [sflag:s23], $0x2000  }
0xb3: {  	[sflag:s23] =	ssyncset.done $0x0  }
0xb4: {  	s14 =	rddreg [dreg:$0x7];
	[sflag:s23] =	ssyncadd.s32 $0xFFFFE000  }
0xb5: {  	[hbm4b:s14+s4] =	stream.linear.scatter [tilespmem:s28], [sflag:$0x6], $0x2000, $0x38;
	[tilespmem:$0x1C000] =	vst v63  }
0xb6: {  	_ =	swait.ge [sflag:s24], $0x2000  }
0xb7: {  	[sflag:s24] =	ssyncset.done $0x0  }
0xb8: {  	[sflag:s24] =	ssyncadd.s32 $0xFFFFE000  }
0xb9: {  	[hbm4b:s15+s4] =	stream.linear.scatter [tilespmem:s29], [sflag:$0x7], $0x2000, $0x38;
	[tilespmem:$0x1C000] =	vst v63  }
0xba: {  	_ =	swait.ge [sflag:s25], $0x2000  }
0xbb: {  	[sflag:s25] =	ssyncset.done $0x0  }
0xbc: {  	[sflag:s25] =	ssyncadd.s32 $0xFFFFE000  }
0xbd: {  	[hbm4b:s16+s4] =	stream.linear.scatter [tilespmem:s30], [sflag:$0x8], $0x2000, $0x38;
	[tilespmem:$0x1C000] =	vst v63  }
0xbe: {  	_ =	swait.ge [sflag:s31], $0x2000  }
0xbf: {  	[sflag:s31] =	ssyncset.done $0x0  }
0xc0: {  	[sflag:s31] =	ssyncadd.s32 $0xFFFFE000  }
0xc1: {  	_ =	swait.ge [sflag:s1], $0x2000  }
0xc2: {  	[sflag:s1] =	ssyncset.done $0x0  }
0xc3: {  	[sflag:s1] =	ssyncadd.s32 $0xFFFFE000  }
0xc4: {  	_ =	swait.ge [sflag:s0], $0x2000  }
0xc5: {  	[sflag:s0] =	ssyncset.done $0x0  }
0xc6: {  	[sflag:s0] =	ssyncadd.s32 $0xFFFFE000  }
0xc7: {  	_ =	swait.ge [sflag:s2], $0x2000  }
0xc8: {  	[sflag:s2] =	ssyncset.done $0x0  }
0xc9: {  	[sflag:s2] =	ssyncadd.s32 $0xFFFFE000  }
0xca: {  	[tilespmem:s21], [sflag:$0x1] =	stream.linear.gather [spmem:s12], $0x2000, $0x38;
	[tilespmem:$0x1C000] =	vst v63  }
0xcb: {  	s20 =	sadd.s32 $0x1, s20;
	_ =	swait.ge [sflag:s22], $0x2000  }
0xcc: {  	p0 =	sne.s32 s20, s18;
	[sflag:s22] =	ssyncset.done $0x0  }
.Ltmp1:
0xcd: {  	[sflag:s22] =	ssyncadd.s32 $0xFFFFE000;
	(pc) =	sbr.rel @p0 .LBB2_1-.Ltmp1, $4  }
0xce: {  	[hbm4b:s17+s4] =	stream.linear.scatter [tilespmem:s21], [sflag:$0x5], $0x2000, $0x38;
	[tilespmem:$0x1C000] =	vst v63  }
0xcf: {  	_ =	swait.ge [sflag:s31], $0x2000  }
0xd0: {  	[sflag:s31] =	ssyncset.done $0x0  }
0xd1: {  	[sflag:s31] =	ssyncadd.s32 $0xFFFFE000  }
0xd2: {  	_ =	sfence.sel $0x180000  }
0xd3: {  	[bflag:$0x0] =	sbarrier.arrive $0xFFFF  }
0xd4: {  	_ =	strace $0x9000004D  }
0xd5: {  	s0 =	stileid.u32;
	[bflag:$0x2] =	sbarrier.arrive $0xFFFF  }
0xd6: {  	p0 =	sne.s32 s0, $0x0;
	s0 =	rddreg [dreg:$0x3]  }
0xd7: {  	s0 =	sadd.s32 @!p0 $0x100000, s0  }
0xd8: {  	[sflag:s0] =	ssyncadd.tile.s32 @!p0 $0x1;
	_ =	shalt  }
.Lfunc_end2:
_tile_overlayer_lowered:
.L_overlay_start_2:
0xd9: {  	(tag) =	ssettag $0x2  }
0xda: {  	s0 =	rddreg [dreg:$0x0];
	s2 =	stileid.u32  }
0xdb: {  	s1 =	rddreg [dreg:$0x1];
	p0 =	sne.s32 s2, $0x0  }
0xdc: {  	s3 =	rddreg [dreg:$0x2];
	[bflag:$0x3] =	sbarrier.arrive $0xFFFF;
	s2 =	simm.s32 @!p0 $0x1C09  }
0xdd: {  	[timem:s3], [sflag:s2] =	dma.local @!p0 [hbm:s0], s1  }
0xde: {  	s0 =	simm.s32 @!p0 $0x9  }
0xdf: {  	_ =	swait.ge @!p0 [sflag:s0], s1  }
0xe0: {  	s1 =	ssub.s32 @!p0 $0x0, s1;
	[sflag:s0] =	ssyncset.done @!p0 $0x0  }
0xe1: {  	[sflag:s0] =	ssyncadd.s32 @!p0 s1  }
0xe2: {  	[bflag:$0x3] =	sbarrier.arrive $0xFFFF  }
0xe3: {  	_ =	shalt  }

// kernel: kernel.22.cloned.1.call-start
scs
__scs_entry_jumppad:
0x0: {  	(pc) =	sbr.rel $0x88, $3  }
0x1: {  	(tag) =	ssettag $0x0;
	lr =	simm.s32 $0x1  }
0x2: {  	[smem:$0x3F90] =	sst lr;
	_ =	strace $0xD0000000  }
0x3: {  	_ = 	snop  }
0x4: {  	_ = 	snop  }
0x5: {  	_ = 	snop  }
0x6: {  	_ = 	snop  }
0x7: {  	_ = 	snop  }
__scs_overlays_trampoline_lowered:
0x8: {  	[smem:$0x3F9F] =	sst s0  }
0x9: {  	[smem:$0x3FA0] =	sst s1  }
0xa: {  	[smem:$0x3FA1] =	sst s2  }
0xb: {  	[smem:$0x3FA2] =	sst s3  }
0xc: {  	[smem:$0x3FA3] =	sst s4  }
0xd: {  	[smem:$0x3FA4] =	sst s5  }
0xe: {  	[smem:$0x3FA5] =	sst s6  }
0xf: {  	[smem:$0x3FA6] =	sst s7  }
0x10: {  	[smem:$0x3FA7] =	sst s8  }
0x11: {  	[smem:$0x3FA8] =	sst s9;
	s0 =	simm.s32 @!p0 $0x0  }
0x12: {  	s1 =	sld [smem:$0x3F8E];
	s0 =	simm.s32 @p0 $0x1  }
0x13: {  	[smem:$0x3FA9] =	sst s0;
	s0 =	simm.s32 @!p1 $0x0  }
0x14: {  	s2 =	sld [smem:$0x3F8D];
	s0 =	simm.s32 @p1 $0x1  }
0x15: {  	[smem:$0x3FAA] =	sst s0;
	s0 =	simm.s32 @!p2 $0x0  }
0x16: {  	s3 =	sld [smem:$0x3FDB];
	s0 =	simm.s32 @p2 $0x1  }
0x17: {  	s4 =	simm.s32 $0x1BF5;
	[smem:$0x3FAC] =	sst s0  }
0x18: {  	s0 =	sld [smem:$0x3F8F];
	_ =	swait.ge [sflag:s4], $0x0  }
0x19: {  	s7 =	sld [smem:$0x3F90]  }
0x1a: {  	s8 =	sadd.s32 $0xFFFFE003, lr  }
0x1b: {  	s9 =	sadd.s32 $0xFFFFFEF7, lr;
	s5 =	simm.s32 $0xFFFFFFFF;
	p2 =	slt.u32 s8, $0xFFFFF086  }
0x1c: {  	p1 =	slt.u32 s9, $0xF7A;
	s5 =	simm.s32 @!p2 $0x0  }
0x1d: {  	s5 =	simm.s32 @p1 $0x1;
	p0 =	seq.s32 s7, s2  }
0x1e: {  	s7 =	smul.u32 @!p0 $0xF7A, s2;
	p2 =	seq.s32 @!p0 s5, $0x0  }
0x1f: {  	s9 =	smul.u32 $0xF7A, s1;
	s8 =	simm.s32 @!p0 $0x1BF5;
	p2 =	por !p2, p0  }
0x20: {  	[sflag:s8] =	ssyncset.s32 @!p0 $0xFFFFF086;
	s6 =	sadd.s32 @!p0 s3, s7;
	s7 =	simm.s32 @!p0 $0x108  }
0x21: {  	s3 =	sadd.s32 s3, s9;
	s6 =	sadd.s32 @!p0 $0x88, s6;
	s7 =	simm.s32 @p2 $0x1082  }
0x22: {  	[simem:s7], [sflag:s8] =	dma.local @!p0 [hbm:s6], $0xF7A  }
0x23: {  	s9 =	sor.u32 $0xD0000000, s2;
	s6 =	simm.s32 $0x108;
	_ =	swait.ge @!p0 [sflag:s8], $0x0  }
0x24: {  	s3 =	sadd.s32 $0x88, s3;
	s6 =	simm.s32 @!p1 $0x1082;
	[sflag:s4] =	ssyncset.s32 $0xFFFFF086  }
0x25: {  	[simem:s6], [sflag:s4] =	dma.local [hbm:s3], $0xF7A  }
0x26: {  	[smem:$0x3F90] =	sst s1;
	(tag) =	ssettag s2;
	_ =	strace s9  }
0x27: {  	s1 =	sld [smem:$0x3FA0]  }
0x28: {  	s2 =	sld [smem:$0x3FA1]  }
0x29: {  	s4 =	sld [smem:$0x3FA3]  }
0x2a: {  	p0 =	seq.s32 s5, $0x0;
	s5 =	sld [smem:$0x3FA4]  }
0x2b: {  	s6 =	sld [smem:$0x3FA5]  }
0x2c: {  	s7 =	sld [smem:$0x3FA6]  }
0x2d: {  	s3 =	simm.s32 $0x108;
	s8 =	sld [smem:$0x3FA7]  }
0x2e: {  	s3 =	simm.s32 @!p0 $0x1082;
	s9 =	sld [smem:$0x3FA8]  }
0x2f: {  	lr =	sadd.s32 s0, s3;
	s0 =	sld [smem:$0x3F9F]  }
0x30: {  	s3 =	sld [smem:$0x3FA2]  }
0x31: {  	[smem:$0x3FAB] =	sst s10  }
0x32: {  	s10 =	sld [smem:$0x3FA9];
	_ =	sdelay $0x3  }
0x33: {  	p0 =	seq.s32 s10, $0x1;
	s10 =	sld [smem:$0x3FAB];
	_ =	sdelay $0x3  }
0x34: {  	[smem:$0x3FAB] =	sst s10  }
0x35: {  	s10 =	sld [smem:$0x3FAA];
	_ =	sdelay $0x3  }
0x36: {  	p1 =	seq.s32 s10, $0x1;
	s10 =	sld [smem:$0x3FAB];
	_ =	sdelay $0x3  }
0x37: {  	[smem:$0x3FAB] =	sst s10  }
0x38: {  	s10 =	sld [smem:$0x3FAC]  }
0x39: {  	_ = 	snop;
	(pc) =	sbr.ind lr, $3  }
0x3a: {  	_ = 	snop  }
0x3b: {  	_ = 	snop  }
0x3c: {  	p2 =	seq.s32 s10, $0x1;
	s10 =	sld [smem:$0x3FAB]  }
0x3d: {  	_ =	shalt  }
0x3e: {  	_ =	shalt  }
0x3f: {  	_ =	shalt  }
0x40: {  	_ =	shalt  }
0x41: {  	_ =	shalt  }
0x42: {  	_ =	shalt  }
0x43: {  	_ =	shalt  }
0x44: {  	_ =	shalt  }
0x45: {  	_ =	shalt  }
0x46: {  	_ =	shalt  }
0x47: {  	_ =	shalt  }
0x48: {  	_ =	shalt  }
0x49: {  	_ =	shalt  }
0x4a: {  	_ =	shalt  }
0x4b: {  	_ =	shalt  }
0x4c: {  	_ =	shalt  }
0x4d: {  	_ =	shalt  }
0x4e: {  	_ =	shalt  }
0x4f: {  	_ =	shalt  }
0x50: {  	_ =	shalt  }
0x51: {  	_ =	shalt  }
0x52: {  	_ =	shalt  }
0x53: {  	_ =	shalt  }
0x54: {  	_ =	shalt  }
0x55: {  	_ =	shalt  }
0x56: {  	_ =	shalt  }
0x57: {  	_ =	shalt  }
0x58: {  	_ =	shalt  }
0x59: {  	_ =	shalt  }
0x5a: {  	_ =	shalt  }
0x5b: {  	_ =	shalt  }
0x5c: {  	_ =	shalt  }
0x5d: {  	_ =	shalt  }
0x5e: {  	_ =	shalt  }
0x5f: {  	_ =	shalt  }
0x60: {  	_ =	shalt  }
0x61: {  	_ =	shalt  }
0x62: {  	_ =	shalt  }
0x63: {  	_ =	shalt  }
0x64: {  	_ =	shalt  }
0x65: {  	_ =	shalt  }
0x66: {  	_ =	shalt  }
0x67: {  	_ =	shalt  }
0x68: {  	_ =	shalt  }
0x69: {  	_ =	shalt  }
0x6a: {  	_ =	shalt  }
0x6b: {  	_ =	shalt  }
0x6c: {  	_ =	shalt  }
0x6d: {  	_ =	shalt  }
0x6e: {  	_ =	shalt  }
0x6f: {  	_ =	shalt  }
0x70: {  	_ =	shalt  }
0x71: {  	_ =	shalt  }
0x72: {  	_ =	shalt  }
0x73: {  	_ =	shalt  }
0x74: {  	_ =	shalt  }
0x75: {  	_ =	shalt  }
0x76: {  	_ =	shalt  }
0x77: {  	_ =	shalt  }
0x78: {  	_ =	shalt  }
0x79: {  	_ =	shalt  }
0x7a: {  	_ =	shalt  }
0x7b: {  	_ =	shalt  }
0x7c: {  	_ =	shalt  }
0x7d: {  	_ =	shalt  }
0x7e: {  	_ =	shalt  }
0x7f: {  	_ =	shalt  }
0x80: {  	_ =	shalt  }
0x81: {  	_ =	shalt  }
0x82: {  	_ =	shalt  }
0x83: {  	_ =	shalt  }
0x84: {  	_ =	shalt  }
0x85: {  	_ =	shalt  }
0x86: {  	_ =	shalt  }
0x87: {  	_ =	shalt  }
.Lfunc_end0:
.L_simem_size_0:
called_computation.3_lowered:
.L_overlay_start_0:
0x88: {  	s2 =	sld [smem:$0x3FD9]  }
0x89: {  	s3 =	sld [smem:$0x3FFE];
	_ =	sdelay $0x1  }
0x8a: {  	s1 =	srdreg.scid  }
0x8b: {  	s0 =	sand.u32 $0x1, s1  }
0x8c: {  	s17 =	sshll.u32 s0, $0xA;
	s2 =	sadd.s32 s3, s2  }
0x8d: {  	s2 =	sadd.s32 s2, s17  }
0x8e: {  	[smem:$0x3FB7] =	sst s2  }
0x8f: {  	_ = 	snop  }
0x90: {  	s2 =	sld [smem:$0x3FD0];
	(tm) =	ssettm $0x1  }
0x91: {  	s18 =	sld [smem:$0x3FFB];
	_ =	sdelay $0x3  }
0x92: {  	_ =	strace s18  }
0x93: {  	s3 =	sld [smem:$0x3FFC];
	_ =	sdelay $0x3  }
0x94: {  	_ =	strace s3  }
0x95: {  	s3 =	sld [smem:$0x3FFD];
	_ =	sdelay $0x3  }
0x96: {  	_ =	strace s3  }
0x97: {  	_ =	strace $0x8FFFFFFF  }
0x98: {  	s19 =	sld [smem:$0x3FDB];
	_ =	sdelay $0x1  }
0x99: {  	s4 =	simm.s32 $_scs_section_size  }
0x9a: {  	s5 =	simm.s32 $_size__tile_overlayer_lowered;
	s6 =	simm.s32 $_tile_overlayer_lowered  }
0x9b: {  	s22 =	simm.s32 $0x1BFF;
	s21 =	sshll.u32 s6, $0x1;
	s3 =	sadd.s32 s4, s19  }
0x9c: {  	s7 =	simm.s32 $0x0;
	s20 =	sshll.u32 s5, $0x1;
	s5 =	sadd.s32 s21, s3  }
0x9d: {  	[timem:s7], [sflag:s22] =	dma.local [hbm:s5], s20  }
0x9e: {  	_ =	swait.ge [sflag:s22], s20  }
0x9f: {  	s4 =	ssub.s32 $0x0, s20;
	[sflag:s22] =	ssyncset.done $0x0  }
0xa0: {  	[sflag:s22] =	ssyncadd.s32 s4;
	_ =	sdelay $0x1  }
0xa1: {  	s23 =	simm.s32 $0x1B8B  }
0xa2: {  	_ =	swait.ge [sflag:s23], $0x1  }
0xa3: {  	[sflag:s23] =	ssyncset.done $0x0  }
0xa4: {  	s25 =	simm.s32 $0x1B8E;
	s24 =	sld [smem:$0x3FFE];
	[sflag:s23] =	ssyncadd.s32 $0xFFFFFFFF  }
0xa5: {  	s26 =	simm.s32 $execute0_lowered;
	[smem:$0x3FD2] =	sst s25  }
0xa6: {  	s5 =	sshll.u32 s26, $0x1;
	_ =	strace $0x8000004F;
	[dreg:$0x1] =	wrdreg $0xFFFFFFFF  }
0xa7: {  	s28 =	simm.s32 $_size_execute0_lowered;
	s3 =	sadd.s32 s3, s5;
	[dreg:$0x0] =	wrdreg $0x0  }
0xa8: {  	s5 =	sshll.u32 s28, $0x1;
	[dreg:$0x2] =	wrdreg s3  }
0xa9: {  	[dreg:$0x3] =	wrdreg s5  }
0xaa: {  	[dreg:$0x4] =	wrdreg $0xC0  }
0xab: {  	_ =	task [dreg:s7], $0x5FFFF  }
0xac: {  	[dreg:$0x1] =	wrdreg $0xFFFFFFFF  }
0xad: {  	[dreg:$0x0] =	wrdreg $0x60  }
0xae: {  	[dreg:$0x2] =	wrdreg s24  }
0xaf: {  	[dreg:$0x3] =	wrdreg s2  }
0xb0: {  	[dreg:$0x4] =	wrdreg $0x120000  }
0xb1: {  	[dreg:$0x5] =	wrdreg $0x9  }
0xb2: {  	_ =	task.clear_ibuf [dreg:s7], $0x6FFFF;
	_ =	strace $0x9000004F  }
0xb3: {  	s29 =	simm.s32 $0x9;
	_ =	strace $0x80000051  }
0xb4: {  	_ =	swait.ge [sflag:s29], $0x1  }
0xb5: {  	[sflag:s29] =	ssyncadd.s32 $0xFFFFFFFF  }
0xb6: {  	_ =	strace $0x90000051  }
0xb7: {  	_ =	sfence  }
0xb8: {  	s30 =	sld [smem:$0x0];
	_ =	sdelay $0x2  }
0xb9: {  	s31 =	sshll.u32 s1, $0xD;
	s1 =	sshrl.u32 s1, $0x2  }
0xba: {  	s3 =	sand.u32 $0x4000, s31;
	s1 =	sadd.s32 s1, s30  }
0xbb: {  	s0 =	sor.u32 s3, s0;
	s1 =	sshll.u32 s1, $0x11  }
0xbc: {  	s0 =	sor.u32 s1, s0  }
0xbd: {  	s0 =	sadd.s32 $0x8F2B, s0  }
0xbe: {  	[sflag:s0] =	ssyncadd.remote.s32 $0x1  }
0xbf: {  	_ =	sfence.sel $0xFFFF  }
0xc0: {  	[dreg:$0x0] =	wrdreg $0xFFFFFFFF;
	(pc) =	sbr.abs _section_cstart, $3  }
0xc1: {  	[dreg:$0x1] =	wrdreg $0xFFFFFFFF  }
0xc2: {  	_ =	task.clear_ibuf [dreg:s7], $0x2FFFF;
	_ =	strace $0x9FFFFFFF  }
0xc3: {  	(tm) =	ssettm $0x7FFFFFFF  }
tec
execute0_lowered:
.L_overlay_start_1:
0x0: {  	(tag) =	ssettag $0x1  }
0x1: {  	s0 =	srdreg.scid  }
0x2: {  	s1 =	rddreg [dreg:$0x0];
	s9 =	stileid.u32  }
0x3: {  	s3 =	rddreg [dreg:$0x2];
	s4 =	simm.s32 $0x0;
	s19 =	simm.s32 $0x9  }
0x4: {  	s21 =	simm.s32 $0xA000;
	s28 =	simm.s32 $0xC000;
	s29 =	simm.s32 $0xE000  }
0x5: {  	s30 =	simm.s32 $0x10000;
	s31 =	simm.s32 $0x5;
	s6 =	smul.u32 $0x280, s9  }
0x6: {  	s20 =	simm.s32 $0x0;
	s0 =	sand.u32 $0x1, s0;
	s8 =	smul.u32 $0xA00, s9  }
0x7: {  	[smem:$0x7FF] =	sst s4;
	s5 =	sadd.s32 $0x7AA00, s1;
	s22 =	smul.u32 $0x28000, s9  }
0x8: {  	s2 =	sshll.u32 s0, $0x4;
	s7 =	smul.u32 $0x2800, s0;
	_ =	strace $0x80000050  }
0x9: {  	s0 =	ssub.s32 $0x2, s0;
	s2 =	sor.u32 s9, s2;
	s8 =	sadd.s32 s8, s1  }
0xa: {  	s23 =	sshrl.u32 s0, $0x1;
	s2 =	smul.u32 $0xA00, s2;
	s6 =	sadd.s32 s6, s7  }
0xb: {  	s7 =	sshrl.u32 s22, $0x2;
	s0 =	ssub.s32 s0, s23;
	s24 =	sadd.s32 $0x4200, s8  }
0xc: {  	s22 =	simm.s32 $0x1;
	s23 =	simm.s32 $0x2;
	s6 =	sshll.u32 s6, $0x3  }
0xd: {  	s7 =	sadd.s32 s7, s3;
	[dreg:$0x5] =	wrdreg s24;
	s18 =	smax.u32 s0, $0x1  }
0xe: {  	s24 =	simm.s32 $0x3;
	s0 =	simm.s32 $0x7;
	s2 =	sadd.s32 s2, s1  }
0xf: {  	s1 =	sadd.s32 s6, s1;
	s9 =	sadd.s32 $0x2000, s7;
	s10 =	sadd.s32 $0x4000, s7  }
0x10: {  	s11 =	sadd.s32 $0x6000, s7;
	s12 =	sadd.s32 $0x8000, s7;
	s2 =	sadd.s32 $0x18800, s2  }
0x11: {  	s25 =	sadd.s32 $0xA1C00, s1;
	s26 =	sadd.s32 $0xA2000, s1;
	[dreg:$0x4] =	wrdreg s2  }
0x12: {  	s15 =	sadd.s32 $0xA2400, s1;
	s16 =	sadd.s32 $0xA2800, s1;
	[dreg:$0x6] =	wrdreg s25  }
0x13: {  	s17 =	sadd.s32 $0xA2C00, s1;
	s1 =	simm.s32 $0x6;
	[dreg:$0x7] =	wrdreg s26  }
0x14: {  	s25 =	simm.s32 $0x4;
	s26 =	simm.s32 $0x80;
	s2 =	simm.s32 $0x8  }
.LBB2_1:
0x15: {  	s6 =	rddreg [dreg:$0x4]  }
0x16: {  	[tilespmem:s4], [sflag:$0x9] =	stream.linear.gather [hbm4b:s6+s4], $0x5000, $0x38;
	[tilespmem:$0x1C000] =	vst v63  }
0x17: {  	_ =	swait.ge [sflag:s19], $0x5000  }
0x18: {  	[sflag:s19] =	ssyncset.done $0x0  }
0x19: {  	s8 =	simm.s32 $0x5000;
	s14 =	rddreg [dreg:$0x5];
	[sflag:s19] =	ssyncadd.s32 $0xFFFFB000  }
0x1a: {  	[tilespmem:s8], [sflag:$0x9] =	stream.linear.gather [hbm4b:s14+s4], $0x5000, $0x38;
	[tilespmem:$0x1C000] =	vst v63  }
0x1b: {  	_ =	swait.ge [sflag:s19], $0x5000  }
0x1c: {  	[sflag:s19] =	ssyncset.done $0x0  }
0x1d: {  	[sflag:s19] =	ssyncadd.s32 $0xFFFFB000  }
0x1e: {  	s8 =	rddreg [dreg:$0x1]  }
0x1f: {  	[tilespmem:s21], [sflag:$0x9] =	stream.linear.gather [hbm4b:s8+s4], $0x2000, $0x38;
	[tilespmem:$0x1C000] =	vst v63  }
0x20: {  	_ =	swait.ge [sflag:s19], $0x2000  }
0x21: {  	[sflag:s19] =	ssyncset.done $0x0  }
0x22: {  	[sflag:s19] =	ssyncadd.s32 $0xFFFFE000  }
0x23: {  	[spmem:s7] =	stream.linear.scatter [tilespmem:s21], [sflag:$0x1], $0x2000, $0x38;
	[tilespmem:$0x1C000] =	vst v63  }
0x24: {  	_ = 	snop  }
0x25: {  	[spmem:s9] =	stream.linear.scatter [tilespmem:s21], [sflag:$0x2], $0x2000, $0x38;
	[tilespmem:$0x1C000] =	vst v63  }
0x26: {  	_ = 	snop  }
0x27: {  	[spmem:s10] =	stream.linear.scatter [tilespmem:s21], [sflag:$0x3], $0x2000, $0x38;
	[tilespmem:$0x1C000] =	vst v63  }
0x28: {  	_ = 	snop  }
0x29: {  	[spmem:s11] =	stream.linear.scatter [tilespmem:s21], [sflag:$0x4], $0x2000, $0x38;
	[tilespmem:$0x1C000] =	vst v63  }
0x2a: {  	_ = 	snop  }
0x2b: {  	[spmem:s12] =	stream.linear.scatter [tilespmem:s21], [sflag:$0x1], $0x2000, $0x38;
	[tilespmem:$0x1C000] =	vst v63  }
0x2c: {  	_ =	swait.ge [sflag:s22], $0x2000  }
0x2d: {  	[sflag:s22] =	ssyncset.done $0x0  }
0x2e: {  	[sflag:s22] =	ssyncadd.s32 $0xFFFFE000  }
0x2f: {  	_ =	swait.ge [sflag:s23], $0x2000  }
0x30: {  	[sflag:s23] =	ssyncset.done $0x0  }
0x31: {  	[sflag:s23] =	ssyncadd.s32 $0xFFFFE000  }
0x32: {  	_ =	swait.ge [sflag:s24], $0x2000  }
0x33: {  	[sflag:s24] =	ssyncset.done $0x0  }
0x34: {  	[sflag:s24] =	ssyncadd.s32 $0xFFFFE000  }
0x35: {  	_ =	swait.ge [sflag:s25], $0x2000  }
0x36: {  	[sflag:s25] =	ssyncset.done $0x0  }
0x37: {  	[sflag:s25] =	ssyncadd.s32 $0xFFFFE000  }
0x38: {  	_ =	swait.ge [sflag:s22], $0x2000  }
0x39: {  	[sflag:s22] =	ssyncset.done $0x0  }
0x3a: {  	[sflag:s22] =	ssyncadd.s32 $0xFFFFE000  }
0x3b: {  	s13 =	simm.s32 $0x0;
	[bflag:$0x0] =	sbarrier.arrive $0xFFFF  }
0x3c: {  	[tilespmem:s21], [sflag:$0x1] =	stream.indirect.gather [hbm4b:s5+s26], $0x40, s13, s26, $0xb8;
	[tilespmem:$0x1C000] =	vst v63  }
0x3d: {  	s14 =	simm.s32 $0x80  }
0x3e: {  	[tilespmem:s28], [sflag:$0x2] =	stream.indirect.gather [hbm4b:s5+s26], $0x40, s14, s26, $0xb8;
	[tilespmem:$0x1C000] =	vst v63  }
0x3f: {  	s8 =	simm.s32 $0x100  }
0x40: {  	[tilespmem:s29], [sflag:$0x3] =	stream.indirect.gather [hbm4b:s5+s26], $0x40, s8, s26, $0xb8;
	[tilespmem:$0x1C000] =	vst v63  }
0x41: {  	s13 =	simm.s32 $0x180  }
0x42: {  	[tilespmem:s30], [sflag:$0x4] =	stream.indirect.gather [hbm4b:s5+s26], $0x40, s13, s26, $0xb8;
	[tilespmem:$0x1C000] =	vst v63  }
0x43: {  	_ =	swait.ge [sflag:s22], $0x2000  }
0x44: {  	[sflag:s22] =	ssyncset.done $0x0  }
0x45: {  	s14 =	simm.s32 $0x5000;
	[sflag:s22] =	ssyncadd.s32 $0xFFFFE000  }
0x46: {  	[spmem:s3] =	stream.indirect.scatter.add.f32 [tilespmem:s21], [sflag:$0x5], $0x40, s14, s26, $0xb8;
	[tilespmem:$0x1C000] =	vst v63  }
0x47: {  	_ =	swait.ge [sflag:s23], $0x2000  }
0x48: {  	[sflag:s23] =	ssyncset.done $0x0  }
0x49: {  	s8 =	simm.s32 $0x5080;
	[sflag:s23] =	ssyncadd.s32 $0xFFFFE000  }
0x4a: {  	[spmem:s3] =	stream.indirect.scatter.add.f32 [tilespmem:s28], [sflag:$0x6], $0x40, s8, s26, $0xb8;
	[tilespmem:$0x1C000] =	vst v63  }
0x4b: {  	_ =	swait.ge [sflag:s24], $0x2000  }
0x4c: {  	[sflag:s24] =	ssyncset.done $0x0  }
0x4d: {  	s13 =	simm.s32 $0x5100;
	[sflag:s24] =	ssyncadd.s32 $0xFFFFE000  }
0x4e: {  	[spmem:s3] =	stream.indirect.scatter.add.f32 [tilespmem:s29], [sflag:$0x7], $0x40, s13, s26, $0xb8;
	[tilespmem:$0x1C000] =	vst v63  }
0x4f: {  	_ =	swait.ge [sflag:s25], $0x2000  }
0x50: {  	[sflag:s25] =	ssyncset.done $0x0  }
0x51: {  	s14 =	simm.s32 $0x5180;
	[sflag:s25] =	ssyncadd.s32 $0xFFFFE000  }
0x52: {  	[spmem:s3] =	stream.indirect.scatter.add.f32 [tilespmem:s30], [sflag:$0x8], $0x40, s14, s26, $0xb8;
	[tilespmem:$0x1C000] =	vst v63  }
0x53: {  	_ =	swait.ge [sflag:s31], $0x2000  }
0x54: {  	[sflag:s31] =	ssyncset.done $0x0  }
0x55: {  	[sflag:s31] =	ssyncadd.s32 $0xFFFFE000  }
0x56: {  	_ =	swait.ge [sflag:s1], $0x2000  }
0x57: {  	[sflag:s1] =	ssyncset.done $0x0  }
0x58: {  	[sflag:s1] =	ssyncadd.s32 $0xFFFFE000  }
0x59: {  	_ =	swait.ge [sflag:s0], $0x2000  }
0x5a: {  	[sflag:s0] =	ssyncset.done $0x0  }
0x5b: {  	[sflag:s0] =	ssyncadd.s32 $0xFFFFE000  }
0x5c: {  	_ =	swait.ge [sflag:s2], $0x2000  }
0x5d: {  	s6 =	simm.s32 $0x800;
	s8 =	simm.s32 $0x1000;
	[sflag:s2] =	ssyncset.done $0x0  }
.LBB2_2:
0x5e: {  	s14 =	sshra.s32 s6, $0x2  }
0x5f: {  	[sflag:s2] =	ssyncadd.s32 $0xFFFFE000;
	s6 =	smov.u32 s8;
	s13 =	sadd.s32 $0x800, s8  }
0x60: {  	[tilespmem:s21], [sflag:$0x1] =	stream.indirect.gather [hbm4b:s5+s26], $0x40, s14, s26, $0xb8;
	[tilespmem:$0x1C000] =	vst v63  }
0x61: {  	p0 =	sne.s32 s8, $0x13800;
	s8 =	sadd.s32 $0x80, s14  }
0x62: {  	[tilespmem:s28], [sflag:$0x2] =	stream.indirect.gather [hbm4b:s5+s26], $0x40, s8, s26, $0xb8;
	[tilespmem:$0x1C000] =	vst v63  }
0x63: {  	s8 =	sadd.s32 $0x100, s14  }
0x64: {  	[tilespmem:s29], [sflag:$0x3] =	stream.indirect.gather [hbm4b:s5+s26], $0x40, s8, s26, $0xb8;
	[tilespmem:$0x1C000] =	vst v63  }
0x65: {  	s8 =	sadd.s32 $0x180, s14  }
0x66: {  	[tilespmem:s30], [sflag:$0x4] =	stream.indirect.gather [hbm4b:s5+s26], $0x40, s8, s26, $0xb8;
	[tilespmem:$0x1C000] =	vst v63  }
0x67: {  	_ =	swait.ge [sflag:s22], $0x2000  }
0x68: {  	[sflag:s22] =	ssyncset.done $0x0  }
0x69: {  	s8 =	sadd.s32 $0x5000, s14;
	[sflag:s22] =	ssyncadd.s32 $0xFFFFE000  }
0x6a: {  	[spmem:s3] =	stream.indirect.scatter.add.f32 [tilespmem:s21], [sflag:$0x5], $0x40, s8, s26, $0xb8;
	[tilespmem:$0x1C000] =	vst v63  }
0x6b: {  	_ =	swait.ge [sflag:s23], $0x2000  }
0x6c: {  	[sflag:s23] =	ssyncset.done $0x0  }
0x6d: {  	s8 =	sadd.s32 $0x5080, s14;
	[sflag:s23] =	ssyncadd.s32 $0xFFFFE000  }
0x6e: {  	[spmem:s3] =	stream.indirect.scatter.add.f32 [tilespmem:s28], [sflag:$0x6], $0x40, s8, s26, $0xb8;
	[tilespmem:$0x1C000] =	vst v63  }
0x6f: {  	_ =	swait.ge [sflag:s24], $0x2000  }
0x70: {  	[sflag:s24] =	ssyncset.done $0x0  }
0x71: {  	s8 =	sadd.s32 $0x5100, s14;
	[sflag:s24] =	ssyncadd.s32 $0xFFFFE000  }
0x72: {  	[spmem:s3] =	stream.indirect.scatter.add.f32 [tilespmem:s29], [sflag:$0x7], $0x40, s8, s26, $0xb8;
	[tilespmem:$0x1C000] =	vst v63  }
0x73: {  	_ =	swait.ge [sflag:s25], $0x2000  }
0x74: {  	[sflag:s25] =	ssyncset.done $0x0  }
0x75: {  	s8 =	sadd.s32 $0x5180, s14;
	[sflag:s25] =	ssyncadd.s32 $0xFFFFE000  }
0x76: {  	[spmem:s3] =	stream.indirect.scatter.add.f32 [tilespmem:s30], [sflag:$0x8], $0x40, s8, s26, $0xb8;
	[tilespmem:$0x1C000] =	vst v63  }
0x77: {  	_ =	swait.ge [sflag:s31], $0x2000  }
0x78: {  	[sflag:s31] =	ssyncset.done $0x0  }
0x79: {  	[sflag:s31] =	ssyncadd.s32 $0xFFFFE000  }
0x7a: {  	_ =	swait.ge [sflag:s1], $0x2000  }
0x7b: {  	[sflag:s1] =	ssyncset.done $0x0  }
0x7c: {  	[sflag:s1] =	ssyncadd.s32 $0xFFFFE000  }
.Ltmp0:
0x7d: {  	_ =	swait.ge [sflag:s0], $0x2000;
	(pc) =	sbr.rel @p0 .LBB2_2-.Ltmp0, $4  }
0x7e: {  	[sflag:s0] =	ssyncset.done $0x0  }
0x7f: {  	[sflag:s0] =	ssyncadd.s32 $0xFFFFE000  }
0x80: {  	_ =	swait.ge [sflag:s2], $0x2000  }
0x81: {  	s8 =	smov.u32 s13;
	[sflag:s2] =	ssyncset.done $0x0  }
0x82: {  	s6 =	sshra.s32 s6, $0x2;
	[sflag:s2] =	ssyncadd.s32 $0xFFFFE000  }
0x83: {  	[tilespmem:s21], [sflag:$0x1] =	stream.indirect.gather [hbm4b:s5+s26], $0x40, s6, s26, $0xb8;
	[tilespmem:$0x1C000] =	vst v63  }
0x84: {  	s8 =	sadd.s32 $0x80, s6  }
0x85: {  	[tilespmem:s28], [sflag:$0x2] =	stream.indirect.gather [hbm4b:s5+s26], $0x40, s8, s26, $0xb8;
	[tilespmem:$0x1C000] =	vst v63  }
0x86: {  	s14 =	sadd.s32 $0x100, s6  }
0x87: {  	[tilespmem:s29], [sflag:$0x3] =	stream.indirect.gather [hbm4b:s5+s26], $0x40, s14, s26, $0xb8;
	[tilespmem:$0x1C000] =	vst v63  }
0x88: {  	s13 =	sadd.s32 $0x180, s6  }
0x89: {  	[tilespmem:s30], [sflag:$0x4] =	stream.indirect.gather [hbm4b:s5+s26], $0x40, s13, s26, $0xb8;
	[tilespmem:$0x1C000] =	vst v63  }
0x8a: {  	_ =	swait.ge [sflag:s22], $0x2000  }
0x8b: {  	[sflag:s22] =	ssyncset.done $0x0  }
0x8c: {  	s14 =	sadd.s32 $0x5000, s6;
	[sflag:s22] =	ssyncadd.s32 $0xFFFFE000  }
0x8d: {  	[spmem:s3] =	stream.indirect.scatter.add.f32 [tilespmem:s21], [sflag:$0x5], $0x40, s14, s26, $0xb8;
	[tilespmem:$0x1C000] =	vst v63  }
0x8e: {  	_ =	swait.ge [sflag:s23], $0x2000  }
0x8f: {  	[sflag:s23] =	ssyncset.done $0x0  }
0x90: {  	s13 =	sadd.s32 $0x5080, s6;
	[sflag:s23] =	ssyncadd.s32 $0xFFFFE000  }
0x91: {  	[spmem:s3] =	stream.indirect.scatter.add.f32 [tilespmem:s28], [sflag:$0x6], $0x40, s13, s26, $0xb8;
	[tilespmem:$0x1C000] =	vst v63  }
0x92: {  	_ =	swait.ge [sflag:s24], $0x2000  }
0x93: {  	[sflag:s24] =	ssyncset.done $0x0  }
0x94: {  	s14 =	sadd.s32 $0x5100, s6;
	[sflag:s24] =	ssyncadd.s32 $0xFFFFE000  }
0x95: {  	[spmem:s3] =	stream.indirect.scatter.add.f32 [tilespmem:s29], [sflag:$0x7], $0x40, s14, s26, $0xb8;
	[tilespmem:$0x1C000] =	vst v63  }
0x96: {  	_ =	swait.ge [sflag:s25], $0x2000  }
0x97: {  	[sflag:s25] =	ssyncset.done $0x0  }
0x98: {  	s6 =	sadd.s32 $0x5180, s6;
	[sflag:s25] =	ssyncadd.s32 $0xFFFFE000  }
0x99: {  	[spmem:s3] =	stream.indirect.scatter.add.f32 [tilespmem:s30], [sflag:$0x8], $0x40, s6, s26, $0xb8;
	[tilespmem:$0x1C000] =	vst v63  }
0x9a: {  	_ =	swait.ge [sflag:s31], $0x2000  }
0x9b: {  	[sflag:s31] =	ssyncset.done $0x0  }
0x9c: {  	[sflag:s31] =	ssyncadd.s32 $0xFFFFE000  }
0x9d: {  	_ =	swait.ge [sflag:s1], $0x2000  }
0x9e: {  	[sflag:s1] =	ssyncset.done $0x0  }
0x9f: {  	[sflag:s1] =	ssyncadd.s32 $0xFFFFE000  }
0xa0: {  	_ =	swait.ge [sflag:s0], $0x2000  }
0xa1: {  	[sflag:s0] =	ssyncset.done $0x0  }
0xa2: {  	[sflag:s0] =	ssyncadd.s32 $0xFFFFE000  }
0xa3: {  	_ =	swait.ge [sflag:s2], $0x2000  }
0xa4: {  	[sflag:s2] =	ssyncset.done $0x0  }
0xa5: {  	[sflag:s2] =	ssyncadd.s32 $0xFFFFE000  }
0xa6: {  	[bflag:$0x0] =	sbarrier.arrive $0xFFFF  }
0xa7: {  	[tilespmem:s21], [sflag:$0x1] =	stream.linear.gather [spmem:s7], $0x2000, $0x38;
	[tilespmem:$0x1C000] =	vst v63  }
0xa8: {  	_ = 	snop  }
0xa9: {  	[tilespmem:s28], [sflag:$0x2] =	stream.linear.gather [spmem:s9], $0x2000, $0x38;
	[tilespmem:$0x1C000] =	vst v63  }
0xaa: {  	_ = 	snop  }
0xab: {  	[tilespmem:s29], [sflag:$0x3] =	stream.linear.gather [spmem:s10], $0x2000, $0x38;
	[tilespmem:$0x1C000] =	vst v63  }
0xac: {  	_ = 	snop  }
0xad: {  	[tilespmem:s30], [sflag:$0x4] =	stream.linear.gather [spmem:s11], $0x2000, $0x38;
	[tilespmem:$0x1C000] =	vst v63  }
0xae: {  	_ =	swait.ge [sflag:s22], $0x2000  }
0xaf: {  	[sflag:s22] =	ssyncset.done $0x0  }
0xb0: {  	s13 =	rddreg [dreg:$0x6];
	[sflag:s22] =	ssyncadd.s32 $0xFFFFE000  }
0xb1: {  	[hbm4b:s13+s4] =	stream.linear.scatter [tilespmem:s21], [sflag:$0x5], $0x2000, $0x38;
	[tilespmem:$0x1C000] =	vst v63  }
0xb2: {  	_ =	swait.ge [sflag:s23], $0x2000  }
0xb3: {  	[sflag:s23] =	ssyncset.done $0x0  }
0xb4: {  	s14 =	rddreg [dreg:$0x7];
	[sflag:s23] =	ssyncadd.s32 $0xFFFFE000  }
0xb5: {  	[hbm4b:s14+s4] =	stream.linear.scatter [tilespmem:s28], [sflag:$0x6], $0x2000, $0x38;
	[tilespmem:$0x1C000] =	vst v63  }
0xb6: {  	_ =	swait.ge [sflag:s24], $0x2000  }
0xb7: {  	[sflag:s24] =	ssyncset.done $0x0  }
0xb8: {  	[sflag:s24] =	ssyncadd.s32 $0xFFFFE000  }
0xb9: {  	[hbm4b:s15+s4] =	stream.linear.scatter [tilespmem:s29], [sflag:$0x7], $0x2000, $0x38;
	[tilespmem:$0x1C000] =	vst v63  }
0xba: {  	_ =	swait.ge [sflag:s25], $0x2000  }
0xbb: {  	[sflag:s25] =	ssyncset.done $0x0  }
0xbc: {  	[sflag:s25] =	ssyncadd.s32 $0xFFFFE000  }
0xbd: {  	[hbm4b:s16+s4] =	stream.linear.scatter [tilespmem:s30], [sflag:$0x8], $0x2000, $0x38;
	[tilespmem:$0x1C000] =	vst v63  }
0xbe: {  	_ =	swait.ge [sflag:s31], $0x2000  }
0xbf: {  	[sflag:s31] =	ssyncset.done $0x0  }
0xc0: {  	[sflag:s31] =	ssyncadd.s32 $0xFFFFE000  }
0xc1: {  	_ =	swait.ge [sflag:s1], $0x2000  }
0xc2: {  	[sflag:s1] =	ssyncset.done $0x0  }
0xc3: {  	[sflag:s1] =	ssyncadd.s32 $0xFFFFE000  }
0xc4: {  	_ =	swait.ge [sflag:s0], $0x2000  }
0xc5: {  	[sflag:s0] =	ssyncset.done $0x0  }
0xc6: {  	[sflag:s0] =	ssyncadd.s32 $0xFFFFE000  }
0xc7: {  	_ =	swait.ge [sflag:s2], $0x2000  }
0xc8: {  	[sflag:s2] =	ssyncset.done $0x0  }
0xc9: {  	[sflag:s2] =	ssyncadd.s32 $0xFFFFE000  }
0xca: {  	[tilespmem:s21], [sflag:$0x1] =	stream.linear.gather [spmem:s12], $0x2000, $0x38;
	[tilespmem:$0x1C000] =	vst v63  }
0xcb: {  	s20 =	sadd.s32 $0x1, s20;
	_ =	swait.ge [sflag:s22], $0x2000  }
0xcc: {  	p0 =	sne.s32 s20, s18;
	[sflag:s22] =	ssyncset.done $0x0  }
.Ltmp1:
0xcd: {  	[sflag:s22] =	ssyncadd.s32 $0xFFFFE000;
	(pc) =	sbr.rel @p0 .LBB2_1-.Ltmp1, $4  }
0xce: {  	[hbm4b:s17+s4] =	stream.linear.scatter [tilespmem:s21], [sflag:$0x5], $0x2000, $0x38;
	[tilespmem:$0x1C000] =	vst v63  }
0xcf: {  	_ =	swait.ge [sflag:s31], $0x2000  }
0xd0: {  	[sflag:s31] =	ssyncset.done $0x0  }
0xd1: {  	[sflag:s31] =	ssyncadd.s32 $0xFFFFE000  }
0xd2: {  	_ =	sfence.sel $0x180000  }
0xd3: {  	[bflag:$0x0] =	sbarrier.arrive $0xFFFF  }
0xd4: {  	_ =	strace $0x90000050  }
0xd5: {  	s0 =	stileid.u32;
	[bflag:$0x2] =	sbarrier.arrive $0xFFFF  }
0xd6: {  	p0 =	sne.s32 s0, $0x0;
	s0 =	rddreg [dreg:$0x3]  }
0xd7: {  	s0 =	sadd.s32 @!p0 $0x100000, s0  }
0xd8: {  	[sflag:s0] =	ssyncadd.tile.s32 @!p0 $0x1;
	_ =	shalt  }
.Lfunc_end2:
_tile_overlayer_lowered:
.L_overlay_start_2:
0xd9: {  	(tag) =	ssettag $0x2  }
0xda: {  	s0 =	rddreg [dreg:$0x0];
	s2 =	stileid.u32  }
0xdb: {  	s1 =	rddreg [dreg:$0x1];
	p0 =	sne.s32 s2, $0x0  }
0xdc: {  	s3 =	rddreg [dreg:$0x2];
	[bflag:$0x3] =	sbarrier.arrive $0xFFFF;
	s2 =	simm.s32 @!p0 $0x1C09  }
0xdd: {  	[timem:s3], [sflag:s2] =	dma.local @!p0 [hbm:s0], s1  }
0xde: {  	s0 =	simm.s32 @!p0 $0x9  }
0xdf: {  	_ =	swait.ge @!p0 [sflag:s0], s1  }
0xe0: {  	s1 =	ssub.s32 @!p0 $0x0, s1;
	[sflag:s0] =	ssyncset.done @!p0 $0x0  }
0xe1: {  	[sflag:s0] =	ssyncadd.s32 @!p0 s1  }
0xe2: {  	[bflag:$0x3] =	sbarrier.arrive $0xFFFF  }
0xe3: {  	_ =	shalt  }

</sc_bundles>
